<compile_context>
chip_gen: v7x
topology: tpu7x:2x2x1
jax: 0.10.2.dev20260603
libtpu: 0.0.44.dev20260713+nightly
codegen_flags: <defaults>
</compile_context>

<pallas_src>
import jax
import jax.numpy as jnp
from jax import lax
from jax.experimental import pallas as pl
from jax.experimental.pallas import tpu as pltpu

N_NODES = 10000
D_IN = 128
D_H = 64
HEADS = 8
N_OUT = 8
ROW_BLK = 1000


def _prologue1_body(v_ref, fw_ref, fb_ref, Up_ref, cv_ref, Ws_ref,
                    x_ref, pq_ref, self_ref):
    h = v_ref[...] @ fw_ref[...] + fb_ref[...]
    h = jnp.where(h > 0, h, jnp.exp(h) - 1.0)
    x_ref[...] = h
    pq_ref[...] = h @ Up_ref[...] - cv_ref[...]
    self_ref[...] = h @ Ws_ref[...]


def _prologue1(verts, fc0_w, fc0_b, Upad, cvec, Wself):
    grid = (N_NODES // ROW_BLK,)
    return pl.pallas_call(
        _prologue1_body,
        grid=grid,
        in_specs=[
            pl.BlockSpec((ROW_BLK, D_IN), lambda i: (i, 0)),
            pl.BlockSpec((D_IN, D_H), lambda i: (0, 0)),
            pl.BlockSpec((D_H,), lambda i: (0,)),
            pl.BlockSpec((D_H, 16), lambda i: (0, 0)),
            pl.BlockSpec((16,), lambda i: (0,)),
            pl.BlockSpec((D_H, D_H), lambda i: (0, 0)),
        ],
        out_specs=[
            pl.BlockSpec((ROW_BLK, D_H), lambda i: (i, 0)),
            pl.BlockSpec((ROW_BLK, 16), lambda i: (i, 0)),
            pl.BlockSpec((ROW_BLK, D_H), lambda i: (i, 0)),
        ],
        out_shape=[
            jax.ShapeDtypeStruct((N_NODES, D_H), jnp.float32),
            jax.ShapeDtypeStruct((N_NODES, 16), jnp.float32),
            jax.ShapeDtypeStruct((N_NODES, D_H), jnp.float32),
        ],
    )(verts, fc0_w, fc0_b, Upad, cvec, Wself)


def _mid_body(ag_ref, dg_ref, self_ref, b_ref, Up_ref, cv_ref, Ws_ref,
              x_ref, pq_ref, self2_ref):
    x = (ag_ref[...] + self_ref[...]) / (dg_ref[...] + 1.0) + b_ref[...]
    x = jnp.where(x > 0, x, jnp.exp(x) - 1.0)
    x_ref[...] = x
    pq_ref[...] = x @ Up_ref[...] - cv_ref[...]
    self2_ref[...] = x @ Ws_ref[...]


def _mid(agg, deg3, self_msg, b, Upad, cvec, Wself):
    grid = (N_NODES // ROW_BLK,)
    return pl.pallas_call(
        _mid_body,
        grid=grid,
        in_specs=[
            pl.BlockSpec((ROW_BLK, D_H), lambda i: (i, 0)),
            pl.BlockSpec((ROW_BLK, 1), lambda i: (i, 0)),
            pl.BlockSpec((ROW_BLK, D_H), lambda i: (i, 0)),
            pl.BlockSpec((D_H,), lambda i: (0,)),
            pl.BlockSpec((D_H, 16), lambda i: (0, 0)),
            pl.BlockSpec((16,), lambda i: (0,)),
            pl.BlockSpec((D_H, D_H), lambda i: (0, 0)),
        ],
        out_specs=[
            pl.BlockSpec((ROW_BLK, D_H), lambda i: (i, 0)),
            pl.BlockSpec((ROW_BLK, 16), lambda i: (i, 0)),
            pl.BlockSpec((ROW_BLK, D_H), lambda i: (i, 0)),
        ],
        out_shape=[
            jax.ShapeDtypeStruct((N_NODES, D_H), jnp.float32),
            jax.ShapeDtypeStruct((N_NODES, 16), jnp.float32),
            jax.ShapeDtypeStruct((N_NODES, D_H), jnp.float32),
        ],
    )(agg, deg3, self_msg, b, Upad, cvec, Wself)


def _final_body(ag_ref, dg_ref, self_ref, b_ref, lw_ref, lb_ref, out_ref):
    x = (ag_ref[...] + self_ref[...]) / (dg_ref[...] + 1.0) + b_ref[...]
    x = jnp.where(x > 0, x, jnp.exp(x) - 1.0)
    out_ref[...] = jnp.tanh(x @ lw_ref[...] + lb_ref[...])


def _final(agg, deg3, self_msg, b, lin_w, lin_b):
    grid = (N_NODES // ROW_BLK,)
    return pl.pallas_call(
        _final_body,
        grid=grid,
        in_specs=[
            pl.BlockSpec((ROW_BLK, D_H), lambda i: (i, 0)),
            pl.BlockSpec((ROW_BLK, 1), lambda i: (i, 0)),
            pl.BlockSpec((ROW_BLK, D_H), lambda i: (i, 0)),
            pl.BlockSpec((D_H,), lambda i: (0,)),
            pl.BlockSpec((D_H, N_OUT), lambda i: (0, 0)),
            pl.BlockSpec((N_OUT,), lambda i: (0,)),
        ],
        out_specs=pl.BlockSpec((ROW_BLK, N_OUT), lambda i: (i, 0)),
        out_shape=jax.ShapeDtypeStruct((N_NODES, N_OUT), jnp.float32),
    )(agg, deg3, self_msg, b, lin_w, lin_b)


def _edge_phase(x, U, c, W, edges):
    src, dst = edges[0], edges[1]
    mask = (src != dst).astype(jnp.float32)
    xb = x.astype(jnp.bfloat16)
    xj = xb[src]
    xi = xb[dst]
    logits = jnp.matmul(xj - xi, U.astype(jnp.bfloat16),
                        preferred_element_type=jnp.float32) + c
    q = jax.nn.softmax(logits, axis=1)
    q = q * mask[:, None]
    m = jnp.matmul(xj, W.astype(jnp.bfloat16),
                   preferred_element_type=jnp.float32)
    m = m.reshape(-1, HEADS, D_H)
    msg = (m * q[:, :, None]).sum(axis=1)
    agg = jax.ops.segment_sum(msg, dst, num_segments=N_NODES)
    deg = jax.ops.segment_sum(mask, dst, num_segments=N_NODES)
    return agg, deg[:, None]


def _prep_layer(W, U, c):
    Upad = jnp.concatenate([U, U], axis=1)
    cvec = jnp.concatenate([jnp.zeros((HEADS,), jnp.float32), c])
    qs = jax.nn.softmax(c)
    Wself = (W.reshape(D_H, HEADS, D_H) * qs[None, :, None]).sum(axis=1)
    return Upad, cvec, Wself


def kernel(verts, edges, fc0_w, fc0_b, conv1_W, conv1_U, conv1_c, conv1_b,
           conv2_W, conv2_U, conv2_c, conv2_b, lin_w, lin_b):
    Upad1, cvec1, Wself1 = _prep_layer(conv1_W, conv1_U, conv1_c)
    Upad2, cvec2, Wself2 = _prep_layer(conv2_W, conv2_U, conv2_c)

    x0, pq1, self1 = _prologue1(verts, fc0_w, fc0_b, Upad1, cvec1, Wself1)
    agg1, deg1 = _edge_phase(x0, conv1_U, conv1_c, conv1_W, edges)
    x1, pq2, self2 = _mid(agg1, deg1, self1, conv1_b, Upad2, cvec2, Wself2)
    agg2, deg2 = _edge_phase(x1, conv2_U, conv2_c, conv2_W, edges)
    return _final(agg2, deg2, self2, conv2_b, lin_w, lin_b)

# --- scband reference (transcript-rebuilt; emitter-appended) ---
"""Pipeline reference for scband-fea-st-net-44470091382882 (READ-ONLY COPY).

The authoritative reference and input builder live on the scoring server;
editing this copy changes nothing except your own understanding.
"""

import jax, jax.numpy as jnp
import numpy as np

N_NODES = 10000
N_EDGES = 320000
D_IN = 128
D_H = 64
HEADS = 8
N_OUT = 8


def feast_conv(x, edges, W, U, c, b, heads, out_ch):
    # PyG FeaStConv semantics (t_inv=True): remove self-loops, add self-loops, mean aggregation.
    src = edges[0]
    dst = edges[1]
    mask = (src != dst).astype(x.dtype)  # drop pre-existing self loops
    x_i = x[dst]
    x_j = x[src]
    q = jax.nn.softmax((x_j - x_i) @ U + c, axis=1)              # [E, H]
    m = (x_j @ W).reshape(-1, heads, out_ch)                      # [E, H, C]
    msg = (m * q[:, :, None]).sum(axis=1) * mask[:, None]         # [E, C]
    agg = jax.ops.segment_sum(msg, dst, num_segments=x.shape[0])
    deg = jax.ops.segment_sum(mask, dst, num_segments=x.shape[0])
    # added self-loop contribution: x_j - x_i = 0 -> q = softmax(c)
    q_self = jax.nn.softmax(c)                                    # [H]
    m_self = (x @ W).reshape(-1, heads, out_ch)                   # [N, H, C]
    self_msg = (m_self * q_self[None, :, None]).sum(axis=1)       # [N, C]
    out = (agg + self_msg) / (deg + 1.0)[:, None] + b
    return out


def setup_inputs(seed: int = 0):
    key = jax.random.key(seed)
    ks = jax.random.split(key, 16)
    s = 0.1
    inp = {
        'verts': jax.random.normal(ks[0], (N_NODES, D_IN), dtype=jnp.float32),
        'edges': jax.random.randint(ks[1], (2, N_EDGES), 0, N_NODES, dtype=jnp.int32),
        'fc0_w': jax.random.normal(ks[2], (D_IN, D_H), dtype=jnp.float32) * s,
        'fc0_b': jnp.zeros((D_H,), dtype=jnp.float32),
        'conv1_W': jax.random.normal(ks[3], (D_H, HEADS * D_H), dtype=jnp.float32) * s,
        'conv1_U': jax.random.normal(ks[4], (D_H, HEADS), dtype=jnp.float32) * s,
        'conv1_c': jax.random.normal(ks[5], (HEADS,), dtype=jnp.float32) * s,
        'conv1_b': jnp.zeros((D_H,), dtype=jnp.float32),
        'conv2_W': jax.random.normal(ks[6], (D_H, HEADS * D_H), dtype=jnp.float32) * s,
        'conv2_U': jax.random.normal(ks[7], (D_H, HEADS), dtype=jnp.float32) * s,
        'conv2_c': jax.random.normal(ks[8], (HEADS,), dtype=jnp.float32) * s,
        'conv2_b': jnp.zeros((D_H,), dtype=jnp.float32),
        'lin_w': jax.random.normal(ks[9], (D_H, N_OUT), dtype=jnp.float32) * s,
        'lin_b': jnp.zeros((N_OUT,), dtype=jnp.float32),
    }
    return inp


def reference(verts, edges, fc0_w, fc0_b, conv1_W, conv1_U, conv1_c, conv1_b,
              conv2_W, conv2_U, conv2_c, conv2_b, lin_w, lin_b):
    x = verts
    x = jax.nn.elu(x @ fc0_w + fc0_b)
    x = jax.nn.elu(feast_conv(x, edges, conv1_W, conv1_U, conv1_c, conv1_b, HEADS, D_H))
    x = jax.nn.elu(feast_conv(x, edges, conv2_W, conv2_U, conv2_c, conv2_b, HEADS, D_H))
    # linear_list has a single layer (lin_dims[1:] is empty), so no dropout path in eval
    x = x @ lin_w + lin_b
    return jnp.tanh(x)  # outputs_at == 'vertices'

if __name__ == "__main__":
    import jax
    _d = setup_inputs()
    print(jax.jit(kernel)(*tuple(_d.values())))

</pallas_src>

<mosaic_0001>
module attributes {stable_mosaic.version = 14 : i64} {
  func.func @_prologue1_body(%arg0: i32, %arg1: memref<1000x128xf32, #tpu.memory_space<vmem>>, %arg2: memref<128x64xf32, #tpu.memory_space<vmem>>, %arg3: memref<64xf32, #tpu.memory_space<vmem>>, %arg4: memref<64x16xf32, #tpu.memory_space<vmem>>, %arg5: memref<16xf32, #tpu.memory_space<vmem>>, %arg6: memref<64x64xf32, #tpu.memory_space<vmem>>, %arg7: memref<1000x64xf32, #tpu.memory_space<vmem>>, %arg8: memref<1000x16xf32, #tpu.memory_space<vmem>>, %arg9: memref<1000x64xf32, #tpu.memory_space<vmem>>) attributes {dimension_semantics = [#tpu.dimension_semantics<arbitrary>], iteration_bounds = array<i64: 10>, scalar_prefetch = 0 : i64, scratch_operands = 0 : i64, tpu.core_type = #tpu.core_type<tc>, window_params = [{transform_indices = @transform_0, window_bounds = array<i64: 1000, 128>}, {pipeline_mode = #tpu.pipeline_mode<synchronous>, transform_indices = @transform_1, window_bounds = array<i64: 128, 64>}, {pipeline_mode = #tpu.pipeline_mode<synchronous>, transform_indices = @transform_2, window_bounds = array<i64: 64>}, {pipeline_mode = #tpu.pipeline_mode<synchronous>, transform_indices = @transform_3, window_bounds = array<i64: 64, 16>}, {pipeline_mode = #tpu.pipeline_mode<synchronous>, transform_indices = @transform_4, window_bounds = array<i64: 16>}, {pipeline_mode = #tpu.pipeline_mode<synchronous>, transform_indices = @transform_5, window_bounds = array<i64: 64, 64>}, {transform_indices = @transform_6, window_bounds = array<i64: 1000, 64>}, {transform_indices = @transform_7, window_bounds = array<i64: 1000, 16>}, {transform_indices = @transform_8, window_bounds = array<i64: 1000, 64>}]} {
    %get3A = arith.constant 0 : index
    %get3A_0 = arith.constant 0 : index
    %get3A_1 = vector.load %arg1[%get3A, %get3A_0] : memref<1000x128xf32, #tpu.memory_space<vmem>>, vector<1000x128xf32>
    %get3A_2 = arith.constant 0 : index
    %get3A_3 = arith.constant 0 : index
    %get3A_4 = vector.load %arg2[%get3A_2, %get3A_3] : memref<128x64xf32, #tpu.memory_space<vmem>>, vector<128x64xf32>
    %dot_general3A = arith.constant dense<0.000000e+00> : vector<1000x64xf32>
    %dot_general3A_5 = tpu.matmul %get3A_1, %get3A_4, %dot_general3A {dimension_numbers = #tpu.dot_dimension_numbers<[1], [0], [0], [1], [0, 0, 1, 1], [], []>, transpose_lhs_hint = false} : vector<1000x128xf32>, vector<128x64xf32>, vector<1000x64xf32> -> vector<1000x64xf32>
    %get3A_6 = arith.constant 0 : index
    %get3A_7 = vector.load %arg3[%get3A_6] : memref<64xf32, #tpu.memory_space<vmem>>, vector<64xf32>
    %broadcast_in_dim3A = vector.shape_cast %get3A_7 : vector<64xf32> to vector<1x64xf32>
    %add3A = vector.broadcast %broadcast_in_dim3A : vector<1x64xf32> to vector<1000x64xf32>
    %add3A_8 = arith.addf %dot_general3A_5, %add3A : vector<1000x64xf32>
    %gt3A = arith.constant 0.000000e+00 : f32
    %gt3A_9 = vector.broadcast %gt3A : f32 to vector<1000x64xf32>
    %gt3A_10 = arith.cmpf ogt, %add3A_8, %gt3A_9 : vector<1000x64xf32>
    %exp3A = math.exp %add3A_8 : vector<1000x64xf32>
    %sub3A = arith.constant 1.000000e+00 : f32
    %sub3A_11 = vector.broadcast %sub3A : f32 to vector<1000x64xf32>
    %sub3A_12 = arith.subf %exp3A, %sub3A_11 : vector<1000x64xf32>
    %select_n3A = arith.select %gt3A_10, %add3A_8, %sub3A_12 : vector<1000x64xi1>, vector<1000x64xf32>
    %swap3A = arith.constant 0 : index
    %swap3A_13 = arith.constant 0 : index
    %swap3A_14 = vector.load %arg7[%swap3A, %swap3A_13] : memref<1000x64xf32, #tpu.memory_space<vmem>>, vector<1000x64xf32>
    tpu.vector_store %arg7[%swap3A, %swap3A_13], %select_n3A {strides = array<i32>} : memref<1000x64xf32, #tpu.memory_space<vmem>>, vector<1000x64xf32>,
    %get3A_15 = arith.constant 0 : index
    %get3A_16 = arith.constant 0 : index
    %get3A_17 = vector.load %arg4[%get3A_15, %get3A_16] : memref<64x16xf32, #tpu.memory_space<vmem>>, vector<64x16xf32>
    %dot_general3A_18 = arith.constant dense<0.000000e+00> : vector<1000x16xf32>
    %dot_general3A_19 = tpu.matmul %select_n3A, %get3A_17, %dot_general3A_18 {dimension_numbers = #tpu.dot_dimension_numbers<[1], [0], [0], [1], [0, 0, 1, 1], [], []>, transpose_lhs_hint = false} : vector<1000x64xf32>, vector<64x16xf32>, vector<1000x16xf32> -> vector<1000x16xf32>
    %get3A_20 = arith.constant 0 : index
    %get3A_21 = vector.load %arg5[%get3A_20] : memref<16xf32, #tpu.memory_space<vmem>>, vector<16xf32>
    %broadcast_in_dim3A_22 = vector.shape_cast %get3A_21 : vector<16xf32> to vector<1x16xf32>
    %sub3A_23 = vector.broadcast %broadcast_in_dim3A_22 : vector<1x16xf32> to vector<1000x16xf32>
    %sub3A_24 = arith.subf %dot_general3A_19, %sub3A_23 : vector<1000x16xf32>
    %swap3A_25 = arith.constant 0 : index
    %swap3A_26 = arith.constant 0 : index
    %swap3A_27 = vector.load %arg8[%swap3A_25, %swap3A_26] : memref<1000x16xf32, #tpu.memory_space<vmem>>, vector<1000x16xf32>
    tpu.vector_store %arg8[%swap3A_25, %swap3A_26], %sub3A_24 {strides = array<i32>} : memref<1000x16xf32, #tpu.memory_space<vmem>>, vector<1000x16xf32>,
    %get3A_28 = arith.constant 0 : index
    %get3A_29 = arith.constant 0 : index
    %get3A_30 = vector.load %arg6[%get3A_28, %get3A_29] : memref<64x64xf32, #tpu.memory_space<vmem>>, vector<64x64xf32>
    %dot_general3A_31 = arith.constant dense<0.000000e+00> : vector<1000x64xf32>
    %dot_general3A_32 = tpu.matmul %select_n3A, %get3A_30, %dot_general3A_31 {dimension_numbers = #tpu.dot_dimension_numbers<[1], [0], [0], [1], [0, 0, 1, 1], [], []>, transpose_lhs_hint = false} : vector<1000x64xf32>, vector<64x64xf32>, vector<1000x64xf32> -> vector<1000x64xf32>
    %swap3A_33 = arith.constant 0 : index
    %swap3A_34 = arith.constant 0 : index
    %swap3A_35 = vector.load %arg9[%swap3A_33, %swap3A_34] : memref<1000x64xf32, #tpu.memory_space<vmem>>, vector<1000x64xf32>
    tpu.vector_store %arg9[%swap3A_33, %swap3A_34], %dot_general3A_32 {strides = array<i32>} : memref<1000x64xf32, #tpu.memory_space<vmem>>, vector<1000x64xf32>,
    return
  }
  func.func @transform_0(%arg0: i32) -> (i32, i32) {
    %c0_i32 = arith.constant 0 : i32
    %c0_i32_0 = arith.constant 0 : i32
    return %arg0, %c0_i32 : i32, i32
  }
  func.func @transform_1(%arg0: i32) -> (i32, i32) {
    %c0_i32 = arith.constant 0 : i32
    %c0_i32_0 = arith.constant 0 : i32
    %c0_i32_1 = arith.constant 0 : i32
    return %c0_i32, %c0_i32_0 : i32, i32
  }
  func.func @transform_2(%arg0: i32) -> i32 {
    %c0_i32 = arith.constant 0 : i32
    %c0_i32_0 = arith.constant 0 : i32
    return %c0_i32 : i32
  }
  func.func @transform_3(%arg0: i32) -> (i32, i32) {
    %c0_i32 = arith.constant 0 : i32
    %c0_i32_0 = arith.constant 0 : i32
    %c0_i32_1 = arith.constant 0 : i32
    return %c0_i32, %c0_i32_0 : i32, i32
  }
  func.func @transform_4(%arg0: i32) -> i32 {
    %c0_i32 = arith.constant 0 : i32
    %c0_i32_0 = arith.constant 0 : i32
    return %c0_i32 : i32
  }
  func.func @transform_5(%arg0: i32) -> (i32, i32) {
    %c0_i32 = arith.constant 0 : i32
    %c0_i32_0 = arith.constant 0 : i32
    %c0_i32_1 = arith.constant 0 : i32
    return %c0_i32, %c0_i32_0 : i32, i32
  }
  func.func @transform_6(%arg0: i32) -> (i32, i32) {
    %c0_i32 = arith.constant 0 : i32
    %c0_i32_0 = arith.constant 0 : i32
    return %arg0, %c0_i32 : i32, i32
  }
  func.func @transform_7(%arg0: i32) -> (i32, i32) {
    %c0_i32 = arith.constant 0 : i32
    %c0_i32_0 = arith.constant 0 : i32
    return %arg0, %c0_i32 : i32, i32
  }
  func.func @transform_8(%arg0: i32) -> (i32, i32) {
    %c0_i32 = arith.constant 0 : i32
    %c0_i32_0 = arith.constant 0 : i32
    return %arg0, %c0_i32 : i32, i32
  }
}

module attributes {stable_mosaic.version = 14 : i64} {
  func.func @_mid_body(%arg0: i32, %arg1: memref<1000x64xf32, #tpu.memory_space<vmem>>, %arg2: memref<1000x1xf32, #tpu.memory_space<vmem>>, %arg3: memref<1000x64xf32, #tpu.memory_space<vmem>>, %arg4: memref<64xf32, #tpu.memory_space<vmem>>, %arg5: memref<64x16xf32, #tpu.memory_space<vmem>>, %arg6: memref<16xf32, #tpu.memory_space<vmem>>, %arg7: memref<64x64xf32, #tpu.memory_space<vmem>>, %arg8: memref<1000x64xf32, #tpu.memory_space<vmem>>, %arg9: memref<1000x16xf32, #tpu.memory_space<vmem>>, %arg10: memref<1000x64xf32, #tpu.memory_space<vmem>>) attributes {dimension_semantics = [#tpu.dimension_semantics<arbitrary>], iteration_bounds = array<i64: 10>, scalar_prefetch = 0 : i64, scratch_operands = 0 : i64, tpu.core_type = #tpu.core_type<tc>, window_params = [{transform_indices = @transform_0, window_bounds = array<i64: 1000, 64>}, {transform_indices = @transform_1, window_bounds = array<i64: 1000, 1>}, {transform_indices = @transform_2, window_bounds = array<i64: 1000, 64>}, {pipeline_mode = #tpu.pipeline_mode<synchronous>, transform_indices = @transform_3, window_bounds = array<i64: 64>}, {pipeline_mode = #tpu.pipeline_mode<synchronous>, transform_indices = @transform_4, window_bounds = array<i64: 64, 16>}, {pipeline_mode = #tpu.pipeline_mode<synchronous>, transform_indices = @transform_5, window_bounds = array<i64: 16>}, {pipeline_mode = #tpu.pipeline_mode<synchronous>, transform_indices = @transform_6, window_bounds = array<i64: 64, 64>}, {transform_indices = @transform_7, window_bounds = array<i64: 1000, 64>}, {transform_indices = @transform_8, window_bounds = array<i64: 1000, 16>}, {transform_indices = @transform_9, window_bounds = array<i64: 1000, 64>}]} {
    %get3A = arith.constant 0 : index
    %get3A_0 = arith.constant 0 : index
    %get3A_1 = vector.load %arg1[%get3A, %get3A_0] : memref<1000x64xf32, #tpu.memory_space<vmem>>, vector<1000x64xf32>
    %get3A_2 = arith.constant 0 : index
    %get3A_3 = arith.constant 0 : index
    %get3A_4 = vector.load %arg3[%get3A_2, %get3A_3] : memref<1000x64xf32, #tpu.memory_space<vmem>>, vector<1000x64xf32>
    %add3A = arith.addf %get3A_1, %get3A_4 : vector<1000x64xf32>
    %get3A_5 = arith.constant 0 : index
    %get3A_6 = arith.constant 0 : index
    %get3A_7 = vector.load %arg2[%get3A_5, %get3A_6] : memref<1000x1xf32, #tpu.memory_space<vmem>>, vector<1000x1xf32>
    %add3A_8 = arith.constant 1.000000e+00 : f32
    %add3A_9 = vector.broadcast %add3A_8 : f32 to vector<1000x1xf32>
    %add3A_10 = arith.addf %get3A_7, %add3A_9 : vector<1000x1xf32>
    %div3A = vector.broadcast %add3A_10 : vector<1000x1xf32> to vector<1000x64xf32>
    %div3A_11 = arith.divf %add3A, %div3A : vector<1000x64xf32>
    %get3A_12 = arith.constant 0 : index
    %get3A_13 = vector.load %arg4[%get3A_12] : memref<64xf32, #tpu.memory_space<vmem>>, vector<64xf32>
    %broadcast_in_dim3A = vector.shape_cast %get3A_13 : vector<64xf32> to vector<1x64xf32>
    %add3A_14 = vector.broadcast %broadcast_in_dim3A : vector<1x64xf32> to vector<1000x64xf32>
    %add3A_15 = arith.addf %div3A_11, %add3A_14 : vector<1000x64xf32>
    %gt3A = arith.constant 0.000000e+00 : f32
    %gt3A_16 = vector.broadcast %gt3A : f32 to vector<1000x64xf32>
    %gt3A_17 = arith.cmpf ogt, %add3A_15, %gt3A_16 : vector<1000x64xf32>
    %exp3A = math.exp %add3A_15 : vector<1000x64xf32>
    %sub3A = arith.constant 1.000000e+00 : f32
    %sub3A_18 = vector.broadcast %sub3A : f32 to vector<1000x64xf32>
    %sub3A_19 = arith.subf %exp3A, %sub3A_18 : vector<1000x64xf32>
    %select_n3A = arith.select %gt3A_17, %add3A_15, %sub3A_19 : vector<1000x64xi1>, vector<1000x64xf32>
    %swap3A = arith.constant 0 : index
    %swap3A_20 = arith.constant 0 : index
    %swap3A_21 = vector.load %arg8[%swap3A, %swap3A_20] : memref<1000x64xf32, #tpu.memory_space<vmem>>, vector<1000x64xf32>
    tpu.vector_store %arg8[%swap3A, %swap3A_20], %select_n3A {strides = array<i32>} : memref<1000x64xf32, #tpu.memory_space<vmem>>, vector<1000x64xf32>,
    %get3A_22 = arith.constant 0 : index
    %get3A_23 = arith.constant 0 : index
    %get3A_24 = vector.load %arg5[%get3A_22, %get3A_23] : memref<64x16xf32, #tpu.memory_space<vmem>>, vector<64x16xf32>
    %dot_general3A = arith.constant dense<0.000000e+00> : vector<1000x16xf32>
    %dot_general3A_25 = tpu.matmul %select_n3A, %get3A_24, %dot_general3A {dimension_numbers = #tpu.dot_dimension_numbers<[1], [0], [0], [1], [0, 0, 1, 1], [], []>, transpose_lhs_hint = false} : vector<1000x64xf32>, vector<64x16xf32>, vector<1000x16xf32> -> vector<1000x16xf32>
    %get3A_26 = arith.constant 0 : index
    %get3A_27 = vector.load %arg6[%get3A_26] : memref<16xf32, #tpu.memory_space<vmem>>, vector<16xf32>
    %broadcast_in_dim3A_28 = vector.shape_cast %get3A_27 : vector<16xf32> to vector<1x16xf32>
    %sub3A_29 = vector.broadcast %broadcast_in_dim3A_28 : vector<1x16xf32> to vector<1000x16xf32>
    %sub3A_30 = arith.subf %dot_general3A_25, %sub3A_29 : vector<1000x16xf32>
    %swap3A_31 = arith.constant 0 : index
    %swap3A_32 = arith.constant 0 : index
    %swap3A_33 = vector.load %arg9[%swap3A_31, %swap3A_32] : memref<1000x16xf32, #tpu.memory_space<vmem>>, vector<1000x16xf32>
    tpu.vector_store %arg9[%swap3A_31, %swap3A_32], %sub3A_30 {strides = array<i32>} : memref<1000x16xf32, #tpu.memory_space<vmem>>, vector<1000x16xf32>,
    %get3A_34 = arith.constant 0 : index
    %get3A_35 = arith.constant 0 : index
    %get3A_36 = vector.load %arg7[%get3A_34, %get3A_35] : memref<64x64xf32, #tpu.memory_space<vmem>>, vector<64x64xf32>
    %dot_general3A_37 = arith.constant dense<0.000000e+00> : vector<1000x64xf32>
    %dot_general3A_38 = tpu.matmul %select_n3A, %get3A_36, %dot_general3A_37 {dimension_numbers = #tpu.dot_dimension_numbers<[1], [0], [0], [1], [0, 0, 1, 1], [], []>, transpose_lhs_hint = false} : vector<1000x64xf32>, vector<64x64xf32>, vector<1000x64xf32> -> vector<1000x64xf32>
    %swap3A_39 = arith.constant 0 : index
    %swap3A_40 = arith.constant 0 : index
    %swap3A_41 = vector.load %arg10[%swap3A_39, %swap3A_40] : memref<1000x64xf32, #tpu.memory_space<vmem>>, vector<1000x64xf32>
    tpu.vector_store %arg10[%swap3A_39, %swap3A_40], %dot_general3A_38 {strides = array<i32>} : memref<1000x64xf32, #tpu.memory_space<vmem>>, vector<1000x64xf32>,
    return
  }
  func.func @transform_0(%arg0: i32) -> (i32, i32) {
    %c0_i32 = arith.constant 0 : i32
    %c0_i32_0 = arith.constant 0 : i32
    return %arg0, %c0_i32 : i32, i32
  }
  func.func @transform_1(%arg0: i32) -> (i32, i32) {
    %c0_i32 = arith.constant 0 : i32
    %c0_i32_0 = arith.constant 0 : i32
    return %arg0, %c0_i32 : i32, i32
  }
  func.func @transform_2(%arg0: i32) -> (i32, i32) {
    %c0_i32 = arith.constant 0 : i32
    %c0_i32_0 = arith.constant 0 : i32
    return %arg0, %c0_i32 : i32, i32
  }
  func.func @transform_3(%arg0: i32) -> i32 {
    %c0_i32 = arith.constant 0 : i32
    %c0_i32_0 = arith.constant 0 : i32
    return %c0_i32 : i32
  }
  func.func @transform_4(%arg0: i32) -> (i32, i32) {
    %c0_i32 = arith.constant 0 : i32
    %c0_i32_0 = arith.constant 0 : i32
    %c0_i32_1 = arith.constant 0 : i32
    return %c0_i32, %c0_i32_0 : i32, i32
  }
  func.func @transform_5(%arg0: i32) -> i32 {
    %c0_i32 = arith.constant 0 : i32
    %c0_i32_0 = arith.constant 0 : i32
    return %c0_i32 : i32
  }
  func.func @transform_6(%arg0: i32) -> (i32, i32) {
    %c0_i32 = arith.constant 0 : i32
    %c0_i32_0 = arith.constant 0 : i32
    %c0_i32_1 = arith.constant 0 : i32
    return %c0_i32, %c0_i32_0 : i32, i32
  }
  func.func @transform_7(%arg0: i32) -> (i32, i32) {
    %c0_i32 = arith.constant 0 : i32
    %c0_i32_0 = arith.constant 0 : i32
    return %arg0, %c0_i32 : i32, i32
  }
  func.func @transform_8(%arg0: i32) -> (i32, i32) {
    %c0_i32 = arith.constant 0 : i32
    %c0_i32_0 = arith.constant 0 : i32
    return %arg0, %c0_i32 : i32, i32
  }
  func.func @transform_9(%arg0: i32) -> (i32, i32) {
    %c0_i32 = arith.constant 0 : i32
    %c0_i32_0 = arith.constant 0 : i32
    return %arg0, %c0_i32 : i32, i32
  }
}

module attributes {stable_mosaic.version = 14 : i64} {
  func.func @_final_body(%arg0: i32, %arg1: memref<1000x64xf32, #tpu.memory_space<vmem>>, %arg2: memref<1000x1xf32, #tpu.memory_space<vmem>>, %arg3: memref<1000x64xf32, #tpu.memory_space<vmem>>, %arg4: memref<64xf32, #tpu.memory_space<vmem>>, %arg5: memref<64x8xf32, #tpu.memory_space<vmem>>, %arg6: memref<8xf32, #tpu.memory_space<vmem>>, %arg7: memref<1000x8xf32, #tpu.memory_space<vmem>>) attributes {dimension_semantics = [#tpu.dimension_semantics<arbitrary>], iteration_bounds = array<i64: 10>, scalar_prefetch = 0 : i64, scratch_operands = 0 : i64, tpu.core_type = #tpu.core_type<tc>, window_params = [{transform_indices = @transform_0, window_bounds = array<i64: 1000, 64>}, {transform_indices = @transform_1, window_bounds = array<i64: 1000, 1>}, {transform_indices = @transform_2, window_bounds = array<i64: 1000, 64>}, {pipeline_mode = #tpu.pipeline_mode<synchronous>, transform_indices = @transform_3, window_bounds = array<i64: 64>}, {pipeline_mode = #tpu.pipeline_mode<synchronous>, transform_indices = @transform_4, window_bounds = array<i64: 64, 8>}, {pipeline_mode = #tpu.pipeline_mode<synchronous>, transform_indices = @transform_5, window_bounds = array<i64: 8>}, {transform_indices = @transform_6, window_bounds = array<i64: 1000, 8>}]} {
    %get3A = arith.constant 0 : index
    %get3A_0 = arith.constant 0 : index
    %get3A_1 = vector.load %arg1[%get3A, %get3A_0] : memref<1000x64xf32, #tpu.memory_space<vmem>>, vector<1000x64xf32>
    %get3A_2 = arith.constant 0 : index
    %get3A_3 = arith.constant 0 : index
    %get3A_4 = vector.load %arg3[%get3A_2, %get3A_3] : memref<1000x64xf32, #tpu.memory_space<vmem>>, vector<1000x64xf32>
    %add3A = arith.addf %get3A_1, %get3A_4 : vector<1000x64xf32>
    %get3A_5 = arith.constant 0 : index
    %get3A_6 = arith.constant 0 : index
    %get3A_7 = vector.load %arg2[%get3A_5, %get3A_6] : memref<1000x1xf32, #tpu.memory_space<vmem>>, vector<1000x1xf32>
    %add3A_8 = arith.constant 1.000000e+00 : f32
    %add3A_9 = vector.broadcast %add3A_8 : f32 to vector<1000x1xf32>
    %add3A_10 = arith.addf %get3A_7, %add3A_9 : vector<1000x1xf32>
    %div3A = vector.broadcast %add3A_10 : vector<1000x1xf32> to vector<1000x64xf32>
    %div3A_11 = arith.divf %add3A, %div3A : vector<1000x64xf32>
    %get3A_12 = arith.constant 0 : index
    %get3A_13 = vector.load %arg4[%get3A_12] : memref<64xf32, #tpu.memory_space<vmem>>, vector<64xf32>
    %broadcast_in_dim3A = vector.shape_cast %get3A_13 : vector<64xf32> to vector<1x64xf32>
    %add3A_14 = vector.broadcast %broadcast_in_dim3A : vector<1x64xf32> to vector<1000x64xf32>
    %add3A_15 = arith.addf %div3A_11, %add3A_14 : vector<1000x64xf32>
    %gt3A = arith.constant 0.000000e+00 : f32
    %gt3A_16 = vector.broadcast %gt3A : f32 to vector<1000x64xf32>
    %gt3A_17 = arith.cmpf ogt, %add3A_15, %gt3A_16 : vector<1000x64xf32>
    %exp3A = math.exp %add3A_15 : vector<1000x64xf32>
    %sub3A = arith.constant 1.000000e+00 : f32
    %sub3A_18 = vector.broadcast %sub3A : f32 to vector<1000x64xf32>
    %sub3A_19 = arith.subf %exp3A, %sub3A_18 : vector<1000x64xf32>
    %select_n3A = arith.select %gt3A_17, %add3A_15, %sub3A_19 : vector<1000x64xi1>, vector<1000x64xf32>
    %get3A_20 = arith.constant 0 : index
    %get3A_21 = arith.constant 0 : index
    %get3A_22 = vector.load %arg5[%get3A_20, %get3A_21] : memref<64x8xf32, #tpu.memory_space<vmem>>, vector<64x8xf32>
    %dot_general3A = arith.constant dense<0.000000e+00> : vector<1000x8xf32>
    %dot_general3A_23 = tpu.matmul %select_n3A, %get3A_22, %dot_general3A {dimension_numbers = #tpu.dot_dimension_numbers<[1], [0], [0], [1], [0, 0, 1, 1], [], []>, transpose_lhs_hint = false} : vector<1000x64xf32>, vector<64x8xf32>, vector<1000x8xf32> -> vector<1000x8xf32>
    %get3A_24 = arith.constant 0 : index
    %get3A_25 = vector.load %arg6[%get3A_24] : memref<8xf32, #tpu.memory_space<vmem>>, vector<8xf32>
    %broadcast_in_dim3A_26 = vector.shape_cast %get3A_25 : vector<8xf32> to vector<1x8xf32>
    %add3A_27 = vector.broadcast %broadcast_in_dim3A_26 : vector<1x8xf32> to vector<1000x8xf32>
    %add3A_28 = arith.addf %dot_general3A_23, %add3A_27 : vector<1000x8xf32>
    %tanh3A = math.tanh %add3A_28 : vector<1000x8xf32>
    %swap3A = arith.constant 0 : index
    %swap3A_29 = arith.constant 0 : index
    %swap3A_30 = vector.load %arg7[%swap3A, %swap3A_29] : memref<1000x8xf32, #tpu.memory_space<vmem>>, vector<1000x8xf32>
    tpu.vector_store %arg7[%swap3A, %swap3A_29], %tanh3A {strides = array<i32>} : memref<1000x8xf32, #tpu.memory_space<vmem>>, vector<1000x8xf32>,
    return
  }
  func.func @transform_0(%arg0: i32) -> (i32, i32) {
    %c0_i32 = arith.constant 0 : i32
    %c0_i32_0 = arith.constant 0 : i32
    return %arg0, %c0_i32 : i32, i32
  }
  func.func @transform_1(%arg0: i32) -> (i32, i32) {
    %c0_i32 = arith.constant 0 : i32
    %c0_i32_0 = arith.constant 0 : i32
    return %arg0, %c0_i32 : i32, i32
  }
  func.func @transform_2(%arg0: i32) -> (i32, i32) {
    %c0_i32 = arith.constant 0 : i32
    %c0_i32_0 = arith.constant 0 : i32
    return %arg0, %c0_i32 : i32, i32
  }
  func.func @transform_3(%arg0: i32) -> i32 {
    %c0_i32 = arith.constant 0 : i32
    %c0_i32_0 = arith.constant 0 : i32
    return %c0_i32 : i32
  }
  func.func @transform_4(%arg0: i32) -> (i32, i32) {
    %c0_i32 = arith.constant 0 : i32
    %c0_i32_0 = arith.constant 0 : i32
    %c0_i32_1 = arith.constant 0 : i32
    return %c0_i32, %c0_i32_0 : i32, i32
  }
  func.func @transform_5(%arg0: i32) -> i32 {
    %c0_i32 = arith.constant 0 : i32
    %c0_i32_0 = arith.constant 0 : i32
    return %c0_i32 : i32
  }
  func.func @transform_6(%arg0: i32) -> (i32, i32) {
    %c0_i32 = arith.constant 0 : i32
    %c0_i32_0 = arith.constant 0 : i32
    return %arg0, %c0_i32 : i32, i32
  }
}

</mosaic_0001>

<sc_bundles>
// kernel: scatter_offload_async_start.1
scs
__scs_entry_jumppad:
0x0: {  	(pc) =	sbr.rel $0x88, $3  }
0x1: {  	(tag) =	ssettag $0x0;
	lr =	simm.s32 $0x1  }
0x2: {  	[smem:$0x3F93] =	sst lr;
	_ =	strace $0xD0000000  }
0x3: {  	_ = 	snop  }
0x4: {  	_ = 	snop  }
0x5: {  	_ = 	snop  }
0x6: {  	_ = 	snop  }
0x7: {  	_ = 	snop  }
__scs_overlays_trampoline_lowered:
0x8: {  	[smem:$0x3FA2] =	sst s0  }
0x9: {  	[smem:$0x3FA3] =	sst s1  }
0xa: {  	[smem:$0x3FA4] =	sst s2  }
0xb: {  	[smem:$0x3FA5] =	sst s3  }
0xc: {  	[smem:$0x3FA6] =	sst s4  }
0xd: {  	[smem:$0x3FA7] =	sst s5  }
0xe: {  	[smem:$0x3FA8] =	sst s6  }
0xf: {  	[smem:$0x3FA9] =	sst s7  }
0x10: {  	[smem:$0x3FAA] =	sst s8  }
0x11: {  	[smem:$0x3FAB] =	sst s9;
	s0 =	simm.s32 @!p0 $0x0  }
0x12: {  	s1 =	sld [smem:$0x3F91];
	s0 =	simm.s32 @p0 $0x1  }
0x13: {  	[smem:$0x3FAC] =	sst s0;
	s0 =	simm.s32 @!p1 $0x0  }
0x14: {  	s2 =	sld [smem:$0x3F90];
	s0 =	simm.s32 @p1 $0x1  }
0x15: {  	[smem:$0x3FAD] =	sst s0;
	s0 =	simm.s32 @!p2 $0x0  }
0x16: {  	s3 =	sld [smem:$0x3FDB];
	s0 =	simm.s32 @p2 $0x1  }
0x17: {  	s4 =	simm.s32 $0x1BF5;
	[smem:$0x3FAF] =	sst s0  }
0x18: {  	s0 =	sld [smem:$0x3F92];
	_ =	swait.ge [sflag:s4], $0x0  }
0x19: {  	s7 =	sld [smem:$0x3F93]  }
0x1a: {  	s8 =	sadd.s32 $0xFFFFE003, lr  }
0x1b: {  	s9 =	sadd.s32 $0xFFFFFEF7, lr;
	s5 =	simm.s32 $0xFFFFFFFF;
	p2 =	slt.u32 s8, $0xFFFFF086  }
0x1c: {  	p1 =	slt.u32 s9, $0xF7A;
	s5 =	simm.s32 @!p2 $0x0  }
0x1d: {  	s5 =	simm.s32 @p1 $0x1;
	p0 =	seq.s32 s7, s2  }
0x1e: {  	s7 =	smul.u32 @!p0 $0xF7A, s2;
	p2 =	seq.s32 @!p0 s5, $0x0  }
0x1f: {  	s9 =	smul.u32 $0xF7A, s1;
	s8 =	simm.s32 @!p0 $0x1BF5;
	p2 =	por !p2, p0  }
0x20: {  	[sflag:s8] =	ssyncset.s32 @!p0 $0xFFFFF086;
	s6 =	sadd.s32 @!p0 s3, s7;
	s7 =	simm.s32 @!p0 $0x108  }
0x21: {  	s3 =	sadd.s32 s3, s9;
	s6 =	sadd.s32 @!p0 $0x88, s6;
	s7 =	simm.s32 @p2 $0x1082  }
0x22: {  	[simem:s7], [sflag:s8] =	dma.local @!p0 [hbm:s6], $0xF7A  }
0x23: {  	s9 =	sor.u32 $0xD0000000, s2;
	s6 =	simm.s32 $0x108;
	_ =	swait.ge @!p0 [sflag:s8], $0x0  }
0x24: {  	s3 =	sadd.s32 $0x88, s3;
	s6 =	simm.s32 @!p1 $0x1082;
	[sflag:s4] =	ssyncset.s32 $0xFFFFF086  }
0x25: {  	[simem:s6], [sflag:s4] =	dma.local [hbm:s3], $0xF7A  }
0x26: {  	[smem:$0x3F93] =	sst s1;
	(tag) =	ssettag s2;
	_ =	strace s9  }
0x27: {  	s1 =	sld [smem:$0x3FA3]  }
0x28: {  	s2 =	sld [smem:$0x3FA4]  }
0x29: {  	s4 =	sld [smem:$0x3FA6]  }
0x2a: {  	p0 =	seq.s32 s5, $0x0;
	s5 =	sld [smem:$0x3FA7]  }
0x2b: {  	s6 =	sld [smem:$0x3FA8]  }
0x2c: {  	s7 =	sld [smem:$0x3FA9]  }
0x2d: {  	s3 =	simm.s32 $0x108;
	s8 =	sld [smem:$0x3FAA]  }
0x2e: {  	s3 =	simm.s32 @!p0 $0x1082;
	s9 =	sld [smem:$0x3FAB]  }
0x2f: {  	lr =	sadd.s32 s0, s3;
	s0 =	sld [smem:$0x3FA2]  }
0x30: {  	s3 =	sld [smem:$0x3FA5]  }
0x31: {  	[smem:$0x3FAE] =	sst s10  }
0x32: {  	s10 =	sld [smem:$0x3FAC];
	_ =	sdelay $0x3  }
0x33: {  	p0 =	seq.s32 s10, $0x1;
	s10 =	sld [smem:$0x3FAE];
	_ =	sdelay $0x3  }
0x34: {  	[smem:$0x3FAE] =	sst s10  }
0x35: {  	s10 =	sld [smem:$0x3FAD];
	_ =	sdelay $0x3  }
0x36: {  	p1 =	seq.s32 s10, $0x1;
	s10 =	sld [smem:$0x3FAE];
	_ =	sdelay $0x3  }
0x37: {  	[smem:$0x3FAE] =	sst s10  }
0x38: {  	s10 =	sld [smem:$0x3FAF]  }
0x39: {  	_ = 	snop;
	(pc) =	sbr.ind lr, $3  }
0x3a: {  	_ = 	snop  }
0x3b: {  	_ = 	snop  }
0x3c: {  	p2 =	seq.s32 s10, $0x1;
	s10 =	sld [smem:$0x3FAE]  }
0x3d: {  	_ =	shalt  }
0x3e: {  	_ =	shalt  }
0x3f: {  	_ =	shalt  }
0x40: {  	_ =	shalt  }
0x41: {  	_ =	shalt  }
0x42: {  	_ =	shalt  }
0x43: {  	_ =	shalt  }
0x44: {  	_ =	shalt  }
0x45: {  	_ =	shalt  }
0x46: {  	_ =	shalt  }
0x47: {  	_ =	shalt  }
0x48: {  	_ =	shalt  }
0x49: {  	_ =	shalt  }
0x4a: {  	_ =	shalt  }
0x4b: {  	_ =	shalt  }
0x4c: {  	_ =	shalt  }
0x4d: {  	_ =	shalt  }
0x4e: {  	_ =	shalt  }
0x4f: {  	_ =	shalt  }
0x50: {  	_ =	shalt  }
0x51: {  	_ =	shalt  }
0x52: {  	_ =	shalt  }
0x53: {  	_ =	shalt  }
0x54: {  	_ =	shalt  }
0x55: {  	_ =	shalt  }
0x56: {  	_ =	shalt  }
0x57: {  	_ =	shalt  }
0x58: {  	_ =	shalt  }
0x59: {  	_ =	shalt  }
0x5a: {  	_ =	shalt  }
0x5b: {  	_ =	shalt  }
0x5c: {  	_ =	shalt  }
0x5d: {  	_ =	shalt  }
0x5e: {  	_ =	shalt  }
0x5f: {  	_ =	shalt  }
0x60: {  	_ =	shalt  }
0x61: {  	_ =	shalt  }
0x62: {  	_ =	shalt  }
0x63: {  	_ =	shalt  }
0x64: {  	_ =	shalt  }
0x65: {  	_ =	shalt  }
0x66: {  	_ =	shalt  }
0x67: {  	_ =	shalt  }
0x68: {  	_ =	shalt  }
0x69: {  	_ =	shalt  }
0x6a: {  	_ =	shalt  }
0x6b: {  	_ =	shalt  }
0x6c: {  	_ =	shalt  }
0x6d: {  	_ =	shalt  }
0x6e: {  	_ =	shalt  }
0x6f: {  	_ =	shalt  }
0x70: {  	_ =	shalt  }
0x71: {  	_ =	shalt  }
0x72: {  	_ =	shalt  }
0x73: {  	_ =	shalt  }
0x74: {  	_ =	shalt  }
0x75: {  	_ =	shalt  }
0x76: {  	_ =	shalt  }
0x77: {  	_ =	shalt  }
0x78: {  	_ =	shalt  }
0x79: {  	_ =	shalt  }
0x7a: {  	_ =	shalt  }
0x7b: {  	_ =	shalt  }
0x7c: {  	_ =	shalt  }
0x7d: {  	_ =	shalt  }
0x7e: {  	_ =	shalt  }
0x7f: {  	_ =	shalt  }
0x80: {  	_ =	shalt  }
0x81: {  	_ =	shalt  }
0x82: {  	_ =	shalt  }
0x83: {  	_ =	shalt  }
0x84: {  	_ =	shalt  }
0x85: {  	_ =	shalt  }
0x86: {  	_ =	shalt  }
0x87: {  	_ =	shalt  }
.Lfunc_end0:
.L_simem_size_0:
called_computation.1_lowered:
.L_overlay_start_0:
0x88: {  	s0 =	sld [smem:$0x3FD9]  }
0x89: {  	s1 =	sld [smem:$0x3FFE];
	_ =	sdelay $0x3  }
0x8a: {  	s0 =	sadd.s32 s1, s0  }
0x8b: {  	[smem:$0x3FBA] =	sst s0  }
0x8c: {  	_ = 	snop  }
0x8d: {  	s0 =	sld [smem:$0x3FD0];
	(tm) =	ssettm $0x1  }
0x8e: {  	s16 =	sld [smem:$0x3FFB];
	_ =	sdelay $0x3  }
0x8f: {  	_ =	strace s16  }
0x90: {  	s1 =	sld [smem:$0x3FFC];
	_ =	sdelay $0x3  }
0x91: {  	_ =	strace s1  }
0x92: {  	s1 =	sld [smem:$0x3FFD];
	_ =	sdelay $0x3  }
0x93: {  	_ =	strace s1  }
0x94: {  	_ =	strace $0x8FFFFFFF  }
0x95: {  	s17 =	sld [smem:$0x3FDB];
	_ =	sdelay $0x1  }
0x96: {  	s2 =	simm.s32 $_scs_section_size  }
0x97: {  	s3 =	simm.s32 $_size__tile_overlayer_lowered;
	s4 =	simm.s32 $_tile_overlayer_lowered  }
0x98: {  	s20 =	simm.s32 $0x1BFF;
	s19 =	sshll.u32 s4, $0x1;
	s1 =	sadd.s32 s2, s17  }
0x99: {  	s5 =	simm.s32 $0x0;
	s18 =	sshll.u32 s3, $0x1;
	s3 =	sadd.s32 s19, s1  }
0x9a: {  	[timem:s5], [sflag:s20] =	dma.local [hbm:s3], s18  }
0x9b: {  	_ =	swait.ge [sflag:s20], s18  }
0x9c: {  	s2 =	ssub.s32 $0x0, s18;
	[sflag:s20] =	ssyncset.done $0x0  }
0x9d: {  	[sflag:s20] =	ssyncadd.s32 s2;
	_ =	sdelay $0x1  }
0x9e: {  	s21 =	simm.s32 $0x1B8B  }
0x9f: {  	_ =	swait.ge [sflag:s21], $0x1  }
0xa0: {  	[sflag:s21] =	ssyncset.done $0x0  }
0xa1: {  	s23 =	simm.s32 $0x1B8E;
	s22 =	sld [smem:$0x3FFE];
	[sflag:s21] =	ssyncadd.s32 $0xFFFFFFFF  }
0xa2: {  	s24 =	simm.s32 $execute0_lowered;
	[smem:$0x3FD2] =	sst s23  }
0xa3: {  	s3 =	sshll.u32 s24, $0x1;
	_ =	strace $0x80000049;
	[dreg:$0x1] =	wrdreg $0xFFFFFFFF  }
0xa4: {  	s25 =	simm.s32 $_size_execute0_lowered;
	s1 =	sadd.s32 s1, s3;
	[dreg:$0x0] =	wrdreg $0x0  }
0xa5: {  	s3 =	sshll.u32 s25, $0x1;
	[dreg:$0x2] =	wrdreg s1  }
0xa6: {  	[dreg:$0x3] =	wrdreg s3  }
0xa7: {  	[dreg:$0x4] =	wrdreg $0xC0  }
0xa8: {  	_ =	task [dreg:s5], $0x5FFFF  }
0xa9: {  	[dreg:$0x1] =	wrdreg $0xFFFFFFFF  }
0xaa: {  	[dreg:$0x0] =	wrdreg $0x60  }
0xab: {  	[dreg:$0x2] =	wrdreg s0  }
0xac: {  	[dreg:$0x3] =	wrdreg s22  }
0xad: {  	[dreg:$0x4] =	wrdreg $0x9  }
0xae: {  	_ =	task.clear_ibuf [dreg:s5], $0x5FFFF;
	_ =	strace $0x90000049  }
0xaf: {  	s26 =	simm.s32 $0x9;
	_ =	strace $0x8000004B  }
0xb0: {  	_ =	swait.ge [sflag:s26], $0x1  }
0xb1: {  	[sflag:s26] =	ssyncadd.s32 $0xFFFFFFFF  }
0xb2: {  	_ =	strace $0x9000004B  }
0xb3: {  	_ =	sfence  }
0xb4: {  	s28 =	sld [smem:$0x0];
	_ =	sdelay $0x1  }
0xb5: {  	s29 =	srdreg.scid  }
0xb6: {  	s30 =	sshll.u32 s29, $0xD;
	s31 =	sshrl.u32 s29, $0x2  }
0xb7: {  	s2 =	sand.u32 $0x4000, s30;
	s1 =	sand.u32 $0x1, s29;
	s0 =	sadd.s32 s31, s28  }
0xb8: {  	s1 =	sor.u32 s2, s1;
	s0 =	sshll.u32 s0, $0x11  }
0xb9: {  	s0 =	sor.u32 s0, s1  }
0xba: {  	s0 =	sadd.s32 $0x8F2B, s0  }
0xbb: {  	[sflag:s0] =	ssyncadd.remote.s32 $0x1  }
0xbc: {  	_ =	sfence.sel $0xFFFF  }
0xbd: {  	[dreg:$0x0] =	wrdreg $0xFFFFFFFF;
	(pc) =	sbr.abs _section_cstart, $3  }
0xbe: {  	[dreg:$0x1] =	wrdreg $0xFFFFFFFF  }
0xbf: {  	_ =	task.clear_ibuf [dreg:s5], $0x2FFFF;
	_ =	strace $0x9FFFFFFF  }
0xc0: {  	(tm) =	ssettm $0x7FFFFFFF  }
0xc1: {  	_ =	shalt  }
tec
execute0_lowered:
.L_overlay_start_1:
0x0: {  	(tag) =	ssettag $0x1  }
0x1: {  	s1 =	rddreg [dreg:$0x0]  }
0x2: {  	s0 =	rddreg [dreg:$0x1];
	_ =	strace $0x8000004A;
	s15 =	stileid.u32  }
0x3: {  	s2 =	simm.s32 $0x1;
	s4 =	smin.u32 s15, $0x8;
	s3 =	sshll.u32 s15, $0x1  }
0x4: {  	v1 =	vimm.s32 $0xFFFFFFFF;
	[sflag:s2] =	ssyncpa.u1 $0x0;
	s4 =	sadd.s32 s4, s3  }
0x5: {  	s5 =	simm.s32 $0x5DC0;
	p0 =	slt.u32 s15, $0x8;
	[tilespmem:$0x10] =	vst v1;
	s4 =	smul.u32 $0x1F40, s4  }
0x6: {  	v0 =	vimm.f32 $0.0e+00;
	[tilespmem:$0x20] =	vst v1;
	s5 =	simm.s32 @!p0 $0x3E80  }
0x7: {  	[tilespmem:$0x30] =	vst v0;
	s5 =	sadd.s32 s5, s4  }
0x8: {  	[tilespmem:$0x40] =	vst v0;
	s5 =	smin.u32 s5, $0x4E200  }
0x9: {  	s7 =	simm.s32 $0x2;
	[tilespmem:$0x50] =	vst v0;
	s9 =	ssub.s32 s5, s4  }
0xa: {  	s8 =	simm.s32 $0x8;
	s31 =	simm.s32 $0x9;
	[tilespmem:$0x60] =	vst v1;
	p0 =	sgt.s32 s9, $0x0  }
0xb: {  	s16 =	simm.s32 $0x0;
	s17 =	simm.s32 $0xF0;
	[tilespmem:$0x70] =	vst v1;
	s9 =	simm.s32 @!p0 $0x0  }
0xc: {  	s18 =	simm.s32 $0xFFFFFFFF;
	s19 =	simm.s32 $0xFFFFC280;
	[tilespmem:$0x80] =	vst v1;
	s6 =	smulhi.u32 $0x10624DD3, s9  }
0xd: {  	s20 =	simm.s32 $0xFFFFFFFE;
	s21 =	simm.s32 $0xF;
	s25 =	simm.s32 $0x0;
	v1 =	vimm.s32 $0x0;
	[tilespmem:$0xB0] =	vst v0  }
0xe: {  	s24 =	simm.s32 $0x0;
	s15 =	sshllo.u32 s15, $0x1;
	[tilespmem:$0x90] =	vst v1;
	s10 =	sshrl.u32 s6, $0x9  }
0xf: {  	[tilespmem:$0xA0] =	vst v1;
	[sflag:s7] =	ssyncpa.u1 $0x0;
	s7 =	simm.s32 $0x7;
	s11 =	smul.u32 $0x1F40, s10  }
.Ltmp0:
0x10: {  	s13 =	sor.u32 $0x80, s3;
	[sflag:s7] =	ssyncpa.u1 $0x0;
	(pc) =	sbr.rel .LBB2_1-.Ltmp0, $4  }
0x11: {  	s14 =	sor.u32 $0x81, s3;
	[sflag:s8] =	ssyncpa.u1 $0x0;
	p0 =	sne.s32 s9, s11  }
0x12: {  	s23 =	smov.u32 s4;
	[sflag:s31] =	ssyncpa.u1 $0x0;
	s2 =	simm.s32 @!p0 $0x0  }
0x13: {  	vm0 =	vmmov $0xffff;
	v2 =	vlaneseq.u32;
	s6 =	sadd.s32 $0x798200, s0;
	s9 =	sadd.s32 $0x7A2000, s0;
	s10 =	sadd.s32 s2, s10  }
0x14: {  	vm1 =	vmxor vm1, vm1;
	vm2 =	vmmov $0x1;
	vm3 =	vcmask $0x3F3C;
	p0 =	por $0x0, $0x0;
	s11 =	sadd.s32 $0x1, s10;
	s12 =	sadd.s32 $0x2, s10  }
.LBB2_9:
0x15: {  	p1 =	slt.u32 s24, $0x3  }
0x16: {  	s0 =	simm.s32 @!p1 $0x2  }
0x17: {  	_ =	swait.ge @!p1 [sflag:s0], $0x1F40  }
0x18: {  	[sflag:s0] =	ssyncset.done @!p1 $0x0  }
0x19: {  	[sflag:s0] =	ssyncadd.s32 @!p1 $0xFFFFE0C0;
	s0 =	simm.s32 @!p1 $0x9  }
0x1a: {  	_ =	swait.ge @!p1 [sflag:s0], $0x10  }
0x1b: {  	[sflag:s0] =	ssyncset.done @!p1 $0x0  }
0x1c: {  	[sflag:s0] =	ssyncadd.s32 @!p1 $0xFFFFFFF0;
	p1 =	sne.s32 s24, s12  }
.Ltmp1:
0x1d: {  	s2 =	sadd.s32 $0x1F40, s23;
	(pc) =	sbr.rel @!p1 .LBB2_10-.Ltmp1, $4  }
0x1e: {  	s22 =	smov.u32 s4;
	s31 =	sadd.s32 $0x1, s24;
	s17 =	sadd.s32 $0x1F40, s17  }
0x1f: {  	s18 =	sadd.s32 $0x1, s18;
	s25 =	smov.u32 s23;
	p2 =	slt.s32 s2, s5  }
0x20: {  	p0 =	por !p0, !p0;
	s19 =	sadd.s32 $0x1F40, s19;
	s22 =	smov.u32 @p2 s2  }
0x21: {  	s20 =	sadd.s32 $0x1, s20;
	s23 =	smov.u32 s22;
	s24 =	smov.u32 s31  }
.LBB2_1:
0x22: {  	p1 =	sge.u32 s24, s10  }
0x23: {  	s0 =	smulhi.u32 @!p1 $0xAAAAAAAB, s24;
	_ =	sdelay $0x1  }
0x24: {  	s0 =	sshrl.u32 @!p1 s0, $0x1  }
0x25: {  	s0 =	smul.u32 @!p1 $0x3, s0;
	_ =	sdelay $0x1  }
0x26: {  	s0 =	ssub.s32 @!p1 s24, s0  }
0x27: {  	s0 =	smul.u32 @!p1 $0x7D00, s0;
	_ =	sdelay $0x1  }
0x28: {  	s2 =	sshrl.u32 @!p1 s23, $0x3;
	s0 =	sshrl.u32 @!p1 s0, $0x2  }
0x29: {  	s22 =	sand.u32 @!p1 $0x7, s23;
	s2 =	sadd.s32 @!p1 s6, s2;
	s0 =	sadd.s32 @!p1 $0x100, s0  }
0x2a: {  	[tilespmem:s0], [sflag:$0x7] =	stream.linear.gather @!p1 [hbm4b:s2+s22], $0x1F40, $0x38;
	[tilespmem:$0x11A60] =	vst v63  }
0x2b: {  	s0 =	sadd.s32 $0xFFFFFFFF, s24  }
0x2c: {  	p1 =	sge.u32 s0, s10  }
.Ltmp2:
0x2d: {  	_ = 	snop;
	(pc) =	sbr.rel @p1 .LBB2_5-.Ltmp2, $1  }
0x2e: {  	_ =	sdelay $0x3  }
0x2f: {  	s2 =	smulhi.u32 $0xAAAAAAAB, s0;
	_ =	sdelay $0x1  }
0x30: {  	s2 =	sshrl.u32 s2, $0x1  }
0x31: {  	s2 =	smul.u32 $0x3, s2;
	_ =	sdelay $0x1  }
0x32: {  	s2 =	ssub.s32 s0, s2  }
0x33: {  	s2 =	smul.u32 $0x7D00, s2  }
0x34: {  	_ =	swait.ge [sflag:s7], $0x1F40  }
0x35: {  	[sflag:s7] =	ssyncset.done $0x0;
	s2 =	sshrl.u32 s2, $0x2  }
0x36: {  	[sflag:s7] =	ssyncadd.s32 $0xFFFFE0C0;
	(ifvalue) =	ssetifvalue $0xFFFFFFFF;
	v3 =	vld.msk [tilespmem:s2+$0x100 ss:$0x1], $0xffff;
	_ =	sdelay $0x2  }
0x37: {  	s30 =	smulhi.u32 $0xAAAAAAAB, s18;
	p1 =	sne.s32 s24, $0x1  }
0x38: {  	v4 =	vimm.s32 @!p1 $0x0  }
0x39: {  	s2 =	sshrl.u32 s30, $0x1;
	v4 =	vperm.xlane @!p1 v3, v4  }
0x3a: {  	s22 =	sshll.u32 s24, $0x4;
	s2 =	smul.u32 $0xFFFE8900, s2;
	vm4 =	vlt.u32 v3, $0x2800  }
0x3b: {  	s22 =	sand.u32 $0x10, s22;
	v3 =	vnsel vm4, $0xFFFFFFFE, v3;
	vm4 =	vlt.u32 @!p1 v4, $0x2800  }
0x3c: {  	s2 =	sshra.s32 s2, $0x2;
	[tilespmem:s22+$0x60] =	vst v3;
	v3 =	vnsel @!p1 vm4, $0xFFFFFFFE, v4  }
0x3d: {  	s28 =	sadd.s32 s2, s17;
	[tilespmem:$0x80] =	vst @!p1 v3  }
0x3e: {  	v3 =	vld.msk [tilespmem:s28+$0x0 ss:$0x1], $0xffff;
	_ =	sdelay $0x4  }
0x3f: {  	(xrf1) =	vunique.msk.u32 $0xffff, v3;
	_ =	sdelay $0xd  }
0x40: {  	v4 =	vimm.s32 $0xFFFFFFFF;
	v5, _, _ =	vpop (xrf1)  }
0x41: {  	vm5 =	vne.s32 v3, v4;
	vm4 =	veq.s32 v5, v2  }
0x42: {  	vm6 =	vlt.u32 v3, $0x2800;
	vm4 =	vmand vm5, vm4  }
0x43: {  	vm4 =	vmand vm6, vm4  }
0x44: {  	v4 =	vnsel vm4, $0xFFFFFFFF, v3  }
0x45: {  	s31 =	sand.u32 $0x1, s0  }
0x46: {  	s0 =	simm.s32 $0x1F40;
	p1 =	seq.s32 s31, $0x1  }
0x47: {  	s0 =	simm.s32 @!p1 $0x0  }
0x48: {  	s26 =	sadd.s32 $0x7DF0, s0;
	(ifvalue) =	ssetifvalue $0xFFFFFFFF  }
0x49: {  	v3 =	vperm.xlane v3, v1;
	[tilespmem:s26], [sflag:$0x8] =	stream.indirect_vreg.gather [hbm4b:s1+s16], $0x1, v4, vm0, $0x4038;
	v4 =	vnsel vm6, $0xFFFFFFFE, v4;
	[tilespmem:$0x11A60] =	vst v63  }
0x4a: {  	s2 =	simm.s32 $0x0;
	s22 =	sadd.s32 $0xFFFFFFF0, s28;
	[tilespmem:s28+$0x0] =	vst v4  }
.LBB2_3:
0x4b: {  	v4 =	vld.msk [tilespmem:s22+$0x0 ss:$0x1], $0xffff;
	s2 =	sadd.s32 $0x10, s2;
	v5 =	vmov v3;
	s28 =	smov.u32 s22  }
0x4c: {  	p1 =	slt.u32 s2, $0x1F30;
	_ =	sdelay $0x4  }
0x4d: {  	v3 =	vperm.xlane v4, v1;
	(xrf1) =	vunique.msk.u32 $0xffff, v4;
	_ =	sdelay $0xd  }
0x4e: {  	v6, _, _ =	vpop (xrf1)  }
0x4f: {  	vm5 =	vne.s32 v4, v5;
	vm4 =	veq.s32 v6, v2  }
0x50: {  	vm6 =	vlt.u32 v4, $0x2800;
	vm4 =	vmand vm5, vm4  }
0x51: {  	vm4 =	vmand vm6, vm4  }
0x52: {  	v4 =	vnsel vm4, $0xFFFFFFFF, v4  }
.Ltmp3:
0x53: {  	v5 =	vnsel vm6, $0xFFFFFFFE, v4;
	(pc) =	sbr.rel @p1 .LBB2_3-.Ltmp3, $3  }
0x54: {  	_ =	sdelay $0x1  }
0x55: {  	s22 =	sadd.s32 $0xFFFFFFF0, s22;
	s26 =	sadd.s32 $0xFFFFFFF0, s26;
	(ifvalue) =	ssetifvalue $0xFFFFFFFF  }
0x56: {  	[tilespmem:s26], [sflag:$0x8] =	stream.indirect_vreg.gather [hbm4b:s1+s16], $0x1, v4, vm0, $0x4038;
	[tilespmem:s28+$0x0] =	vst v5  }
0x57: {  	s2 =	sshrl.u32 s25, $0x3  }
0x58: {  	s0 =	sadd.s32 $0x9D40, s0;
	s2 =	sadd.s32 s9, s2  }
0x59: {  	[tilespmem:s0], [sflag:$0x8] =	stream.linear.gather [hbm:s2], $0x1F40, $0x38;
	[tilespmem:$0x11A60] =	vst v63  }
.LBB2_5:
0x5a: {  	p1 =	slt.u32 s24, $0x2  }
0x5b: {  	p2 =	sge.u32 @!p1 s24, s12  }
0x5c: {  	p1 =	por p1, p2  }
.Ltmp4:
0x5d: {  	_ = 	snop;
	(pc) =	sbr.rel @p1 .LBB2_9-.Ltmp4, $1  }
0x5e: {  	_ =	sdelay $0x3  }
0x5f: {  	s0 =	sadd.s32 $0xFFFFFFFE, s24  }
0x60: {  	s2 =	smulhi.u32 $0xAAAAAAAB, s0;
	_ =	sdelay $0x1  }
0x61: {  	s2 =	sshrl.u32 s2, $0x1  }
0x62: {  	s2 =	smul.u32 $0x3, s2;
	_ =	sdelay $0x1  }
0x63: {  	s0 =	ssub.s32 s0, s2  }
0x64: {  	_ =	swait.ge [sflag:s8], $0x3E80;
	s0 =	smul.u32 $0x1F40, s0  }
0x65: {  	p1 =	sne.s32 s24, s11;
	[sflag:s8] =	ssyncset.done $0x0  }
0x66: {  	[sflag:s8] =	ssyncadd.s32 $0xFFFFC180;
	s2 =	sadd.s32 @!p1 $0x203F, s0  }
0x67: {  	[spmem:s14] =	stream.linear.scatter @!p1 [tilespmem:s2], [sflag:$0x1], $0x1, $0x38;
	[tilespmem:$0x11A60] =	vst v63  }
0x68: {  	s2 =	simm.s32 @!p1 $0x1  }
0x69: {  	_ =	swait.ge @!p1 [sflag:s2], $0x1  }
0x6a: {  	s22 =	sshll.u32 s24, $0x4;
	[sflag:s2] =	ssyncset.done @!p1 $0x0  }
0x6b: {  	s25 =	sand.u32 $0x10, s22;
	[sflag:s2] =	ssyncadd.s32 @!p1 $0xFFFFFFFF  }
0x6c: {  	s2 =	sxor.u32 $0x10, s25;
	v4 =	vld [tilespmem:s25+$0x10]  }
0x6d: {  	v5 =	vld [tilespmem:s2+$0x60]  }
0x6e: {  	v3 =	vld [tilespmem:$0x80];
	_ =	sdelay $0x2  }
0x6f: {  	(v2sf) =	vpush v4, $0x0  }
0x70: {  	(v2sf) =	vpush v5, $0x0  }
0x71: {  	(v2sf) =	vpush v3, $0x0;
	_ =	sdelay $0xc  }
0x72: {  	s22 =	spop (v2sf)  }
0x73: {  	s26 =	spop (v2sf)  }
0x74: {  	s28 =	spop (v2sf)  }
0x75: {  	p2 =	seq.s32 s22, s26;
	p3 =	seq.s32 s28, s22  }
0x76: {  	p3 =	por p2, p3  }
0x77: {  	s26 =	sand.u32 $0x1, s24;
	v4 =	vpsel p3, $0xFFFFFFFF, v4  }
0x78: {  	s29 =	smul.u32 $0x1F40, s26;
	[tilespmem:s25+$0x10] =	vst.msk $0x1, v4  }
0x79: {  	v4 =	vld [tilespmem:$0x30]  }
0x7a: {  	v5 =	vld [tilespmem:s29+$0x9D40]  }
0x7b: {  	v6 =	vld [tilespmem:s25+$0x40];
	_ =	sdelay $0x3  }
0x7c: {  	vm4 =	vmmov vm1;
	v5 =	vadd.f32 v5, v4  }
0x7d: {  	vm5 =	vmmov vm2;
	vm4 =	vmmov @p2 vm2;
	s22 =	sshll.u32 s26, $0x4;
	v4 =	vadd.f32 v6, v4  }
0x7e: {  	s26 =	sor.u32 $0x11A40, s22;
	vm5 =	vmmov @p3 vm1;
	[tilespmem:s29+$0x9D40] =	vst.msk vm4, v5  }
0x7f: {  	[tilespmem:s26+$0x0] =	vst.msk vm5, v4  }
0x80: {  	v4 =	vld [tilespmem:s29+$0x7DF0];
	_ =	sdelay $0x3  }
0x81: {  	v5 =	vimm.f32 $0.0e+00  }
0x82: {  	v4 =	vshift.insert v4, v5, s21  }
0x83: {  	s22 =	sor.u32 $0x40, s2  }
0x84: {  	[tilespmem:s22+$0x0] =	vst.msk $0x1, v4  }
0x85: {  	[tilespmem:s29+$0x7DFF] =	vst.msk $0x1, v5  }
0x86: {  	v4 =	vld [tilespmem:s0+$0x2030];
	_ =	sdelay $0x1  }
0x87: {  	s22 =	smulhi.u32 $0xAAAAAAAB, s20;
	s0 =	simm.s32 $0x1  }
0x88: {  	s0 =	simm.s32 @!p0 $0x0  }
0x89: {  	s22 =	sshrl.u32 s22, $0x1;
	s0 =	smul.u32 $0x7D00, s0  }
0x8a: {  	s22 =	smul.u32 $0xFFFE8900, s22;
	v4 =	vshift.insert v4, v1, s21  }
0x8b: {  	s0 =	sshrl.u32 s0, $0x2  }
0x8c: {  	s22 =	sshra.s32 s22, $0x2;
	s30 =	sadd.s32 $0x9D40, s0;
	[tilespmem:s2+$0x10] =	vst.msk $0x1, v4  }
0x8d: {  	s22 =	sadd.s32 s22, s19;
	v6 =	vld [tilespmem:s30+$0x0]  }
0x8e: {  	v7 =	vld [tilespmem:s22+$0x0];
	_ =	sdelay $0x3  }
0x8f: {  	v5 =	vadd.f32 v6, v5  }
0x90: {  	vm4 =	vne.s32 v7, $0xFFFFFFFF  }
0x91: {  	(xrf2) =	vadd.seg.scan.f32 vm4, v5;
	_ =	sdelay $0x3  }
0x92: {  	s31 =	sadd.s32 $0x5EC0, s0;
	v5 =	vperm.xlane v4, v1  }
0x93: {  	v6 =	vld [tilespmem:s31+$0x0]  }
0x94: {  	vm5 =	veq.s32 v7, v3;
	vm6 =	veq.s32 v7, v5  }
0x95: {  	vm7 =	vgt.u32 v7, $0xFFFFFFFD;
	vm6 =	vmor vm6, vm5  }
0x96: {  	vm6 =	vmor vm6, vm7  }
0x97: {  	v9 =	vld [tilespmem:$0xA0];
	v7 =	vsel vm6, $0xFFFFFFFF, v7  }
0x98: {  	v10 =	vld [tilespmem:$0x90];
	v6 =	vsel vm5, $0x0, v6;
	v8, _, _ =	vpop (xrf2)  }
0x99: {  	v6 =	vadd.f32 v8, v6  }
0x9a: {  	s0 =	sadd.s32 $0xDBC0, s0  }
0x9b: {  	vm4 =	vmand vm4, vm3;
	[tilespmem:s0+$0x0] =	vst v6;
	(ifvalue) =	ssetifvalue $0xFFFFFFFF  }
0x9c: {  	vm6 =	veq.s32 v9, $0x1;
	[hbm4b:s1+s16] =	stream.indirect_vreg.scatter [tilespmem:s0], [sflag:$0x2], $0x1, v7, vm0, $0x4038;
	v7 =	vsel vm4, $0x0, v8;
	[tilespmem:$0x11A60] =	vst v63  }
0x9d: {  	s2 =	simm.s32 $0x0;
	s22 =	sadd.s32 $0x10, s22;
	vm4 =	vmor vm6, vm5;
	v6 =	vsel vm5, v8, v10;
	v7 =	vshift.insert v7, v0, s21  }
.LBB2_7:
0x9e: {  	v8 =	vld [tilespmem:s22+$0x0];
	s30 =	sadd.s32 $0x10, s30  }
0x9f: {  	s31 =	sadd.s32 $0x10, s31;
	v9 =	vld [tilespmem:s30+$0x0]  }
0xa0: {  	s2 =	sadd.s32 $0x10, s2;
	v10 =	vld [tilespmem:s31+$0x0]  }
0xa1: {  	p2 =	slt.u32 s2, $0x1F30;
	_ =	sdelay $0x2  }
0xa2: {  	v7 =	vadd.f32 v9, v7  }
0xa3: {  	vm5 =	vne.s32 v8, $0xFFFFFFFF  }
0xa4: {  	vm6 =	vmand vm5, vm3;
	(xrf2) =	vadd.seg.scan.f32 vm5, v7;
	_ =	sdelay $0x5  }
0xa5: {  	vm7 =	veq.s32 v8, v5;
	vm5 =	veq.s32 v8, v3  }
0xa6: {  	vm8 =	vgt.u32 v8, $0xFFFFFFFD;
	vm4 =	vmor vm4, vm5;
	vm7 =	vmor vm7, vm5  }
0xa7: {  	vm7 =	vmor vm7, vm8  }
0xa8: {  	v8 =	vsel vm7, $0xFFFFFFFF, v8  }
.Ltmp5:
0xa9: {  	v7 =	vsel vm5, $0x0, v10;
	v9, _, _ =	vpop (xrf2);
	(pc) =	sbr.rel @p2 .LBB2_7-.Ltmp5, $4  }
0xaa: {  	v6 =	vsel vm5, v9, v6;
	v10 =	vadd.f32 v9, v7;
	v7 =	vsel vm6, $0x0, v9  }
0xab: {  	s0 =	sadd.s32 $0x10, s0;
	v7 =	vshift.insert v7, v0, s21  }
0xac: {  	s22 =	sadd.s32 $0x10, s22;
	[tilespmem:s0+$0x0] =	vst v10;
	(ifvalue) =	ssetifvalue $0xFFFFFFFF  }
0xad: {  	[hbm4b:s1+s16] =	stream.indirect_vreg.scatter [tilespmem:s0], [sflag:$0x2], $0x1, v8, vm0, $0x4038;
	[tilespmem:$0x11A60] =	vst v63  }
0xae: {  	v3 =	vld [tilespmem:s29+$0xFAF0];
	_ =	sdelay $0x4  }
0xaf: {  	v3 =	vshift.insert v3, v0, s21  }
0xb0: {  	s0 =	simm.s32 $0x30  }
0xb1: {  	[tilespmem:s0+$0x0] =	vst.msk $0x1, v3  }
0xb2: {  	v3 =	vsel vm4, $0x1, v1;
	[tilespmem:$0x90] =	vst v6  }
0xb3: {  	s0 =	sadd.s32 @!p1 $0xFAFF, s29;
	[tilespmem:$0xA0] =	vst v3  }
0xb4: {  	[spmem:s15] =	stream.linear.scatter @!p1 [tilespmem:s0], [sflag:$0x1], $0x1, $0x38;
	[tilespmem:$0x11A60] =	vst v63  }
0xb5: {  	s0 =	simm.s32 @!p1 $0x1  }
0xb6: {  	v3 =	vmctz.xlane @!p1 vm4;
	_ =	swait.ge @!p1 [sflag:s0], $0x1  }
0xb7: {  	(v2sf) =	vpush @!p1 v4, $0x0  }
0xb8: {  	(v2sf) =	vpush @!p1 v3, $0x0;
	_ =	sdelay $0xd  }
0xb9: {  	s2 =	spop @!p1 (v2sf)  }
0xba: {  	s22 =	spop @!p1 (v2sf)  }
0xbb: {  	p2 =	sne.s32 @!p1 s28, s2;
	p3 =	slt.s32 @!p1 s22, $0xF  }
0xbc: {  	[sflag:s0] =	ssyncset.done @!p1 $0x0;
	p2 =	por p2, p1;
	p3 =	por !p3, p1  }
0xbd: {  	[sflag:s0] =	ssyncadd.s32 @!p1 $0xFFFFFFFF;
	v3 =	vimm.s32 @!p2 $0xFFFFFFFF;
	s22 =	simm.s32 @p3 $0xF  }
0xbe: {  	[tilespmem:$0x80] =	vst @!p2 v3;
	s2 =	sadd.s32 @!p1 $0x90, s22  }
0xbf: {  	[spmem:s3] =	stream.linear.scatter @!p1 [tilespmem:s2], [sflag:$0x1], $0x1, $0x38;
	[tilespmem:$0x11A60] =	vst v63  }
0xc0: {  	_ =	swait.ge @!p1 [sflag:s0], $0x1  }
0xc1: {  	[sflag:s0] =	ssyncset.done @!p1 $0x0  }
0xc2: {  	s2 =	simm.s32 @!p1 $0x80;
	[sflag:s0] =	ssyncadd.s32 @!p1 $0xFFFFFFFF  }
0xc3: {  	[spmem:s13] =	stream.linear.scatter @!p1 [tilespmem:s2], [sflag:$0x1], $0x1, $0x38;
	[tilespmem:$0x11A60] =	vst v63  }
0xc4: {  	_ =	swait.ge @!p1 [sflag:s0], $0x1  }
0xc5: {  	[sflag:s0] =	ssyncset.done @!p1 $0x0  }
0xc6: {  	[sflag:s0] =	ssyncadd.s32 @!p1 $0xFFFFFFFF;
	(ifvalue) =	ssetifvalue $0xFFFFFFFF;
	v3 =	vld [tilespmem:s25+$0x10];
	_ =	sdelay $0x3  }
.Ltmp6:
0xc7: {  	_ = 	snop;
	(pc) =	sbr.rel .LBB2_9-.Ltmp6, $3  }
0xc8: {  	_ =	sdelay $0x1  }
0xc9: {  	(ifvalue) =	ssetifvalue $0xFFFFFFFF  }
0xca: {  	[hbm4b:s1+s16] =	stream.indirect_vreg.scatter [tilespmem:s26], [sflag:$0x9], $0x1, v3, vm0, $0x4038;
	[tilespmem:$0x11A60] =	vst v63  }
.LBB2_10:
0xcb: {  	_ =	sfence.sel $0x180000  }
0xcc: {  	s0 =	simm.s32 $0x7;
	[bflag:$0x0] =	sbarrier.arrive $0xFFFF  }
0xcd: {  	s26 =	simm.s32 $0x8;
	[sflag:s0] =	ssyncpa.u1 $0x1  }
0xce: {  	s28 =	simm.s32 $0x9;
	[sflag:s26] =	ssyncpa.u1 $0x1  }
0xcf: {  	[sflag:s28] =	ssyncpa.u1 $0x1  }
0xd0: {  	_ =	sfence.stream.spmem  }
0xd1: {  	s29 =	simm.s32 $0x3;
	[bflag:$0x0] =	sbarrier.arrive $0xFFFF  }
0xd2: {  	s30 =	simm.s32 $0x4;
	[sflag:s29] =	ssyncpa.u1 $0x1  }
0xd3: {  	s31 =	simm.s32 $0x3C;
	s2 =	stileid.u32;
	[sflag:s30] =	ssyncpa.u1 $0x1  }
0xd4: {  	p0 =	sne.s32 s2, $0x0;
	[sflag:s31] =	ssyncpa.u1 $0x1  }
0xd5: {  	s0 =	simm.s32 @p0 $0x1;
	_ =	sfence @p0  }
0xd6: {  	[sflag:s0] =	ssyncpa.u1 @p0 $0x1;
	s0 =	simm.s32 @p0 $0x2  }
0xd7: {  	[sflag:s0] =	ssyncpa.u1 @p0 $0x1  }
0xd8: {  	_ =	strace @p0 $0x9000004A  }
0xd9: {  	[bflag:$0x2] =	sbarrier.arrive @p0 $0xFFFF  }
0xda: {  	_ =	shalt @p0  }
.LBB2_11:
0xdb: {  	_ =	sfence.stream.spmem;
	s0 =	simm.s32 $0x5  }
0xdc: {  	s2 =	simm.s32 $0x80;
	s3 =	simm.s32 $0xC0;
	[sflag:s0] =	ssyncpa.u1 $0x0  }
0xdd: {  	[tilespmem:s3], [sflag:$0x5] =	stream.linear.gather [spmem:s2], $0x20, $0x38;
	[tilespmem:$0x11A60] =	vst v63  }
0xde: {  	s2 =	simm.s32 $0x0;
	s3 =	simm.s32 $0xE0  }
0xdf: {  	[tilespmem:s3], [sflag:$0x5] =	stream.linear.gather [spmem:s2], $0x20, $0x38;
	[tilespmem:$0x11A60] =	vst v63  }
.Ltmp7:
0xe0: {  	_ = 	snop;
	(pc) =	sbr.rel .LBB2_12-.Ltmp7, $4  }
0xe1: {  	_ =	swait.ge [sflag:s0], $0x40  }
0xe2: {  	[sflag:s0] =	ssyncset.done $0x0  }
0xe3: {  	s31 =	simm.s32 $0x6;
	[sflag:s0] =	ssyncadd.s32 $0xFFFFFFC0  }
0xe4: {  	s4 =	simm.s32 $0x0;
	[sflag:s31] =	ssyncpa.u1 $0x0  }
.LBB2_17:
0xe5: {  	p0 =	sgt.u32 s5, $0x27FF  }
0xe6: {  	s0 =	sshrl.u32 @!p0 s5, $0x3  }
0xe7: {  	s5 =	sand.u32 @!p0 $0x7, s5;
	s6 =	simm.s32 @!p0 $0xB0;
	s0 =	sadd.s32 @!p0 s1, s0  }
0xe8: {  	[tilespmem:s6], [sflag:$0x6] =	stream.linear.gather @!p0 [hbm4b:s0+s5], $0x1, $0x38;
	[tilespmem:$0x11A60] =	vst v63  }
0xe9: {  	s0 =	simm.s32 @!p0 $0x6  }
0xea: {  	_ =	swait.ge @!p0 [sflag:s0], $0x1  }
0xeb: {  	[sflag:s0] =	ssyncset.done @!p0 $0x0  }
0xec: {  	[sflag:s0] =	ssyncadd.s32 @!p0 $0xFFFFFFFF  }
0xed: {  	v2 =	vmov @!p0 s4;
	v1 =	vld.msk @!p0 [tilespmem:$0xB0], $0x1;
	_ =	sdelay $0x3  }
0xee: {  	s0 =	simm.s32 @!p0 $0xE0  }
0xef: {  	[tilespmem:v2+s0+$0x0], v1 =	vst.idx.ret.add.f32.msk @!p0 $0x1, v1  }
0xf0: {  	[tilespmem:s2+$0xC0] =	vst.msk $0x1, v0  }
0xf1: {  	v0 =	vld.msk [tilespmem:s4+$0xE0], $0x1;
	_ =	sdelay $0x4  }
0xf2: {  	[tilespmem:s2+$0xE0] =	vst.msk $0x1, v0;
	s2 =	sadd.s32 $0x1, s2  }
.LBB2_19:
0xf3: {  	s4 =	sadd.s32 $0x1, s4  }
0xf4: {  	p0 =	sne.s32 s4, $0x20  }
.Ltmp8:
0xf5: {  	_ = 	snop;
	(pc) =	sbr.rel @!p0 .LBB2_20-.Ltmp8, $1  }
0xf6: {  	_ =	sdelay $0x3  }
.LBB2_12:
0xf7: {  	v0 =	vld.msk [tilespmem:s4+$0xC0], $0x1;
	_ =	sdelay $0x4  }
0xf8: {  	(v2sf) =	vpush v0, $0x0;
	_ =	sdelay $0xe  }
0xf9: {  	s5 =	spop (v2sf)  }
0xfa: {  	p0 =	seq.s32 s5, $0xFFFFFFFF  }
.Ltmp9:
0xfb: {  	_ = 	snop;
	(pc) =	sbr.rel @p0 .LBB2_19-.Ltmp9, $1  }
0xfc: {  	_ =	sdelay $0x3  }
0xfd: {  	p0 =	slt.s32 s2, $0x1  }
.Ltmp10:
0xfe: {  	_ = 	snop;
	(pc) =	sbr.rel @p0 .LBB2_17-.Ltmp10, $1  }
0xff: {  	_ =	sdelay $0x3  }
0x100: {  	s0 =	simm.s32 $0xC0;
	p0 =	por $0x0, $0x0  }
0x101: {  	v1 =	vld.msk @!p0 [tilespmem:s0+$0x0], $0x1;
	_ =	sdelay $0x4  }
0x102: {  	(v2sf) =	vpush @!p0 v1, $0x0;
	_ =	sdelay $0xd  }
0x103: {  	p2 =	sne.s32 s2, $0x1  }
.Ltmp11:
0x104: {  	s6 =	spop @!p0 (v2sf);
	(pc) =	sbr.rel @!p2 .LBB2_16-.Ltmp11, $4  }
0x105: {  	p1 =	seq.s32 @!p0 s5, s6  }
0x106: {  	s6 =	simm.s32 $0x0;
	p1 =	por !p1, p0  }
0x107: {  	s8 =	simm.s32 $0xFFFFFFFF;
	s6 =	simm.s32 @p1 $0xFFFFFFFF  }
0x108: {  	s7 =	simm.s32 $0x1;
	s6 =	smov.u32 @p0 s8  }
.LBB2_15:
0x109: {  	s8 =	smov.u32 s6;
	p0 =	sne.s32 s6, $0xFFFFFFFF  }
0x10a: {  	s0 =	sadd.s32 $0x1, s0;
	s6 =	smov.u32 s7;
	s7 =	sadd.s32 $0x1, s7  }
0x10b: {  	p1 =	sne.s32 s2, s7;
	v1 =	vld.msk @!p0 [tilespmem:s0+$0x0], $0x1;
	_ =	sdelay $0x4  }
0x10c: {  	(v2sf) =	vpush @!p0 v1, $0x0;
	_ =	sdelay $0xe  }
.Ltmp12:
0x10d: {  	s9 =	spop @!p0 (v2sf);
	(pc) =	sbr.rel @p1 .LBB2_15-.Ltmp12, $4  }
0x10e: {  	p2 =	seq.s32 @!p0 s5, s9  }
0x10f: {  	p2 =	por !p2, p0  }
0x110: {  	s6 =	simm.s32 @p2 $0xFFFFFFFF  }
0x111: {  	s6 =	smov.u32 @p0 s8  }
.LBB2_16:
0x112: {  	p0 =	sne.s32 s6, $0xFFFFFFFF  }
.Ltmp13:
0x113: {  	_ = 	snop;
	(pc) =	sbr.rel @!p0 .LBB2_17-.Ltmp13, $1  }
0x114: {  	_ =	sdelay $0x3  }
0x115: {  	v0 =	vld.msk [tilespmem:s4+$0xE0], $0x1;
	v1 =	vmov s6  }
.Ltmp14:
0x116: {  	_ = 	snop;
	(pc) =	sbr.rel .LBB2_19-.Ltmp14, $2  }
0x117: {  	_ =	sdelay $0x2  }
0x118: {  	[tilespmem:v1+s3+$0x0], v0 =	vst.idx.ret.add.f32.msk $0x1, v0  }
.LBB2_20:
0x119: {  	p0 =	slt.s32 s2, $0x1  }
.Ltmp15:
0x11a: {  	_ = 	snop;
	(pc) =	sbr.rel @p0 .LBB2_24-.Ltmp15, $3  }
0x11b: {  	_ =	sdelay $0x1  }
0x11c: {  	s0 =	simm.s32 $0x6  }
0x11d: {  	s3 =	simm.s32 $0x0;
	[sflag:s0] =	ssyncpa.u1 $0x1  }
0x11e: {  	s0 =	simm.s32 $0xC0  }
0x11f: {  	v0 =	vld.msk [tilespmem:s0+$0x0], $0x1;
	_ =	sdelay $0x4  }
0x120: {  	(v2sf) =	vpush v0, $0x0;
	_ =	sdelay $0xe  }
0x121: {  	s2 =	sadd.s32 $0xFFFFFFFF, s2;
	s4 =	spop (v2sf)  }
0x122: {  	p1 =	sne.s32 s2, $0x0;
	p0 =	sgt.u32 s4, $0x27FF  }
.Ltmp16:
0x123: {  	s5 =	sshrl.u32 @!p0 s4, $0x3;
	(pc) =	sbr.rel @!p1 .LBB2_23-.Ltmp16, $4  }
0x124: {  	s0 =	simm.s32 $0xE0;
	s4 =	sand.u32 @!p0 $0x7, s4;
	s5 =	sadd.s32 @!p0 s1, s5  }
0x125: {  	[hbm4b:s5+s4] =	stream.linear.scatter @!p0 [tilespmem:s0], [sflag:$0x5], $0x1, $0x38;
	[tilespmem:$0x11A60] =	vst v63  }
0x126: {  	s5 =	simm.s32 $0x0  }
0x127: {  	s4 =	simm.s32 $0xC1;
	s5 =	simm.s32 @!p0 $0x4  }
.LBB2_22:
0x128: {  	v0 =	vld.msk [tilespmem:s4+$0x0], $0x1;
	s2 =	sadd.s32 $0xFFFFFFFF, s2;
	s3 =	sadd.s32 s3, s5  }
0x129: {  	p0 =	sne.s32 s2, $0x0;
	_ =	sdelay $0x3  }
0x12a: {  	(v2sf) =	vpush v0, $0x0;
	_ =	sdelay $0xe  }
.Ltmp17:
0x12b: {  	s6 =	spop (v2sf);
	(pc) =	sbr.rel @p0 .LBB2_22-.Ltmp17, $4  }
0x12c: {  	s5 =	simm.s32 $0x0;
	p1 =	sgt.u32 s6, $0x27FF  }
0x12d: {  	s0 =	sadd.s32 $0x1, s0;
	s5 =	simm.s32 @!p1 $0x4;
	s7 =	sshrl.u32 @!p1 s6, $0x3  }
0x12e: {  	s4 =	sadd.s32 $0x1, s4;
	s6 =	sand.u32 @!p1 $0x7, s6;
	s7 =	sadd.s32 @!p1 s1, s7  }
0x12f: {  	[hbm4b:s7+s6] =	stream.linear.scatter @!p1 [tilespmem:s0], [sflag:$0x5], $0x1, $0x38;
	[tilespmem:$0x11A60] =	vst v63  }
.LBB2_23:
0x130: {  	s0 =	sadd.s32 s3, s5  }
0x131: {  	s3 =	sshrl.u32 s0, $0x2  }
.LBB2_24:
0x132: {  	s0 =	simm.s32 $0x5  }
0x133: {  	_ =	swait.ge [sflag:s0], s3  }
0x134: {  	s1 =	ssub.s32 $0x0, s3;
	[sflag:s0] =	ssyncset.done $0x0  }
0x135: {  	[sflag:s0] =	ssyncadd.s32 s1  }
0x136: {  	[sflag:s0] =	ssyncpa.u1 $0x1  }
0x137: {  	s29 =	simm.s32 $0x1;
	_ =	sfence  }
0x138: {  	s30 =	simm.s32 $0x2;
	[sflag:s29] =	ssyncpa.u1 $0x1  }
0x139: {  	[sflag:s30] =	ssyncpa.u1 $0x1  }
0x13a: {  	_ =	strace $0x9000004A  }
0x13b: {  	[bflag:$0x2] =	sbarrier.arrive $0xFFFF  }
0x13c: {  	s31 =	rddreg [dreg:$0x2]  }
0x13d: {  	s0 =	sadd.s32 $0x100000, s31  }
0x13e: {  	[sflag:s0] =	ssyncadd.tile.s32 $0x1;
	_ =	shalt  }
.Lfunc_end2:
_tile_overlayer_lowered:
.L_overlay_start_2:
0x13f: {  	(tag) =	ssettag $0x2  }
0x140: {  	s0 =	rddreg [dreg:$0x0];
	s2 =	stileid.u32  }
0x141: {  	s1 =	rddreg [dreg:$0x1];
	p0 =	sne.s32 s2, $0x0  }
0x142: {  	s3 =	rddreg [dreg:$0x2];
	[bflag:$0x3] =	sbarrier.arrive $0xFFFF;
	s2 =	simm.s32 @!p0 $0x1C01  }
0x143: {  	[timem:s3], [sflag:s2] =	dma.local @!p0 [hbm:s0], s1  }
0x144: {  	s0 =	simm.s32 @!p0 $0x1  }
0x145: {  	_ =	swait.ge @!p0 [sflag:s0], s1  }
0x146: {  	s1 =	ssub.s32 @!p0 $0x0, s1;
	[sflag:s0] =	ssyncset.done @!p0 $0x0  }
0x147: {  	[sflag:s0] =	ssyncadd.s32 @!p0 s1  }
0x148: {  	[bflag:$0x3] =	sbarrier.arrive $0xFFFF  }
0x149: {  	_ =	shalt  }

// kernel: scatter_offload_async_start.2
scs
__scs_entry_jumppad:
0x0: {  	(pc) =	sbr.rel $0x88, $3  }
0x1: {  	(tag) =	ssettag $0x0;
	lr =	simm.s32 $0x1  }
0x2: {  	[smem:$0x3F93] =	sst lr;
	_ =	strace $0xD0000000  }
0x3: {  	_ = 	snop  }
0x4: {  	_ = 	snop  }
0x5: {  	_ = 	snop  }
0x6: {  	_ = 	snop  }
0x7: {  	_ = 	snop  }
__scs_overlays_trampoline_lowered:
0x8: {  	[smem:$0x3FA2] =	sst s0  }
0x9: {  	[smem:$0x3FA3] =	sst s1  }
0xa: {  	[smem:$0x3FA4] =	sst s2  }
0xb: {  	[smem:$0x3FA5] =	sst s3  }
0xc: {  	[smem:$0x3FA6] =	sst s4  }
0xd: {  	[smem:$0x3FA7] =	sst s5  }
0xe: {  	[smem:$0x3FA8] =	sst s6  }
0xf: {  	[smem:$0x3FA9] =	sst s7  }
0x10: {  	[smem:$0x3FAA] =	sst s8  }
0x11: {  	[smem:$0x3FAB] =	sst s9;
	s0 =	simm.s32 @!p0 $0x0  }
0x12: {  	s1 =	sld [smem:$0x3F91];
	s0 =	simm.s32 @p0 $0x1  }
0x13: {  	[smem:$0x3FAC] =	sst s0;
	s0 =	simm.s32 @!p1 $0x0  }
0x14: {  	s2 =	sld [smem:$0x3F90];
	s0 =	simm.s32 @p1 $0x1  }
0x15: {  	[smem:$0x3FAD] =	sst s0;
	s0 =	simm.s32 @!p2 $0x0  }
0x16: {  	s3 =	sld [smem:$0x3FDB];
	s0 =	simm.s32 @p2 $0x1  }
0x17: {  	s4 =	simm.s32 $0x1BF5;
	[smem:$0x3FAF] =	sst s0  }
0x18: {  	s0 =	sld [smem:$0x3F92];
	_ =	swait.ge [sflag:s4], $0x0  }
0x19: {  	s7 =	sld [smem:$0x3F93]  }
0x1a: {  	s8 =	sadd.s32 $0xFFFFE003, lr  }
0x1b: {  	s9 =	sadd.s32 $0xFFFFFEF7, lr;
	s5 =	simm.s32 $0xFFFFFFFF;
	p2 =	slt.u32 s8, $0xFFFFF086  }
0x1c: {  	p1 =	slt.u32 s9, $0xF7A;
	s5 =	simm.s32 @!p2 $0x0  }
0x1d: {  	s5 =	simm.s32 @p1 $0x1;
	p0 =	seq.s32 s7, s2  }
0x1e: {  	s7 =	smul.u32 @!p0 $0xF7A, s2;
	p2 =	seq.s32 @!p0 s5, $0x0  }
0x1f: {  	s9 =	smul.u32 $0xF7A, s1;
	s8 =	simm.s32 @!p0 $0x1BF5;
	p2 =	por !p2, p0  }
0x20: {  	[sflag:s8] =	ssyncset.s32 @!p0 $0xFFFFF086;
	s6 =	sadd.s32 @!p0 s3, s7;
	s7 =	simm.s32 @!p0 $0x108  }
0x21: {  	s3 =	sadd.s32 s3, s9;
	s6 =	sadd.s32 @!p0 $0x88, s6;
	s7 =	simm.s32 @p2 $0x1082  }
0x22: {  	[simem:s7], [sflag:s8] =	dma.local @!p0 [hbm:s6], $0xF7A  }
0x23: {  	s9 =	sor.u32 $0xD0000000, s2;
	s6 =	simm.s32 $0x108;
	_ =	swait.ge @!p0 [sflag:s8], $0x0  }
0x24: {  	s3 =	sadd.s32 $0x88, s3;
	s6 =	simm.s32 @!p1 $0x1082;
	[sflag:s4] =	ssyncset.s32 $0xFFFFF086  }
0x25: {  	[simem:s6], [sflag:s4] =	dma.local [hbm:s3], $0xF7A  }
0x26: {  	[smem:$0x3F93] =	sst s1;
	(tag) =	ssettag s2;
	_ =	strace s9  }
0x27: {  	s1 =	sld [smem:$0x3FA3]  }
0x28: {  	s2 =	sld [smem:$0x3FA4]  }
0x29: {  	s4 =	sld [smem:$0x3FA6]  }
0x2a: {  	p0 =	seq.s32 s5, $0x0;
	s5 =	sld [smem:$0x3FA7]  }
0x2b: {  	s6 =	sld [smem:$0x3FA8]  }
0x2c: {  	s7 =	sld [smem:$0x3FA9]  }
0x2d: {  	s3 =	simm.s32 $0x108;
	s8 =	sld [smem:$0x3FAA]  }
0x2e: {  	s3 =	simm.s32 @!p0 $0x1082;
	s9 =	sld [smem:$0x3FAB]  }
0x2f: {  	lr =	sadd.s32 s0, s3;
	s0 =	sld [smem:$0x3FA2]  }
0x30: {  	s3 =	sld [smem:$0x3FA5]  }
0x31: {  	[smem:$0x3FAE] =	sst s10  }
0x32: {  	s10 =	sld [smem:$0x3FAC];
	_ =	sdelay $0x3  }
0x33: {  	p0 =	seq.s32 s10, $0x1;
	s10 =	sld [smem:$0x3FAE];
	_ =	sdelay $0x3  }
0x34: {  	[smem:$0x3FAE] =	sst s10  }
0x35: {  	s10 =	sld [smem:$0x3FAD];
	_ =	sdelay $0x3  }
0x36: {  	p1 =	seq.s32 s10, $0x1;
	s10 =	sld [smem:$0x3FAE];
	_ =	sdelay $0x3  }
0x37: {  	[smem:$0x3FAE] =	sst s10  }
0x38: {  	s10 =	sld [smem:$0x3FAF]  }
0x39: {  	_ = 	snop;
	(pc) =	sbr.ind lr, $3  }
0x3a: {  	_ = 	snop  }
0x3b: {  	_ = 	snop  }
0x3c: {  	p2 =	seq.s32 s10, $0x1;
	s10 =	sld [smem:$0x3FAE]  }
0x3d: {  	_ =	shalt  }
0x3e: {  	_ =	shalt  }
0x3f: {  	_ =	shalt  }
0x40: {  	_ =	shalt  }
0x41: {  	_ =	shalt  }
0x42: {  	_ =	shalt  }
0x43: {  	_ =	shalt  }
0x44: {  	_ =	shalt  }
0x45: {  	_ =	shalt  }
0x46: {  	_ =	shalt  }
0x47: {  	_ =	shalt  }
0x48: {  	_ =	shalt  }
0x49: {  	_ =	shalt  }
0x4a: {  	_ =	shalt  }
0x4b: {  	_ =	shalt  }
0x4c: {  	_ =	shalt  }
0x4d: {  	_ =	shalt  }
0x4e: {  	_ =	shalt  }
0x4f: {  	_ =	shalt  }
0x50: {  	_ =	shalt  }
0x51: {  	_ =	shalt  }
0x52: {  	_ =	shalt  }
0x53: {  	_ =	shalt  }
0x54: {  	_ =	shalt  }
0x55: {  	_ =	shalt  }
0x56: {  	_ =	shalt  }
0x57: {  	_ =	shalt  }
0x58: {  	_ =	shalt  }
0x59: {  	_ =	shalt  }
0x5a: {  	_ =	shalt  }
0x5b: {  	_ =	shalt  }
0x5c: {  	_ =	shalt  }
0x5d: {  	_ =	shalt  }
0x5e: {  	_ =	shalt  }
0x5f: {  	_ =	shalt  }
0x60: {  	_ =	shalt  }
0x61: {  	_ =	shalt  }
0x62: {  	_ =	shalt  }
0x63: {  	_ =	shalt  }
0x64: {  	_ =	shalt  }
0x65: {  	_ =	shalt  }
0x66: {  	_ =	shalt  }
0x67: {  	_ =	shalt  }
0x68: {  	_ =	shalt  }
0x69: {  	_ =	shalt  }
0x6a: {  	_ =	shalt  }
0x6b: {  	_ =	shalt  }
0x6c: {  	_ =	shalt  }
0x6d: {  	_ =	shalt  }
0x6e: {  	_ =	shalt  }
0x6f: {  	_ =	shalt  }
0x70: {  	_ =	shalt  }
0x71: {  	_ =	shalt  }
0x72: {  	_ =	shalt  }
0x73: {  	_ =	shalt  }
0x74: {  	_ =	shalt  }
0x75: {  	_ =	shalt  }
0x76: {  	_ =	shalt  }
0x77: {  	_ =	shalt  }
0x78: {  	_ =	shalt  }
0x79: {  	_ =	shalt  }
0x7a: {  	_ =	shalt  }
0x7b: {  	_ =	shalt  }
0x7c: {  	_ =	shalt  }
0x7d: {  	_ =	shalt  }
0x7e: {  	_ =	shalt  }
0x7f: {  	_ =	shalt  }
0x80: {  	_ =	shalt  }
0x81: {  	_ =	shalt  }
0x82: {  	_ =	shalt  }
0x83: {  	_ =	shalt  }
0x84: {  	_ =	shalt  }
0x85: {  	_ =	shalt  }
0x86: {  	_ =	shalt  }
0x87: {  	_ =	shalt  }
.Lfunc_end0:
.L_simem_size_0:
called_computation.2_lowered:
.L_overlay_start_0:
0x88: {  	s2 =	sld [smem:$0x3FD9]  }
0x89: {  	s3 =	sld [smem:$0x3FFE];
	_ =	sdelay $0x1  }
0x8a: {  	s1 =	srdreg.scid  }
0x8b: {  	s0 =	sand.u32 $0x1, s1  }
0x8c: {  	s15 =	sshll.u32 s0, $0xA;
	s2 =	sadd.s32 s3, s2  }
0x8d: {  	s2 =	sadd.s32 s2, s15  }
0x8e: {  	[smem:$0x3FBA] =	sst s2  }
0x8f: {  	_ = 	snop  }
0x90: {  	(tm) =	ssettm $0x1  }
0x91: {  	s16 =	sld [smem:$0x3FFB];
	_ =	sdelay $0x3  }
0x92: {  	_ =	strace s16  }
0x93: {  	s2 =	sld [smem:$0x3FFC];
	_ =	sdelay $0x3  }
0x94: {  	_ =	strace s2  }
0x95: {  	s2 =	sld [smem:$0x3FFD];
	_ =	sdelay $0x3  }
0x96: {  	_ =	strace s2  }
0x97: {  	_ =	strace $0x8FFFFFFF  }
0x98: {  	s17 =	sld [smem:$0x3FDB];
	_ =	sdelay $0x1  }
0x99: {  	s18 =	simm.s32 $_scs_section_size  }
0x9a: {  	s4 =	simm.s32 $_size__tile_overlayer_lowered;
	s5 =	simm.s32 $_tile_overlayer_lowered  }
0x9b: {  	s21 =	simm.s32 $0x1BFF;
	s20 =	sshll.u32 s5, $0x1;
	s2 =	sadd.s32 s18, s17  }
0x9c: {  	s6 =	simm.s32 $0x0;
	s19 =	sshll.u32 s4, $0x1;
	s4 =	sadd.s32 s20, s2  }
0x9d: {  	[timem:s6], [sflag:s21] =	dma.local [hbm:s4], s19  }
0x9e: {  	_ =	swait.ge [sflag:s21], s19  }
0x9f: {  	s3 =	ssub.s32 $0x0, s19;
	[sflag:s21] =	ssyncset.done $0x0  }
0xa0: {  	[sflag:s21] =	ssyncadd.s32 s3;
	_ =	sdelay $0x1  }
0xa1: {  	s22 =	simm.s32 $0x1B8B  }
0xa2: {  	_ =	swait.ge [sflag:s22], $0x1  }
0xa3: {  	[sflag:s22] =	ssyncset.done $0x0  }
0xa4: {  	s23 =	sld [smem:$0x3FFE];
	[sflag:s22] =	ssyncadd.s32 $0xFFFFFFFF  }
0xa5: {  	s25 =	simm.s32 $0x1B8E;
	s24 =	sld [smem:$0x0]  }
0xa6: {  	s26 =	simm.s32 $execute0_lowered;
	[smem:$0x3FD2] =	sst s25  }
0xa7: {  	s5 =	sshll.u32 s26, $0x1;
	_ =	strace $0x80000055;
	[dreg:$0x1] =	wrdreg $0xFFFFFFFF  }
0xa8: {  	s28 =	simm.s32 $_size_execute0_lowered;
	s2 =	sadd.s32 s2, s5;
	[dreg:$0x0] =	wrdreg $0x0  }
0xa9: {  	s5 =	sshll.u32 s28, $0x1;
	[dreg:$0x2] =	wrdreg s2  }
0xaa: {  	[dreg:$0x3] =	wrdreg s5  }
0xab: {  	[dreg:$0x4] =	wrdreg $0xC0  }
0xac: {  	_ =	task [dreg:s6], $0x5FFFF  }
0xad: {  	[dreg:$0x1] =	wrdreg $0xFFFFFFFF  }
0xae: {  	[dreg:$0x0] =	wrdreg $0x60  }
0xaf: {  	[dreg:$0x2] =	wrdreg s23  }
0xb0: {  	[dreg:$0x3] =	wrdreg s1  }
0xb1: {  	[dreg:$0x4] =	wrdreg s24  }
0xb2: {  	[dreg:$0x5] =	wrdreg $0x9  }
0xb3: {  	_ =	task.clear_ibuf [dreg:s6], $0x6FFFF;
	_ =	strace $0x90000055  }
0xb4: {  	s29 =	simm.s32 $0x9;
	_ =	strace $0x80000057  }
0xb5: {  	_ =	swait.ge [sflag:s29], $0x1  }
0xb6: {  	[sflag:s29] =	ssyncadd.s32 $0xFFFFFFFF  }
0xb7: {  	_ =	strace $0x90000057  }
0xb8: {  	_ =	sfence  }
0xb9: {  	s30 =	sld [smem:$0x0];
	_ =	sdelay $0x2  }
0xba: {  	s31 =	sshll.u32 s1, $0xD;
	s1 =	sshrl.u32 s1, $0x2  }
0xbb: {  	s3 =	sand.u32 $0x4000, s31;
	s1 =	sadd.s32 s1, s30  }
0xbc: {  	s0 =	sor.u32 s3, s0;
	s1 =	sshll.u32 s1, $0x11  }
0xbd: {  	s0 =	sor.u32 s1, s0  }
0xbe: {  	s0 =	sadd.s32 $0x8F2B, s0  }
0xbf: {  	[sflag:s0] =	ssyncadd.remote.s32 $0x1  }
0xc0: {  	_ =	sfence.sel $0xFFFF  }
0xc1: {  	[dreg:$0x0] =	wrdreg $0xFFFFFFFF;
	(pc) =	sbr.abs _section_cstart, $3  }
0xc2: {  	[dreg:$0x1] =	wrdreg $0xFFFFFFFF  }
0xc3: {  	_ =	task.clear_ibuf [dreg:s6], $0x2FFFF;
	_ =	strace $0x9FFFFFFF  }
0xc4: {  	(tm) =	ssettm $0x7FFFFFFF  }
0xc5: {  	_ =	shalt  }
tec
execute0_lowered:
.L_overlay_start_1:
0x0: {  	(tag) =	ssettag $0x1  }
0x1: {  	s2 =	rddreg [dreg:$0x0]  }
0x2: {  	s4 =	rddreg [dreg:$0x1];
	_ =	strace $0x80000056;
	s0 =	simm.s32 $0x1  }
0x3: {  	s3 =	simm.s32 $0x88;
	v0 =	vimm.s32 $0x0;
	[sflag:s0] =	ssyncpa.u1 $0x0  }
0x4: {  	s1 =	sadd.s32 $0x45200, s2;
	[tilespmem:s3+$0x30] =	vst v0  }
0x5: {  	s0 =	sadd.s32 $0x7ABE00, s2;
	s6 =	sadd.s32 $0x7BFA00, s2;
	[tilespmem:s3+$0x20] =	vst v0  }
0x6: {  	s2 =	sadd.s32 $0x7B5C00, s2;
	s7 =	sand.u32 $0x1, s4;
	s4 =	simm.s32 $0x40;
	[tilespmem:s3+$0x10] =	vst v0  }
.LBB2_1:
0x7: {  	s4 =	sadd.s32 $0x40, s4  }
0x8: {  	[tilespmem:s3+$0x0] =	vst v0;
	s3 =	sadd.s32 $0x40, s3;
	p0 =	slt.u32 s4, $0x5040  }
.Ltmp0:
0x9: {  	(pc) =	sbr.rel @p0 .LBB2_1-.Ltmp0, $4  }
0xa: {  	_ = 	snop  }
0xb: {  	[tilespmem:s3+$0x30] =	vst v0  }
0xc: {  	[tilespmem:s3+$0x20] =	vst v0  }
0xd: {  	[tilespmem:s3+$0x10] =	vst v0  }
0xe: {  	s8 =	stileid.u32  }
0xf: {  	s4 =	smul.u32 $0x1F, s8  }
0x10: {  	s5 =	smin.u32 s8, $0x4  }
0x11: {  	s4 =	sadd.s32 s5, s4  }
0x12: {  	p0 =	slt.u32 s8, $0x4;
	s12 =	smul.u32 $0x140, s4;
	s4 =	simm.s32 $0x2800  }
0x13: {  	s4 =	simm.s32 @!p0 $0x26C0  }
0x14: {  	s25 =	simm.s32 $0x2;
	s4 =	sadd.s32 s4, s12  }
0x15: {  	s28 =	simm.s32 $0x9;
	s9 =	simm.s32 $0xA;
	s14 =	smin.u32 s4, $0x27100  }
0x16: {  	s30 =	simm.s32 $0xB;
	[dreg:$0x4] =	wrdreg s7;
	s4 =	ssub.s32 s14, s12  }
0x17: {  	s31 =	smul.u32 $0x4E20, s7;
	s13 =	simm.s32 $0x1;
	p0 =	sgt.s32 s4, $0x0  }
0x18: {  	s19 =	simm.s32 $0x0;
	s20 =	simm.s32 $0xA808;
	s4 =	simm.s32 @!p0 $0x0  }
0x19: {  	s21 =	simm.s32 $0xFFFFFFFF;
	p1 =	por $0x0, $0x0;
	s26 =	smulhi.u32 $0x66666667, s4  }
0x1a: {  	[tilespmem:s3+$0x0] =	vst v0;
	s23 =	simm.s32 $0x0;
	[sflag:s25] =	ssyncpa.u1 $0x0;
	s18 =	sshll.u32 s8, $0x7  }
0x1b: {  	s0 =	sadd.s32 s31, s0;
	[dreg:$0xa] =	wrdreg s18;
	s3 =	sshrl.u32 s26, $0x7  }
0x1c: {  	v0 =	vimm.s32 $0xFFFFFFFF;
	s17 =	sadd.s32 s31, s2;
	[dreg:$0x9] =	wrdreg s0;
	s29 =	smul.u32 $0x140, s3  }
0x1d: {  	s25 =	simm.s32 $0x0;
	[tilespmem:$0xA108] =	vst v0;
	[sflag:s28] =	ssyncpa.u1 $0x0;
	[dreg:$0x8] =	wrdreg s17  }
.Ltmp1:
0x1e: {  	p0 =	sne.s32 s4, s29;
	s4 =	simm.s32 $0x1;
	(pc) =	sbr.rel .LBB2_3-.Ltmp1, $4  }
0x1f: {  	[sflag:s9] =	ssyncpa.u1 $0x0;
	[dreg:$0x5] =	wrdreg s12;
	s4 =	simm.s32 @!p0 $0x0  }
0x20: {  	[sflag:s30] =	ssyncpa.u1 $0x0;
	[dreg:$0x6] =	wrdreg s14;
	s15 =	sadd.s32 s4, s3  }
0x21: {  	s24 =	smov.u32 s12;
	s22 =	sadd.s32 $0x1, s15;
	[dreg:$0x7] =	wrdreg s15  }
0x22: {  	v0 =	vlaneseq.u32;
	s26 =	simm.s32 $0x0;
	p0 =	por $0x1, $0x1;
	[dreg:$0xb] =	wrdreg s22  }
.LBB2_22:
0x23: {  	s0 =	sshrl.u32 s3, $0x2  }
.LBB2_24:
0x24: {  	s3 =	simm.s32 $0xC  }
0x25: {  	_ =	swait.ge [sflag:s3], s0  }
0x26: {  	s31 =	ssub.s32 $0x0, s0;
	v1 =	vmov s4;
	vm0 =	veq.s32 v0, $0x0;
	[sflag:s3] =	ssyncset.done $0x0  }
0x27: {  	vm15 =	veq.s32 v0, $0x2;
	v1 =	vsel vm0, s2, v1;
	[sflag:s3] =	ssyncadd.s32 s31  }
0x28: {  	v1 =	vsel vm15, s26, v1;
	[sflag:s3] =	ssyncpa.u1 $0x1  }
0x29: {  	[tilespmem:$0xA108] =	vst v1  }
.LBB2_25:
0x2a: {  	s0 =	sadd.s32 $0x140, s24  }
0x2b: {  	s2 =	smov.u32 s12;
	p2 =	slt.s32 s0, s14  }
0x2c: {  	s2 =	smov.u32 @p2 s0;
	p2 =	sne.s32 s25, s22  }
.Ltmp2:
0x2d: {  	_ = 	snop;
	(pc) =	sbr.rel @!p2 .LBB2_26-.Ltmp2, $4  }
0x2e: {  	_ = 	snop  }
0x2f: {  	s26 =	smov.u32 s23;
	s31 =	sadd.s32 $0x1, s25;
	p0 =	por !p0, !p0  }
0x30: {  	s23 =	smov.u32 s24;
	s20 =	sadd.s32 $0x140, s20;
	s21 =	sadd.s32 $0x1, s21  }
0x31: {  	p1 =	por !p1, !p1;
	s25 =	smov.u32 s31;
	s24 =	smov.u32 s2  }
.LBB2_3:
0x32: {  	p2 =	sge.u32 s25, s15  }
0x33: {  	s0 =	smulhi.u32 @!p2 $0xAAAAAAAB, s25  }
0x34: {  	s2 =	smov.u32 s24;
	p3 =	sgt.s32 @!p2 s24, $0x26FC0  }
0x35: {  	s3 =	sshra.s32 @!p2 s24, $0x1F;
	p3 =	por !p3, p2;
	s0 =	sshrl.u32 @!p2 s0, $0x1  }
0x36: {  	s3 =	sand.u32 @!p2 s3, s24;
	s2 =	simm.s32 @p3 $0x26FC0;
	s0 =	smul.u32 @!p2 $0x3, s0  }
0x37: {  	s2 =	ssub.s32 @!p2 s2, s3  }
0x38: {  	s2 =	sadd.s32 @!p2 $0xFFFD9040, s2;
	s0 =	ssub.s32 @!p2 s25, s0  }
0x39: {  	s3 =	sshll.u32 @!p2 s2, $0x2;
	p3 =	sgt.s32 @!p2 s2, $0x13F;
	s0 =	smul.u32 @!p2 $0x500, s0  }
0x3a: {  	s4 =	sand.u32 @!p2 $0x7, s24;
	s2 =	ssub.s32 @!p2 $0x500, s3;
	p3 =	por !p3, p2  }
0x3b: {  	s3 =	sshrl.u32 @!p2 s24, $0x3;
	s2 =	sshrl.u32 @!p2 s2, $0x2;
	s0 =	sshrl.u32 @!p2 s0, $0x2  }
0x3c: {  	s3 =	sadd.s32 @!p2 s3, s17;
	s2 =	simm.s32 @!p3 $0x0;
	s0 =	sadd.s32 @!p2 $0xA948, s0  }
0x3d: {  	[tilespmem:s0], [sflag:$0xA] =	stream.linear.gather @!p2 [hbm4b:s3+s4], s2, $0x38;
	[tilespmem:$0x1EF88] =	vst v63  }
0x3e: {  	s0 =	sadd.s32 $0xFFFFFFFF, s25  }
0x3f: {  	p2 =	sge.u32 s0, s15  }
.Ltmp3:
0x40: {  	_ = 	snop;
	(pc) =	sbr.rel @p2 .LBB2_7-.Ltmp3, $1  }
0x41: {  	_ =	sdelay $0x3  }
0x42: {  	p2 =	sgt.s32 s23, $0x26FC0;
	s2 =	smov.u32 s23;
	s3 =	sshra.s32 s23, $0x1F  }
0x43: {  	s2 =	simm.s32 @!p2 $0x26FC0;
	s3 =	sand.u32 s3, s23  }
0x44: {  	s17 =	smulhi.u32 $0xAAAAAAAB, s21;
	s2 =	ssub.s32 s2, s3  }
0x45: {  	s0 =	sand.u32 $0x1, s0;
	s2 =	sadd.s32 $0xFFFD9040, s2  }
0x46: {  	s5 =	simm.s32 $0xA;
	s3 =	sshrl.u32 s17, $0x1;
	s4 =	sshll.u32 s2, $0x2  }
0x47: {  	s7 =	sshrl.u32 s23, $0x3;
	s3 =	smul.u32 $0xFFFFF100, s3;
	s4 =	ssub.s32 $0x500, s4  }
0x48: {  	s18 =	smul.u32 $0x500, s0;
	p2 =	sgt.s32 s2, $0x13F;
	s2 =	sshrl.u32 s4, $0x2  }
0x49: {  	s9 =	sand.u32 $0x7, s23;
	s3 =	sshra.s32 s3, $0x2;
	s2 =	simm.s32 @p2 $0x0  }
0x4a: {  	s0 =	sadd.s32 s3, s20;
	s4 =	sshrl.u32 s18, $0x2;
	_ =	swait.ge [sflag:s5], s2  }
0x4b: {  	s22 =	ssub.s32 $0x0, s2;
	[sflag:s5] =	ssyncset.done $0x0;
	s8 =	rddreg [dreg:$0x9]  }
0x4c: {  	s4 =	sadd.s32 $0xAD08, s4;
	[sflag:s5] =	ssyncadd.s32 s22;
	s3 =	sadd.s32 s7, s8  }
0x4d: {  	[tilespmem:s4], [sflag:$0xB] =	stream.linear.gather [hbm4b:s3+s9], s2, $0x38;
	[tilespmem:$0x1EF88] =	vst v63  }
0x4e: {  	v1 =	vld.msk [tilespmem:s0+$0x0], $0xffff;
	_ =	sdelay $0x4  }
0x4f: {  	v1 =	vshll.u32 v1, $0x4  }
0x50: {  	(v2sf) =	vpush v1, $0x0  }
0x51: {  	(v2sf) =	vpush v1, $0x1  }
0x52: {  	(v2sf) =	vpush v1, $0x2;
	_ =	sdelay $0x3  }
0x53: {  	(v2sf) =	vpush v1, $0x3;
	_ =	sdelay $0x1  }
0x54: {  	(v2sf) =	vpush v1, $0x4  }
0x55: {  	s2 =	simm.s32 $0x1;
	(v2sf) =	vpush v1, $0x5  }
0x56: {  	s2 =	simm.s32 @!p0 $0x0  }
0x57: {  	s2 =	smul.u32 $0x28000, s2;
	(v2sf) =	vpush v1, $0x6;
	_ =	sdelay $0x1  }
0x58: {  	s2 =	sshrl.u32 s2, $0x2  }
0x59: {  	s28 =	sadd.s32 $0xB708, s2  }
0x5a: {  	s12 =	sadd.s32 $0xFFFFF880, s28;
	s17 =	sadd.s32 $0xFFFFF900, s28;
	s10 =	spop (v2sf);
	(v2sf) =	vpush v1, $0x7  }
0x5b: {  	s18 =	sadd.s32 $0xFFFFF980, s28;
	s11 =	sand.u32 $0x1FFFFFF0, s10;
	s14 =	spop (v2sf)  }
0x5c: {  	(v2sf) =	vpush v1, $0x8;
	s2 =	sadd.s32 s6, s11;
	s15 =	sand.u32 $0x1FFFFFF0, s14;
	s16 =	spop (v2sf)  }
0x5d: {  	[tilespmem:s12], [sflag:$0x9] =	stream.linear.gather [hbm4b:s2+s19], $0x40, $0x38;
	[tilespmem:$0x1EF88] =	vst v63  }
0x5e: {  	s5 =	sadd.s32 $0xFFFFFA00, s28;
	s2 =	sadd.s32 s6, s15;
	s3 =	sand.u32 $0x1FFFFFF0, s16  }
0x5f: {  	(v2sf) =	vpush v1, $0x9;
	[tilespmem:s17], [sflag:$0x9] =	stream.linear.gather [hbm4b:s2+s19], $0x40, $0x38;
	[tilespmem:$0x1EF88] =	vst v63  }
0x60: {  	s7 =	sadd.s32 $0xFFFFFA80, s28;
	s22 =	spop (v2sf);
	s3 =	sadd.s32 s6, s3  }
0x61: {  	(v2sf) =	vpush v1, $0xA;
	[tilespmem:s18], [sflag:$0x9] =	stream.linear.gather [hbm4b:s3+s19], $0x40, $0x38;
	[tilespmem:$0x1EF88] =	vst v63  }
0x62: {  	s11 =	sadd.s32 $0xFFFFFB00, s28;
	s4 =	spop (v2sf);
	(v2sf) =	vpush v1, $0xB;
	s3 =	sand.u32 $0x1FFFFFF0, s22  }
0x63: {  	s8 =	spop (v2sf);
	s2 =	sadd.s32 s6, s3;
	s3 =	sand.u32 $0x1FFFFFF0, s4  }
0x64: {  	(v2sf) =	vpush v1, $0xC;
	[tilespmem:s5], [sflag:$0x9] =	stream.linear.gather [hbm4b:s2+s19], $0x40, $0x38;
	[tilespmem:$0x1EF88] =	vst v63  }
0x65: {  	s9 =	sand.u32 $0x1FFFFFF0, s8;
	s10 =	spop (v2sf);
	s3 =	sadd.s32 s6, s3  }
0x66: {  	(v2sf) =	vpush v1, $0xD;
	[tilespmem:s7], [sflag:$0x9] =	stream.linear.gather [hbm4b:s3+s19], $0x40, $0x38;
	[tilespmem:$0x1EF88] =	vst v63  }
0x67: {  	s12 =	sadd.s32 $0xFFFFFB80, s28;
	s2 =	sadd.s32 s6, s9;
	s3 =	sand.u32 $0x1FFFFFF0, s10  }
0x68: {  	[tilespmem:s11], [sflag:$0x9] =	stream.linear.gather [hbm4b:s2+s19], $0x40, $0x38;
	[tilespmem:$0x1EF88] =	vst v63  }
0x69: {  	s17 =	sadd.s32 $0xFFFFFC00, s28;
	s3 =	sadd.s32 s6, s3;
	s14 =	spop (v2sf)  }
0x6a: {  	[tilespmem:s12], [sflag:$0x9] =	stream.linear.gather [hbm4b:s3+s19], $0x40, $0x38;
	(v2sf) =	vpush v1, $0xE;
	[tilespmem:$0x1EF88] =	vst v63  }
0x6b: {  	s18 =	sadd.s32 $0xFFFFFC80, s28;
	s15 =	sand.u32 $0x1FFFFFF0, s14;
	s16 =	spop (v2sf)  }
0x6c: {  	s5 =	sadd.s32 $0xFFFFFD00, s28;
	(v2sf) =	vpush v1, $0xF;
	s2 =	sadd.s32 s6, s15;
	s3 =	sand.u32 $0x1FFFFFF0, s16  }
0x6d: {  	[tilespmem:s17], [sflag:$0x9] =	stream.linear.gather [hbm4b:s2+s19], $0x40, $0x38;
	[tilespmem:$0x1EF88] =	vst v63  }
0x6e: {  	s7 =	sadd.s32 $0xFFFFFD80, s28;
	s22 =	spop (v2sf);
	s3 =	sadd.s32 s6, s3  }
0x6f: {  	[tilespmem:s18], [sflag:$0x9] =	stream.linear.gather [hbm4b:s3+s19], $0x40, $0x38;
	[tilespmem:$0x1EF88] =	vst v63  }
0x70: {  	s11 =	sadd.s32 $0xFFFFFE00, s28;
	s4 =	spop (v2sf);
	s3 =	sand.u32 $0x1FFFFFF0, s22  }
0x71: {  	s8 =	spop (v2sf);
	s2 =	sadd.s32 s6, s3;
	s3 =	sand.u32 $0x1FFFFFF0, s4  }
0x72: {  	[tilespmem:s5], [sflag:$0x9] =	stream.linear.gather [hbm4b:s2+s19], $0x40, $0x38;
	[tilespmem:$0x1EF88] =	vst v63  }
0x73: {  	s9 =	sand.u32 $0x1FFFFFF0, s8;
	s10 =	spop (v2sf);
	s3 =	sadd.s32 s6, s3  }
0x74: {  	[tilespmem:s7], [sflag:$0x9] =	stream.linear.gather [hbm4b:s3+s19], $0x40, $0x38;
	[tilespmem:$0x1EF88] =	vst v63  }
0x75: {  	s14 =	spop (v2sf);
	s2 =	sadd.s32 s6, s9;
	s3 =	sand.u32 $0x1FFFFFF0, s10  }
0x76: {  	[tilespmem:s11], [sflag:$0x9] =	stream.linear.gather [hbm4b:s2+s19], $0x40, $0x38;
	[tilespmem:$0x1EF88] =	vst v63  }
0x77: {  	s12 =	sadd.s32 $0xFFFFFE80, s28;
	s15 =	sand.u32 $0x1FFFFFF0, s14;
	s3 =	sadd.s32 s6, s3  }
0x78: {  	[tilespmem:s12], [sflag:$0x9] =	stream.linear.gather [hbm4b:s3+s19], $0x40, $0x38;
	[tilespmem:$0x1EF88] =	vst v63  }
0x79: {  	s17 =	sadd.s32 $0xFFFFFF00, s28;
	s2 =	sadd.s32 s6, s15;
	s16 =	spop (v2sf)  }
0x7a: {  	[tilespmem:s17], [sflag:$0x9] =	stream.linear.gather [hbm4b:s2+s19], $0x40, $0x38;
	[tilespmem:$0x1EF88] =	vst v63  }
0x7b: {  	s29 =	simm.s32 $0x0;
	s3 =	sand.u32 $0x1FFFFFF0, s16;
	s18 =	spop (v2sf)  }
0x7c: {  	s22 =	sadd.s32 $0xFFFFFF80, s28;
	s3 =	sadd.s32 s6, s3;
	s2 =	sand.u32 $0x1FFFFFF0, s18  }
0x7d: {  	[tilespmem:s22], [sflag:$0x9] =	stream.linear.gather [hbm4b:s3+s19], $0x40, $0x38;
	[tilespmem:$0x1EF88] =	vst v63  }
0x7e: {  	s31 =	sadd.s32 $0x10, s0;
	s30 =	sadd.s32 $0x800, s28;
	s2 =	sadd.s32 s6, s2  }
.LBB2_5:
0x7f: {  	[tilespmem:s28], [sflag:$0x9] =	stream.linear.gather [hbm4b:s2+s19], $0x40, $0x38;
	[tilespmem:$0x1EF88] =	vst v63  }
0x80: {  	s29 =	sadd.s32 $0x10, s29;
	s28 =	smov.u32 s30  }
0x81: {  	p2 =	slt.u32 s29, $0x130;
	v1 =	vld.msk [tilespmem:s31+$0x0], $0xffff;
	_ =	sdelay $0x4  }
0x82: {  	v1 =	vshll.u32 v1, $0x4  }
0x83: {  	(v2sf) =	vpush v1, $0x0  }
0x84: {  	(v2sf) =	vpush v1, $0x1  }
0x85: {  	(v2sf) =	vpush v1, $0x2;
	_ =	sdelay $0x1  }
0x86: {  	(v2sf) =	vpush v1, $0x3;
	_ =	sdelay $0x1  }
0x87: {  	(v2sf) =	vpush v1, $0x4;
	_ =	sdelay $0x1  }
0x88: {  	(v2sf) =	vpush v1, $0x5;
	_ =	sdelay $0x1  }
0x89: {  	(v2sf) =	vpush v1, $0x6  }
0x8a: {  	s4 =	sadd.s32 $0xFFFFFE80, s30;
	s0 =	sadd.s32 $0xFFFFFF00, s30  }
0x8b: {  	s3 =	sadd.s32 $0xFFFFFD00, s30;
	s2 =	sadd.s32 $0xFFFFFD80, s30;
	s5 =	sadd.s32 $0xFFFFFE00, s30;
	(v2sf) =	vpush v1, $0x7  }
0x8c: {  	s10 =	sadd.s32 $0xFFFFFB80, s30;
	s9 =	sadd.s32 $0xFFFFFC00, s30;
	s16 =	sadd.s32 $0xFFFFFC80, s30  }
0x8d: {  	s11 =	sadd.s32 $0xFFFFFA00, s30;
	s12 =	sadd.s32 $0xFFFFFA80, s30;
	s15 =	sadd.s32 $0xFFFFFB00, s30;
	(v2sf) =	vpush v1, $0x8  }
0x8e: {  	s18 =	sadd.s32 $0xFFFFF900, s30;
	s7 =	sadd.s32 $0xFFFFF980, s30;
	s22 =	spop (v2sf)  }
0x8f: {  	s8 =	sadd.s32 $0xFFFFF880, s30;
	s22 =	sand.u32 $0x1FFFFFF0, s22;
	s14 =	spop (v2sf);
	(v2sf) =	vpush v1, $0x9  }
0x90: {  	s22 =	sadd.s32 s6, s22;
	s14 =	sand.u32 $0x1FFFFFF0, s14;
	s17 =	spop (v2sf)  }
0x91: {  	[tilespmem:s8], [sflag:$0x9] =	stream.linear.gather [hbm4b:s22+s19], $0x40, $0x38;
	(v2sf) =	vpush v1, $0xA;
	[tilespmem:$0x1EF88] =	vst v63  }
0x92: {  	s8 =	sadd.s32 s6, s14;
	s14 =	sand.u32 $0x1FFFFFF0, s17;
	s17 =	spop (v2sf)  }
0x93: {  	[tilespmem:s18], [sflag:$0x9] =	stream.linear.gather [hbm4b:s8+s19], $0x40, $0x38;
	(v2sf) =	vpush v1, $0xB;
	[tilespmem:$0x1EF88] =	vst v63  }
0x94: {  	s8 =	sadd.s32 s6, s14;
	s14 =	sand.u32 $0x1FFFFFF0, s17;
	s17 =	spop (v2sf)  }
0x95: {  	[tilespmem:s7], [sflag:$0x9] =	stream.linear.gather [hbm4b:s8+s19], $0x40, $0x38;
	(v2sf) =	vpush v1, $0xC;
	[tilespmem:$0x1EF88] =	vst v63  }
0x96: {  	s7 =	sadd.s32 s6, s14;
	s8 =	sand.u32 $0x1FFFFFF0, s17;
	s14 =	spop (v2sf)  }
0x97: {  	[tilespmem:s11], [sflag:$0x9] =	stream.linear.gather [hbm4b:s7+s19], $0x40, $0x38;
	(v2sf) =	vpush v1, $0xD;
	[tilespmem:$0x1EF88] =	vst v63  }
0x98: {  	s7 =	sadd.s32 s6, s8;
	s8 =	sand.u32 $0x1FFFFFF0, s14;
	s11 =	spop (v2sf)  }
0x99: {  	[tilespmem:s12], [sflag:$0x9] =	stream.linear.gather [hbm4b:s7+s19], $0x40, $0x38;
	(v2sf) =	vpush v1, $0xE;
	[tilespmem:$0x1EF88] =	vst v63  }
0x9a: {  	s7 =	sadd.s32 s6, s8;
	s8 =	sand.u32 $0x1FFFFFF0, s11;
	s11 =	spop (v2sf)  }
0x9b: {  	[tilespmem:s15], [sflag:$0x9] =	stream.linear.gather [hbm4b:s7+s19], $0x40, $0x38;
	(v2sf) =	vpush v1, $0xF;
	[tilespmem:$0x1EF88] =	vst v63  }
0x9c: {  	s7 =	sadd.s32 s6, s8;
	s8 =	sand.u32 $0x1FFFFFF0, s11;
	s11 =	spop (v2sf)  }
0x9d: {  	[tilespmem:s10], [sflag:$0x9] =	stream.linear.gather [hbm4b:s7+s19], $0x40, $0x38;
	[tilespmem:$0x1EF88] =	vst v63  }
0x9e: {  	s7 =	sadd.s32 s6, s8;
	s8 =	sand.u32 $0x1FFFFFF0, s11;
	s10 =	spop (v2sf)  }
0x9f: {  	[tilespmem:s9], [sflag:$0x9] =	stream.linear.gather [hbm4b:s7+s19], $0x40, $0x38;
	[tilespmem:$0x1EF88] =	vst v63  }
0xa0: {  	s7 =	sadd.s32 s6, s8;
	s8 =	sand.u32 $0x1FFFFFF0, s10;
	s9 =	spop (v2sf)  }
0xa1: {  	[tilespmem:s16], [sflag:$0x9] =	stream.linear.gather [hbm4b:s7+s19], $0x40, $0x38;
	[tilespmem:$0x1EF88] =	vst v63  }
0xa2: {  	s7 =	sadd.s32 s6, s8;
	s8 =	sand.u32 $0x1FFFFFF0, s9;
	s9 =	spop (v2sf)  }
0xa3: {  	[tilespmem:s3], [sflag:$0x9] =	stream.linear.gather [hbm4b:s7+s19], $0x40, $0x38;
	[tilespmem:$0x1EF88] =	vst v63  }
0xa4: {  	s3 =	sadd.s32 s6, s8;
	s7 =	sand.u32 $0x1FFFFFF0, s9;
	s8 =	spop (v2sf)  }
0xa5: {  	[tilespmem:s2], [sflag:$0x9] =	stream.linear.gather [hbm4b:s3+s19], $0x40, $0x38;
	[tilespmem:$0x1EF88] =	vst v63  }
0xa6: {  	s2 =	sadd.s32 s6, s7;
	s3 =	sand.u32 $0x1FFFFFF0, s8;
	s7 =	spop (v2sf)  }
0xa7: {  	[tilespmem:s5], [sflag:$0x9] =	stream.linear.gather [hbm4b:s2+s19], $0x40, $0x38;
	[tilespmem:$0x1EF88] =	vst v63  }
0xa8: {  	s2 =	sadd.s32 s6, s3;
	s3 =	sand.u32 $0x1FFFFFF0, s7;
	s5 =	spop (v2sf)  }
0xa9: {  	[tilespmem:s4], [sflag:$0x9] =	stream.linear.gather [hbm4b:s2+s19], $0x40, $0x38;
	[tilespmem:$0x1EF88] =	vst v63  }
0xaa: {  	s2 =	sadd.s32 s6, s3  }
.Ltmp4:
0xab: {  	s3 =	sand.u32 $0x1FFFFFF0, s5;
	s4 =	spop (v2sf);
	(pc) =	sbr.rel @p2 .LBB2_5-.Ltmp4, $4  }
0xac: {  	[tilespmem:s0], [sflag:$0x9] =	stream.linear.gather [hbm4b:s2+s19], $0x40, $0x38;
	[tilespmem:$0x1EF88] =	vst v63  }
0xad: {  	s0 =	sadd.s32 s6, s3;
	s2 =	sadd.s32 $0xFFFFFF80, s30;
	s3 =	sand.u32 $0x1FFFFFF0, s4  }
0xae: {  	[tilespmem:s2], [sflag:$0x9] =	stream.linear.gather [hbm4b:s0+s19], $0x40, $0x38;
	[tilespmem:$0x1EF88] =	vst v63  }
0xaf: {  	s31 =	sadd.s32 $0x10, s31;
	s30 =	sadd.s32 $0x800, s30;
	s2 =	sadd.s32 s6, s3  }
0xb0: {  	[tilespmem:s28], [sflag:$0x9] =	stream.linear.gather [hbm4b:s2+s19], $0x40, $0x38;
	[tilespmem:$0x1EF88] =	vst v63  }
0xb1: {  	s12 =	rddreg [dreg:$0x5]  }
0xb2: {  	s14 =	rddreg [dreg:$0x6]  }
0xb3: {  	s15 =	rddreg [dreg:$0x7]  }
0xb4: {  	s17 =	rddreg [dreg:$0x8]  }
0xb5: {  	s18 =	rddreg [dreg:$0xa]  }
0xb6: {  	s22 =	rddreg [dreg:$0xb]  }
.LBB2_7:
0xb7: {  	p2 =	slt.u32 s25, $0x2  }
.Ltmp5:
0xb8: {  	_ = 	snop;
	(pc) =	sbr.rel @p2 .LBB2_25-.Ltmp5, $1  }
0xb9: {  	_ =	sdelay $0x3  }
0xba: {  	p2 =	sgt.s32 s26, $0x26FC0;
	s0 =	smov.u32 s26;
	s2 =	sshra.s32 s26, $0x1F  }
0xbb: {  	s0 =	simm.s32 @!p2 $0x26FC0;
	s2 =	sand.u32 s2, s26  }
0xbc: {  	s0 =	ssub.s32 s0, s2  }
0xbd: {  	s0 =	sadd.s32 $0xFFFD9040, s0  }
0xbe: {  	s3 =	simm.s32 $0x9;
	s29 =	sshll.u32 s0, $0x2  }
0xbf: {  	_ =	swait.ge [sflag:s3], $0x5000;
	s2 =	ssub.s32 $0x500, s29  }
0xc0: {  	[sflag:s3] =	ssyncset.done $0x0;
	p2 =	sgt.s32 s0, $0x13F;
	s0 =	sshrl.u32 s2, $0x2  }
0xc1: {  	s30 =	simm.s32 $0xB;
	[sflag:s3] =	ssyncadd.s32 $0xFFFFB000;
	s0 =	simm.s32 @p2 $0x0  }
0xc2: {  	_ =	swait.ge [sflag:s30], s0  }
0xc3: {  	s0 =	ssub.s32 $0x0, s0;
	[sflag:s30] =	ssyncset.done $0x0  }
0xc4: {  	[sflag:s30] =	ssyncadd.s32 s0  }
0xc5: {  	v1 =	vld [tilespmem:$0xA108];
	_ =	sdelay $0x4  }
0xc6: {  	(v2sf) =	vpush v1, $0x0  }
0xc7: {  	(v2sf) =	vpush v1, $0x1  }
0xc8: {  	(v2sf) =	vpush v1, $0x2;
	_ =	sdelay $0x3  }
0xc9: {  	s0 =	sadd.s32 $0x140, s26  }
0xca: {  	s4 =	ssub.s32 $0x4E200, s26;
	p2 =	slt.s32 s14, s0  }
0xcb: {  	s0 =	smov.u32 @p2 s14;
	p2 =	sgt.s32 s4, $0x0  }
0xcc: {  	s0 =	ssub.s32 s0, s26;
	s4 =	simm.s32 @!p2 $0x0  }
0xcd: {  	p2 =	slt.s32 s4, s0  }
0xce: {  	s0 =	smov.u32 @p2 s4  }
0xcf: {  	s2 =	simm.s32 $0x1;
	p2 =	slt.s32 s0, $0x1  }
.Ltmp6:
0xd0: {  	s2 =	simm.s32 @!p1 $0x0;
	(pc) =	sbr.rel @p2 .LBB2_12-.Ltmp6, $4  }
0xd1: {  	s7 =	smul.u32 $0x500, s2  }
0xd2: {  	s3 =	spop (v2sf)  }
0xd3: {  	s31 =	sshrl.u32 s7, $0x2;
	s5 =	spop (v2sf)  }
0xd4: {  	s28 =	sadd.s32 $0xAD08, s31;
	s26 =	spop (v2sf)  }
0xd5: {  	s4 =	smin.u32 s0, $0x10  }
0xd6: {  	v1 =	vmov s4  }
0xd7: {  	p3 =	sgt.s32 s0, $0x10;
	vm1 =	vgt.u32 v1, v0  }
.Ltmp7:
0xd8: {  	_ = 	snop;
	(pc) =	sbr.rel @!p3 .LBB2_11-.Ltmp7, $2  }
0xd9: {  	_ =	sdelay $0x2  }
0xda: {  	s9 =	simm.s32 $0x10;
	s10 =	sadd.s32 $0xFFFFFFF0, s0;
	s4 =	smov.u32 s28;
	vm0 =	vmmov vm1  }
.LBB2_10:
0xdb: {  	s7 =	smin.u32 s10, $0x10;
	s9 =	sadd.s32 $0x10, s9;
	v1 =	vld.msk [tilespmem:s4+$0x0 ss:$0x1], vm1  }
0xdc: {  	v2 =	vmov s7;
	p3 =	slt.s32 s9, s0  }
0xdd: {  	vm1 =	vgt.u32 v2, v0  }
.Ltmp8:
0xde: {  	(pc) =	sbr.rel @p3 .LBB2_10-.Ltmp8, $3  }
0xdf: {  	_ =	sdelay $0x1  }
0xe0: {  	v1 =	vshll.u32 v1, $0x4  }
0xe1: {  	s10 =	sadd.s32 $0xFFFFFFF0, s10;
	[tilespmem:s4+$0x0] =	vst.msk vm0, v1;
	s4 =	sadd.s32 $0x10, s4;
	vm0 =	vmmov vm1  }
.LBB2_11:
0xe2: {  	_ =	sdelay $0x4  }
0xe3: {  	v1 =	vld.msk [tilespmem:s4+$0x0 ss:$0x1], vm1;
	_ =	sdelay $0x4  }
0xe4: {  	v1 =	vshll.u32 v1, $0x4  }
0xe5: {  	[tilespmem:s4+$0x0] =	vst.msk vm0, v1  }
.LBB2_12:
0xe6: {  	s4 =	sand.u32 $0x1, s25  }
0xe7: {  	s4 =	smul.u32 $0x140, s4  }
0xe8: {  	p3 =	sne.s32 s5, $0xFFFFFFFF  }
0xe9: {  	v1 =	vld.msk @!p3 [tilespmem:s4+$0xAD08], $0x1;
	_ =	sdelay $0x4  }
0xea: {  	(v2sf) =	vpush @!p3 v1, $0x0;
	_ =	sdelay $0xc  }
.Ltmp9:
0xeb: {  	_ = 	snop;
	(pc) =	sbr.rel @p2 .LBB2_23-.Ltmp9, $4  }
0xec: {  	_ = 	snop  }
0xed: {  	s29 =	spop @!p3 (v2sf)  }
0xee: {  	s31 =	simm.s32 $0xC;
	s26 =	simm.s32 @!p3 $0x0;
	s4 =	smov.u32 s29  }
0xef: {  	[sflag:s31] =	ssyncpa.u1 $0x0;
	s29 =	smov.u32 @p3 s3;
	s4 =	smov.u32 @p3 s5  }
0xf0: {  	v1 =	vld.msk [tilespmem:s28+$0x0], $0x1;
	_ =	sdelay $0x4  }
0xf1: {  	(v2sf) =	vpush v1, $0x0;
	_ =	sdelay $0xe  }
0xf2: {  	s2 =	smul.u32 $0x28000, s2;
	s5 =	spop (v2sf)  }
0xf3: {  	s31 =	ssub.s32 $0x0, s0;
	p2 =	seq.s32 s29, s5  }
0xf4: {  	s3 =	smov.u32 s29;
	s2 =	sshrl.u32 s2, $0x2;
	p3 =	sgt.s32 @!p2 s29, $0x0  }
0xf5: {  	s30 =	sadd.s32 $0xAFA8, s2;
	s2 =	sadd.s32 $0x1, s31;
	p3 =	por !p3, p2  }
0xf6: {  	s3 =	simm.s32 @p3 $0x0;
	p3 =	seq.s32 s2, $0x0  }
.Ltmp10:
0xf7: {  	_ = 	snop;
	(pc) =	sbr.rel @p3 .LBB2_15-.Ltmp10, $4  }
0xf8: {  	_ = 	snop  }
0xf9: {  	s0 =	simm.s32 $0x0;
	s9 =	simm.s32 @!p2 $0x1;
	s3 =	smin.u32 @!p2 s3, $0x270F8  }
0xfa: {  	s10 =	simm.s32 @!p2 $0x50C8;
	s9 =	smov.u32 @p2 s0;
	s7 =	sand.u32 @!p2 $0x3FFF8, s3  }
0xfb: {  	s16 =	sand.u32 @!p2 $0x7, s3;
	s3 =	sadd.s32 $0x1, s28;
	s11 =	sadd.s32 @!p2 s1, s7  }
.LBB2_14:
0xfc: {  	s7 =	smov.u32 s9  }
0xfd: {  	[tilespmem:s10], [sflag:$0x2] =	stream.linear.gather @!p2 [hbm4b:s11+s16], $0x40, $0x38;
	[tilespmem:$0x1EF88] =	vst v63  }
0xfe: {  	s2 =	sadd.s32 $0x1, s2;
	s8 =	smov.u32 s5;
	v1 =	vld.msk [tilespmem:s3+$0x0], $0x1  }
0xff: {  	p3 =	seq.s32 s2, $0x0;
	_ =	sdelay $0x3  }
0x100: {  	(v2sf) =	vpush v1, $0x0;
	_ =	sdelay $0xe  }
0x101: {  	s5 =	spop (v2sf)  }
0x102: {  	p2 =	seq.s32 s8, s5  }
0x103: {  	p4 =	sgt.s32 @!p2 s8, $0x0;
	s10 =	sshll.u32 @!p2 s9, $0x8;
	s9 =	sadd.s32 @!p2 $0x1, s9  }
.Ltmp11:
0x104: {  	p4 =	por !p4, p2;
	s10 =	sshra.s32 @!p2 s10, $0x2;
	(pc) =	sbr.rel @!p3 .LBB2_14-.Ltmp11, $4  }
0x105: {  	s9 =	smov.u32 @p2 s7;
	s8 =	simm.s32 @p4 $0x0;
	s10 =	sadd.s32 @!p2 $0x50C8, s10  }
0x106: {  	s7 =	smin.u32 @!p2 s8, $0x270F8  }
0x107: {  	s8 =	sand.u32 @!p2 $0x3FFF8, s7;
	s16 =	sand.u32 @!p2 $0x7, s7  }
0x108: {  	s3 =	sadd.s32 $0x1, s3;
	s11 =	sadd.s32 @!p2 s1, s8  }
.LBB2_15:
0x109: {  	[tilespmem:s10], [sflag:$0x2] =	stream.linear.gather @!p2 [hbm4b:s11+s16], $0x40, $0x38;
	[tilespmem:$0x1EF88] =	vst v63  }
.Ltmp12:
0x10a: {  	s2 =	sshll.u32 s9, $0x6;
	(pc) =	sbr.rel .LBB2_16-.Ltmp12, $4  }
0x10b: {  	s3 =	simm.s32 $0x2;
	s2 =	sand.u32 $0x3FFFFFC0, s2  }
0x10c: {  	_ =	swait.ge [sflag:s3], s2  }
0x10d: {  	s2 =	ssub.s32 $0x0, s2;
	[sflag:s3] =	ssyncset.done $0x0  }
0x10e: {  	[sflag:s3] =	ssyncadd.s32 s2;
	s3 =	simm.s32 $0x0  }
.LBB2_17:
0x10f: {  	v1 =	vld [tilespmem:s30+$0xFFFFFFE0];
	_ =	sdelay $0x4  }
0x110: {  	[tilespmem:s5+$0x88] =	vst.add.f32.msk $0xffff, v1  }
0x111: {  	v1 =	vld [tilespmem:s30+$0xFFFFFFF0];
	_ =	sdelay $0x4  }
0x112: {  	[tilespmem:s5+$0x98] =	vst.add.f32.msk $0xffff, v1  }
0x113: {  	v1 =	vld [tilespmem:s30+$0x0];
	_ =	sdelay $0x4  }
0x114: {  	[tilespmem:s5+$0xA8] =	vst.add.f32.msk $0xffff, v1  }
0x115: {  	v1 =	vld [tilespmem:s30+$0x10];
	_ =	sdelay $0x4  }
0x116: {  	[tilespmem:s5+$0xB8] =	vst.add.f32.msk $0xffff, v1  }
.LBB2_21:
0x117: {  	s31 =	sadd.s32 $0x1, s31  }
0x118: {  	p2 =	seq.s32 s31, $0x0  }
.Ltmp13:
0x119: {  	_ = 	snop;
	(pc) =	sbr.rel @p2 .LBB2_22-.Ltmp13, $2  }
0x11a: {  	_ =	sdelay $0x2  }
0x11b: {  	s30 =	sadd.s32 $0x80, s30;
	s28 =	sadd.s32 $0x1, s28;
	s29 =	smov.u32 s2  }
.LBB2_16:
0x11c: {  	v1 =	vld.msk [tilespmem:s28+$0x0], $0x1;
	_ =	sdelay $0x4  }
0x11d: {  	(v2sf) =	vpush v1, $0x0;
	_ =	sdelay $0xe  }
0x11e: {  	s2 =	spop (v2sf)  }
0x11f: {  	p2 =	sne.s32 s29, s2  }
.Ltmp14:
0x120: {  	_ = 	snop;
	(pc) =	sbr.rel @!p2 .LBB2_17-.Ltmp14, $3  }
0x121: {  	_ =	sdelay $0x1  }
0x122: {  	s5 =	sshll.u32 s26, $0x8  }
0x123: {  	s5 =	sshra.s32 s5, $0x2  }
0x124: {  	p2 =	seq.s32 s29, s4  }
.Ltmp15:
0x125: {  	_ = 	snop;
	(pc) =	sbr.rel @!p2 .LBB2_19-.Ltmp15, $1  }
0x126: {  	_ =	sdelay $0x3  }
.Ltmp16:
0x127: {  	s5 =	sadd.s32 $0x88, s5;
	(pc) =	sbr.rel .LBB2_20-.Ltmp16, $4  }
0x128: {  	[spmem:s18] =	stream.linear.scatter [tilespmem:s5], [sflag:$0x1], $0x40, $0x38;
	[tilespmem:$0x1EF88] =	vst v63  }
0x129: {  	_ =	swait.ge [sflag:s13], $0x40  }
0x12a: {  	[sflag:s13] =	ssyncset.done $0x0  }
0x12b: {  	[sflag:s13] =	ssyncadd.s32 $0xFFFFFFC0  }
.LBB2_19:
0x12c: {  	s7 =	sshll.u32 s0, $0x8  }
0x12d: {  	s7 =	sshra.s32 s7, $0x2  }
0x12e: {  	v1 =	vld [tilespmem:s7+$0x50C8];
	_ =	sdelay $0x4  }
0x12f: {  	[tilespmem:s5+$0x88] =	vst.add.f32.msk $0xffff, v1  }
0x130: {  	v1 =	vld [tilespmem:s7+$0x50D8];
	_ =	sdelay $0x4  }
0x131: {  	[tilespmem:s5+$0x98] =	vst.add.f32.msk $0xffff, v1  }
0x132: {  	v1 =	vld [tilespmem:s7+$0x50E8];
	_ =	sdelay $0x4  }
0x133: {  	[tilespmem:s5+$0xA8] =	vst.add.f32.msk $0xffff, v1  }
0x134: {  	v1 =	vld [tilespmem:s7+$0x50F8];
	_ =	sdelay $0x2  }
0x135: {  	p2 =	sgt.u32 s29, $0x270F8  }
0x136: {  	s7 =	sand.u32 @!p2 $0x3FFF8, s29  }
0x137: {  	s8 =	sadd.s32 $0x88, s5;
	[tilespmem:s5+$0xB8] =	vst.add.f32.msk $0xffff, v1;
	s5 =	sadd.s32 @!p2 s1, s7;
	s7 =	sand.u32 @!p2 $0x7, s29  }
0x138: {  	[hbm4b:s5+s7] =	stream.linear.scatter @!p2 [tilespmem:s8], [sflag:$0xC], $0x40, $0x38;
	[tilespmem:$0x1EF88] =	vst v63  }
0x139: {  	s5 =	simm.s32 $0x0  }
0x13a: {  	s5 =	simm.s32 @!p2 $0x100  }
0x13b: {  	s3 =	sadd.s32 s5, s3  }
.LBB2_20:
0x13c: {  	s5 =	sadd.s32 $0x1, s26  }
0x13d: {  	s7 =	smulhi.u32 $0xCCCCCCCD, s5;
	_ =	sdelay $0x1  }
0x13e: {  	v1 =	vld [tilespmem:s30+$0xFFFFFFE0];
	s7 =	sshrl.u32 s7, $0x8  }
0x13f: {  	s7 =	smul.u32 $0x140, s7;
	_ =	sdelay $0x1  }
0x140: {  	s26 =	ssub.s32 s5, s7  }
0x141: {  	s5 =	sshll.u32 s26, $0x6  }
0x142: {  	[tilespmem:s5+$0x88] =	vst v1  }
0x143: {  	v1 =	vld [tilespmem:s30+$0xFFFFFFF0];
	_ =	sdelay $0x4  }
0x144: {  	[tilespmem:s5+$0x98] =	vst v1  }
0x145: {  	v1 =	vld [tilespmem:s30+$0x0];
	_ =	sdelay $0x4  }
0x146: {  	[tilespmem:s5+$0xA8] =	vst v1  }
0x147: {  	v1 =	vld [tilespmem:s30+$0x10]  }
.Ltmp17:
0x148: {  	_ = 	snop;
	(pc) =	sbr.rel .LBB2_21-.Ltmp17, $2  }
0x149: {  	_ =	sdelay $0x2  }
0x14a: {  	s0 =	sadd.s32 $0x1, s0;
	[tilespmem:s5+$0xB8] =	vst v1  }
.LBB2_23:
.Ltmp18:
0x14b: {  	(pc) =	sbr.rel .LBB2_24-.Ltmp18, $4  }
0x14c: {  	_ = 	snop  }
0x14d: {  	s0 =	simm.s32 $0x2  }
0x14e: {  	_ =	swait.ge [sflag:s0], $0x0  }
0x14f: {  	s2 =	smov.u32 s29;
	[sflag:s0] =	ssyncset.done $0x0;
	s0 =	simm.s32 $0x0  }
.LBB2_26:
0x150: {  	_ =	sfence.sel $0x180000  }
0x151: {  	s0 =	simm.s32 $0x9;
	[bflag:$0x0] =	sbarrier.arrive $0xFFFF  }
0x152: {  	s24 =	simm.s32 $0xA;
	[sflag:s0] =	ssyncpa.u1 $0x1  }
0x153: {  	s25 =	simm.s32 $0xB;
	[sflag:s24] =	ssyncpa.u1 $0x1  }
0x154: {  	s26 =	simm.s32 $0x2;
	[sflag:s25] =	ssyncpa.u1 $0x1  }
0x155: {  	[sflag:s26] =	ssyncpa.u1 $0x1  }
0x156: {  	v0 =	vld [tilespmem:$0xA108];
	_ =	sdelay $0x4  }
0x157: {  	(v2sf) =	vpush v0, $0x0  }
0x158: {  	(v2sf) =	vpush v0, $0x1;
	_ =	sdelay $0x1  }
0x159: {  	(v2sf) =	vpush v0, $0x2;
	_ =	sdelay $0xb  }
0x15a: {  	s0 =	spop (v2sf)  }
0x15b: {  	s2 =	spop (v2sf)  }
0x15c: {  	s3 =	smov.u32 s0;
	p0 =	sne.s32 s0, s2  }
0x15d: {  	s4 =	spop (v2sf);
	s3 =	simm.s32 @!p0 $0xFFFFFFFF  }
0x15e: {  	v2 =	vimm.s32 $0x1;
	v3 =	vlaneseq.u32;
	p0 =	seq.s32 s4, $0xFFFFFFFF;
	v1 =	vmov s3  }
0x15f: {  	s14 =	stileid.u32;
	v0 =	vperm.xlane v0, v2;
	p1 =	sne.s32 @!p0 s0, s2;
	v1 =	vperm.xlane v1, v3  }
0x160: {  	vm0 =	vcmask $0x3F04;
	s6 =	simm.s32 $0xA108;
	s0 =	simm.s32 @!p0 $0x1;
	p1 =	por !p1, p0  }
0x161: {  	s3 =	sshll.u32 s14, $0x1;
	s2 =	sshll.u32 @!p0 s4, $0x8;
	s0 =	simm.s32 @p1 $0x0;
	v0 =	vsel vm0, v1, v0  }
0x162: {  	s5 =	sor.u32 $0x800, s3;
	s2 =	sshra.s32 @!p0 s2, $0x2;
	s0 =	sor.u32 @!p0 s0, s3;
	[tilespmem:$0xA108] =	vst v0  }
0x163: {  	[spmem:s5] =	stream.linear.scatter [tilespmem:s6], [sflag:$0x1], $0x2, $0x38;
	[tilespmem:$0x1EF88] =	vst v63  }
0x164: {  	s2 =	sadd.s32 @!p0 $0x88, s2;
	s0 =	sshll.u32 @!p0 s0, $0x6  }
0x165: {  	[spmem:s0] =	stream.linear.scatter @!p0 [tilespmem:s2], [sflag:$0x1], $0x40, $0x38;
	[tilespmem:$0x1EF88] =	vst v63  }
0x166: {  	s0 =	simm.s32 @!p0 $0x42  }
0x167: {  	s28 =	simm.s32 $0x1;
	s0 =	simm.s32 @p0 $0x2  }
0x168: {  	_ =	swait.ge [sflag:s28], s0  }
0x169: {  	s0 =	ssub.s32 $0x0, s0;
	[sflag:s28] =	ssyncset.done $0x0  }
0x16a: {  	p0 =	sne.s32 s14, $0x0;
	[sflag:s28] =	ssyncadd.s32 s0  }
.Ltmp19:
0x16b: {  	_ =	sfence.stream.spmem;
	(pc) =	sbr.rel @p0 .LBB2_43-.Ltmp19, $4  }
0x16c: {  	s29 =	simm.s32 $0x3;
	[bflag:$0x0] =	sbarrier.arrive $0xFFFF  }
0x16d: {  	s30 =	simm.s32 $0x4;
	[sflag:s29] =	ssyncpa.u1 $0x1  }
0x16e: {  	s31 =	simm.s32 $0x3C;
	[sflag:s30] =	ssyncpa.u1 $0x1  }
0x16f: {  	s13 =	rddreg [dreg:$0x4];
	[sflag:s31] =	ssyncpa.u1 $0x1  }
0x170: {  	_ =	sfence.stream.spmem;
	s0 =	simm.s32 $0x5  }
0x171: {  	s2 =	simm.s32 $0x800;
	s3 =	simm.s32 $0xA118;
	[sflag:s0] =	ssyncpa.u1 $0x0  }
0x172: {  	[tilespmem:s3], [sflag:$0x5] =	stream.linear.gather [spmem:s2], $0x20, $0x38;
	[tilespmem:$0x1EF88] =	vst v63  }
0x173: {  	s26 =	simm.s32 $0x0;
	s28 =	simm.s32 $0xA138  }
0x174: {  	[tilespmem:s28], [sflag:$0x5] =	stream.linear.gather [spmem:s26], $0x800, $0x38;
	[tilespmem:$0x1EF88] =	vst v63  }
0x175: {  	_ =	swait.ge [sflag:s0], $0x820  }
0x176: {  	[sflag:s0] =	ssyncset.done $0x0  }
0x177: {  	s29 =	simm.s32 $0x0;
	[sflag:s0] =	ssyncadd.s32 $0xFFFFF7E0  }
0x178: {  	v0 =	vld.msk [tilespmem:s29+$0xA118], $0x1;
	_ =	sdelay $0x1  }
0x179: {  	s30 =	simm.s32 $0x1  }
0x17a: {  	v1 =	vld.msk [tilespmem:s30+$0xA118], $0x1;
	_ =	sdelay $0x1  }
0x17b: {  	(v2sf) =	vpush v0, $0x0;
	_ =	sdelay $0x2  }
0x17c: {  	(v2sf) =	vpush v1, $0x0;
	_ =	sdelay $0x2  }
0x17d: {  	s31 =	simm.s32 $0x2  }
0x17e: {  	v0 =	vld.msk [tilespmem:s31+$0xA118], $0x1;
	_ =	sdelay $0x2  }
0x17f: {  	s2 =	simm.s32 $0xFFFFFFFF;
	s3 =	simm.s32 $0xFFFFFFFF;
	s0 =	simm.s32 $0xC  }
.LBB2_28:
0x180: {  	s4 =	smov.u32 s3;
	s5 =	smov.u32 s2  }
0x181: {  	s2 =	sshra.s32 s0, $0x2;
	p1 =	sne.s32 s0, $0x7C;
	s0 =	sadd.s32 $0x4, s0;
	(v2sf) =	vpush v0, $0x0  }
0x182: {  	v0 =	vld.msk [tilespmem:s2+$0xA118], $0x1  }
.Ltmp20:
0x183: {  	(pc) =	sbr.rel @p1 .LBB2_28-.Ltmp20, $4  }
0x184: {  	s3 =	spop (v2sf)  }
0x185: {  	p2 =	sne.s32 s5, $0xFFFFFFFF;
	s2 =	smov.u32 s3  }
0x186: {  	p3 =	seq.s32 s3, $0xFFFFFFFF;
	s2 =	smov.u32 @p2 s5  }
0x187: {  	s3 =	smov.u32 @p3 s4;
	s2 =	smov.u32 @p3 s5  }
0x188: {  	(v2sf) =	vpush v0, $0x0;
	_ =	sdelay $0x8  }
0x189: {  	s0 =	spop (v2sf)  }
0x18a: {  	p1 =	sne.s32 s2, $0xFFFFFFFF;
	s4 =	smov.u32 s0  }
0x18b: {  	s6 =	simm.s32 $0x0;
	p2 =	seq.s32 s0, $0xFFFFFFFF;
	s4 =	smov.u32 @p1 s2  }
0x18c: {  	s9 =	simm.s32 $0xA0C8;
	s4 =	smov.u32 @p2 s2;
	s2 =	spop (v2sf)  }
0x18d: {  	s0 =	smov.u32 @p2 s3;
	p1 =	sne.s32 s4, $0xFFFFFFFF;
	s5 =	smov.u32 s2  }
.Ltmp21:
0x18e: {  	p2 =	seq.s32 s2, $0xFFFFFFFF;
	s5 =	smov.u32 @p1 s4;
	(pc) =	sbr.rel .LBB2_30-.Ltmp21, $4  }
0x18f: {  	s10 =	simm.s32 $0x0;
	s5 =	smov.u32 @p2 s4;
	s7 =	spop (v2sf)  }
0x190: {  	s2 =	smov.u32 @p2 s0;
	p1 =	sne.s32 s5, $0xFFFFFFFF;
	s8 =	smov.u32 s7  }
0x191: {  	s0 =	simm.s32 $0x6;
	p2 =	seq.s32 s7, $0xFFFFFFFF;
	s8 =	smov.u32 @p1 s5  }
0x192: {  	[sflag:s0] =	ssyncpa.u1 $0x0;
	s7 =	smov.u32 @p2 s2;
	s8 =	smov.u32 @p2 s5  }
.LBB2_36:
0x193: {  	p1 =	sgt.u32 s2, $0x270F8  }
0x194: {  	p2 =	seq.s32 @!p1 s2, s8  }
0x195: {  	p1 =	por p1, p2  }
0x196: {  	p2 =	sne.s32 @!p1 s2, s7  }
0x197: {  	p1 =	por p1, !p2  }
0x198: {  	s2 =	sshll.u32 @p1 s10, $0x8  }
0x199: {  	s3 =	sand.u32 @!p1 $0x3FFF8, s2  }
0x19a: {  	s2 =	sand.u32 @!p1 $0x7, s2;
	s3 =	sadd.s32 @!p1 s1, s3  }
0x19b: {  	[tilespmem:s9], [sflag:$0x6] =	stream.linear.gather @!p1 [hbm4b:s3+s2], $0x40, $0x38;
	[tilespmem:$0x1EF88] =	vst v63  }
0x19c: {  	_ =	swait.ge @!p1 [sflag:s0], $0x40  }
0x19d: {  	[sflag:s0] =	ssyncset.done @!p1 $0x0  }
0x19e: {  	[sflag:s0] =	ssyncadd.s32 @!p1 $0xFFFFFFC0  }
0x19f: {  	v1 =	vld @!p1 [tilespmem:$0xA0C8];
	_ =	sdelay $0x2  }
0x1a0: {  	s2 =	sshll.u32 @!p1 s10, $0x8  }
0x1a1: {  	s3 =	sshrl.u32 @!p1 s2, $0x2  }
0x1a2: {  	[tilespmem:s3+$0xA138] =	vst.add.f32.msk @!p1 $0xffff, v1  }
0x1a3: {  	v1 =	vld @!p1 [tilespmem:$0xA0D8];
	_ =	sdelay $0x4  }
0x1a4: {  	[tilespmem:s3+$0xA148] =	vst.add.f32.msk @!p1 $0xffff, v1  }
0x1a5: {  	v1 =	vld @!p1 [tilespmem:$0xA0E8];
	_ =	sdelay $0x4  }
0x1a6: {  	[tilespmem:s3+$0xA158] =	vst.add.f32.msk @!p1 $0xffff, v1  }
0x1a7: {  	v1 =	vld @!p1 [tilespmem:$0xA0F8];
	_ =	sdelay $0x4  }
0x1a8: {  	[tilespmem:s3+$0xA168] =	vst.add.f32.msk @!p1 $0xffff, v1  }
0x1a9: {  	s2 =	sshrl.u32 s2, $0x2;
	[tilespmem:s6+$0xA118] =	vst.msk $0x1, v0  }
0x1aa: {  	v0 =	vld [tilespmem:s2+$0xA138];
	_ =	sdelay $0x2  }
0x1ab: {  	s31 =	sshll.u32 s6, $0x8  }
0x1ac: {  	s3 =	sshra.s32 s31, $0x2  }
0x1ad: {  	[tilespmem:s3+$0xA138] =	vst v0  }
0x1ae: {  	v0 =	vld [tilespmem:s2+$0xA148];
	_ =	sdelay $0x4  }
0x1af: {  	[tilespmem:s3+$0xA148] =	vst v0  }
0x1b0: {  	v0 =	vld [tilespmem:s2+$0xA158];
	_ =	sdelay $0x4  }
0x1b1: {  	[tilespmem:s3+$0xA158] =	vst v0  }
0x1b2: {  	v0 =	vld [tilespmem:s2+$0xA168];
	_ =	sdelay $0x4  }
0x1b3: {  	s6 =	sadd.s32 $0x1, s6;
	[tilespmem:s3+$0xA168] =	vst v0  }
.LBB2_37:
0x1b4: {  	s10 =	sadd.s32 $0x1, s10  }
0x1b5: {  	p1 =	sne.s32 s10, $0x20  }
.Ltmp22:
0x1b6: {  	_ = 	snop;
	(pc) =	sbr.rel @!p1 .LBB2_38-.Ltmp22, $1  }
0x1b7: {  	_ =	sdelay $0x3  }
.LBB2_30:
0x1b8: {  	v0 =	vld.msk [tilespmem:s10+$0xA118], $0x1;
	_ =	sdelay $0x4  }
0x1b9: {  	(v2sf) =	vpush v0, $0x0;
	_ =	sdelay $0xe  }
0x1ba: {  	s2 =	spop (v2sf)  }
0x1bb: {  	p1 =	seq.s32 s2, $0xFFFFFFFF  }
.Ltmp23:
0x1bc: {  	_ = 	snop;
	(pc) =	sbr.rel @p1 .LBB2_37-.Ltmp23, $1  }
0x1bd: {  	_ =	sdelay $0x3  }
0x1be: {  	p1 =	slt.s32 s6, $0x1  }
.Ltmp24:
0x1bf: {  	_ = 	snop;
	(pc) =	sbr.rel @p1 .LBB2_36-.Ltmp24, $1  }
0x1c0: {  	_ =	sdelay $0x3  }
0x1c1: {  	s3 =	simm.s32 $0xA118;
	p1 =	por $0x0, $0x0  }
0x1c2: {  	v1 =	vld.msk @!p1 [tilespmem:s3+$0x0], $0x1;
	_ =	sdelay $0x4  }
0x1c3: {  	(v2sf) =	vpush @!p1 v1, $0x0;
	_ =	sdelay $0xd  }
0x1c4: {  	p3 =	sne.s32 s6, $0x1  }
.Ltmp25:
0x1c5: {  	s4 =	spop @!p1 (v2sf);
	(pc) =	sbr.rel @!p3 .LBB2_34-.Ltmp25, $4  }
0x1c6: {  	p2 =	seq.s32 @!p1 s2, s4  }
0x1c7: {  	s4 =	simm.s32 $0x0;
	p2 =	por !p2, p1  }
0x1c8: {  	s11 =	simm.s32 $0xFFFFFFFF;
	s4 =	simm.s32 @p2 $0xFFFFFFFF  }
0x1c9: {  	s5 =	simm.s32 $0x1;
	s4 =	smov.u32 @p1 s11  }
.LBB2_33:
0x1ca: {  	s11 =	smov.u32 s4;
	p1 =	sne.s32 s4, $0xFFFFFFFF  }
0x1cb: {  	s3 =	sadd.s32 $0x1, s3;
	s4 =	smov.u32 s5;
	s5 =	sadd.s32 $0x1, s5  }
0x1cc: {  	p2 =	sne.s32 s6, s5;
	v1 =	vld.msk @!p1 [tilespmem:s3+$0x0], $0x1;
	_ =	sdelay $0x4  }
0x1cd: {  	(v2sf) =	vpush @!p1 v1, $0x0;
	_ =	sdelay $0xe  }
.Ltmp26:
0x1ce: {  	s12 =	spop @!p1 (v2sf);
	(pc) =	sbr.rel @p2 .LBB2_33-.Ltmp26, $4  }
0x1cf: {  	p3 =	seq.s32 @!p1 s2, s12  }
0x1d0: {  	p3 =	por !p3, p1  }
0x1d1: {  	s4 =	simm.s32 @p3 $0xFFFFFFFF  }
0x1d2: {  	s4 =	smov.u32 @p1 s11  }
.LBB2_34:
0x1d3: {  	p1 =	seq.s32 s4, $0xFFFFFFFF  }
.Ltmp27:
0x1d4: {  	_ = 	snop;
	(pc) =	sbr.rel @p1 .LBB2_36-.Ltmp27, $1  }
0x1d5: {  	_ =	sdelay $0x3  }
0x1d6: {  	s2 =	sshll.u32 s10, $0x6  }
0x1d7: {  	s2 =	sand.u32 $0x3FFFFFC0, s2  }
0x1d8: {  	v0 =	vld [tilespmem:s2+$0xA138];
	_ =	sdelay $0x2  }
0x1d9: {  	s3 =	sshll.u32 s4, $0x8  }
0x1da: {  	s3 =	sshra.s32 s3, $0x2  }
0x1db: {  	[tilespmem:s3+$0xA138] =	vst.add.f32.msk $0xffff, v0  }
0x1dc: {  	v0 =	vld [tilespmem:s2+$0xA148];
	_ =	sdelay $0x4  }
0x1dd: {  	[tilespmem:s3+$0xA148] =	vst.add.f32.msk $0xffff, v0  }
0x1de: {  	v0 =	vld [tilespmem:s2+$0xA158];
	_ =	sdelay $0x4  }
0x1df: {  	[tilespmem:s3+$0xA158] =	vst.add.f32.msk $0xffff, v0  }
0x1e0: {  	v0 =	vld [tilespmem:s2+$0xA168]  }
.Ltmp28:
0x1e1: {  	_ = 	snop;
	(pc) =	sbr.rel .LBB2_37-.Ltmp28, $2  }
0x1e2: {  	_ =	sdelay $0x2  }
0x1e3: {  	[tilespmem:s3+$0xA168] =	vst.add.f32.msk $0xffff, v0  }
.LBB2_38:
0x1e4: {  	s0 =	simm.s32 $0x6;
	p1 =	seq.s32 s6, $0x0  }
0x1e5: {  	[sflag:s0] =	ssyncpa.u1 $0x1;
	v0 =	vimm.s32 @p1 $0xFFFFFFFF  }
0x1e6: {  	s0 =	sadd.s32 $0xFFFFFFFF, s6;
	[tilespmem:$0xA938] =	vst @p1 v0  }
0x1e7: {  	v0 =	vld.msk @!p1 [tilespmem:s0+$0xA118], $0x1;
	_ =	sdelay $0x1  }
0x1e8: {  	v1 =	vld.msk @!p1 [tilespmem:$0xA118], $0x1;
	_ =	sdelay $0x2  }
0x1e9: {  	p2 =	seq.s32 @!p1 s0, $0x0;
	v0 =	vbroadcast @!p1 v0, $0x0  }
0x1ea: {  	vm0 =	vmmov @!p1 $0x1;
	p2 =	por !p2, p1  }
0x1eb: {  	v1 =	vnsel @!p1 vm0, $0xFFFFFFFF, v1;
	vm0 =	vcmask @!p1 $0x308;
	v0 =	vpsel !p2, $0xFFFFFFFF, v0  }
0x1ec: {  	p2 =	sne.s32 @!p1 s8, s7;
	v0 =	vsel @!p1 vm0, v1, v0  }
0x1ed: {  	s2 =	simm.s32 @!p1 $0xA138;
	s3 =	simm.s32 @!p1 $0x0;
	p3 =	por !p2, p1;
	[tilespmem:$0xA938] =	vst @!p1 v0  }
0x1ee: {  	[spmem:s3] =	stream.linear.scatter @!p1 [tilespmem:s2], [sflag:$0x1], $0x40, $0x38;
	[tilespmem:$0x1EF88] =	vst v63  }
0x1ef: {  	s2 =	sshll.u32 @!p3 s0, $0x8  }
0x1f0: {  	s2 =	sshra.s32 @!p3 s2, $0x2  }
0x1f1: {  	s3 =	simm.s32 @!p3 $0x40;
	s2 =	sadd.s32 @!p3 $0xA138, s2  }
0x1f2: {  	[spmem:s3] =	stream.linear.scatter @!p3 [tilespmem:s2], [sflag:$0x1], $0x40, $0x38;
	[tilespmem:$0x1EF88] =	vst v63  }
0x1f3: {  	s2 =	simm.s32 @!p3 $0x1  }
0x1f4: {  	_ =	swait.ge @!p3 [sflag:s2], $0x80  }
0x1f5: {  	p1 =	por p2, p1;
	[sflag:s2] =	ssyncset.done @!p3 $0x0  }
0x1f6: {  	[sflag:s2] =	ssyncadd.s32 @!p3 $0xFFFFFF80;
	s2 =	simm.s32 @!p1 $0x1  }
0x1f7: {  	_ =	swait.ge @!p1 [sflag:s2], $0x40  }
0x1f8: {  	s29 =	simm.s32 $0xA938;
	[sflag:s2] =	ssyncset.done @!p1 $0x0  }
0x1f9: {  	s30 =	simm.s32 $0x800;
	s31 =	simm.s32 $0x1;
	[sflag:s2] =	ssyncadd.s32 @!p1 $0xFFFFFFC0  }
0x1fa: {  	[spmem:s30] =	stream.linear.scatter [tilespmem:s29], [sflag:$0x1], $0x10, $0x38;
	[tilespmem:$0x1EF88] =	vst v63  }
0x1fb: {  	_ =	swait.ge [sflag:s31], $0x10  }
0x1fc: {  	[sflag:s31] =	ssyncset.done $0x0  }
0x1fd: {  	p1 =	seq.s32 s13, $0x0;
	s9 =	rddreg [dreg:$0x1];
	[sflag:s31] =	ssyncadd.s32 $0xFFFFFFF0  }
0x1fe: {  	s3 =	sshll.u32 @p1 s9, $0xE;
	s8 =	rddreg [dreg:$0x2]  }
0x1ff: {  	s2 =	sadd.s32 @p1 $0x15C3C, s3;
	s3 =	sshll.u32 @p1 s8, $0x11  }
0x200: {  	_ =	sfence.stream.spmem;
	s2 =	sor.u32 @p1 s3, s2  }
0x201: {  	[sflag:s2] =	ssyncadd.remote.s32 @p1 $0x1;
	s2 =	simm.s32 @p1 $0x4  }
0x202: {  	s4 =	simm.s32 @!p1 $0x3C;
	s3 =	sand.u32 $0xFFFFFFFE, s9;
	_ =	swait.ge @p1 [sflag:s2], $0x12  }
0x203: {  	s5 =	simm.s32 @!p1 $0x0;
	s3 =	sadd.s32 @!p1 $0x4, s3;
	[sflag:s2] =	ssyncset.done @p1 $0x0  }
0x204: {  	s7 =	simm.s32 @!p1 $0x80;
	[sflag:s2] =	ssyncadd.s32 @p1 $0xFFFFFFEE;
	s2 =	sshll.u32 @!p1 s3, $0x1A  }
0x205: {  	s3 =	sshll.u32 @!p1 s3, $0xD;
	s2 =	sor.u32 @!p1 s2, s8;
	_ =	swait.eq @!p1 [sflag:s4], $0x1  }
0x206: {  	s3 =	sor.u32 @!p1 $0x1C04, s3;
	s4 =	simm.s32 @!p1 $0x1C03;
	s2 =	sor.u32 @!p1 $0x80004000, s2  }
0x207: {  	[spmem:s7], [sflag:s3] =	dma.general @!p1 [spmem:s5], [sflag:s4], length:$0x10, [dreg:$0x0], stride_count:$0x0, ici_dest:s2, dma_misc:DstOpCode:WRITE  }
0x208: {  	p2 =	slt.s32 s0, $0x2;
	s5 =	simm.s32 @!p1 $0x100;
	s7 =	simm.s32 @!p1 $0x102  }
0x209: {  	[spmem:s7], [sflag:s3] =	dma.general @!p1 [spmem:s5], [sflag:s4], length:$0x2, [dreg:$0x0], stride_count:$0x0, ici_dest:s2, dma_misc:DstOpCode:WRITE  }
.Ltmp29:
0x20a: {  	s2 =	simm.s32 @!p1 $0x3;
	(pc) =	sbr.rel @p2 .LBB2_42-.Ltmp29, $4  }
0x20b: {  	s3 =	sshll.u32 @!p1 s9, $0xE;
	_ =	swait.ge @!p1 [sflag:s2], $0x12  }
0x20c: {  	s4 =	sshll.u32 @!p1 s8, $0x11;
	s3 =	sadd.s32 @!p1 $0x11C3C, s3;
	[sflag:s2] =	ssyncset.done @!p1 $0x0  }
0x20d: {  	[sflag:s2] =	ssyncadd.s32 @!p1 $0xFFFFFFEE;
	s2 =	sor.u32 @!p1 s4, s3  }
0x20e: {  	s0 =	simm.s32 $0x0;
	[sflag:s2] =	ssyncadd.remote.s32 @!p1 $0xFFFFFFFF  }
0x20f: {  	s0 =	simm.s32 $0xA119  }
0x210: {  	v0 =	vld.msk [tilespmem:s0+$0x0], $0x1;
	_ =	sdelay $0x4  }
0x211: {  	(v2sf) =	vpush v0, $0x0;
	_ =	sdelay $0xc  }
0x212: {  	s2 =	sadd.s32 $0xFFFFFFFE, s6  }
0x213: {  	s2 =	sadd.s32 $0xFFFFFFFF, s2  }
0x214: {  	p2 =	sne.s32 s2, $0x0;
	s3 =	spop (v2sf)  }
.Ltmp30:
0x215: {  	p1 =	sgt.u32 s3, $0x270F8;
	(pc) =	sbr.rel @!p2 .LBB2_41-.Ltmp30, $4  }
0x216: {  	s5 =	simm.s32 $0x0;
	s4 =	sand.u32 @!p1 $0x3FFF8, s3  }
0x217: {  	s0 =	simm.s32 $0xA178;
	s3 =	sand.u32 @!p1 $0x7, s3;
	s4 =	sadd.s32 @!p1 s1, s4  }
0x218: {  	[hbm4b:s4+s3] =	stream.linear.scatter @!p1 [tilespmem:s0], [sflag:$0x5], $0x40, $0x38;
	[tilespmem:$0x1EF88] =	vst v63  }
0x219: {  	s5 =	simm.s32 @!p1 $0x100;
	s3 =	simm.s32 $0x0;
	s4 =	simm.s32 $0xA11A  }
.LBB2_40:
0x21a: {  	v0 =	vld.msk [tilespmem:s4+$0x0], $0x1;
	s2 =	sadd.s32 $0xFFFFFFFF, s2;
	s3 =	sadd.s32 s3, s5  }
0x21b: {  	p1 =	sne.s32 s2, $0x0;
	_ =	sdelay $0x3  }
0x21c: {  	(v2sf) =	vpush v0, $0x0;
	_ =	sdelay $0xe  }
.Ltmp31:
0x21d: {  	s6 =	spop (v2sf);
	(pc) =	sbr.rel @p1 .LBB2_40-.Ltmp31, $4  }
0x21e: {  	s5 =	simm.s32 $0x0;
	p2 =	sgt.u32 s6, $0x270F8  }
0x21f: {  	s0 =	sadd.s32 $0x40, s0;
	s5 =	simm.s32 @!p2 $0x100;
	s7 =	sand.u32 @!p2 $0x3FFF8, s6  }
0x220: {  	s4 =	sadd.s32 $0x1, s4;
	s6 =	sand.u32 @!p2 $0x7, s6;
	s7 =	sadd.s32 @!p2 s1, s7  }
0x221: {  	[hbm4b:s7+s6] =	stream.linear.scatter @!p2 [tilespmem:s0], [sflag:$0x5], $0x40, $0x38;
	[tilespmem:$0x1EF88] =	vst v63  }
.LBB2_41:
0x222: {  	s0 =	sadd.s32 s3, s5  }
0x223: {  	s0 =	sshrl.u32 s0, $0x2  }
.LBB2_42:
0x224: {  	s2 =	simm.s32 $0x5  }
0x225: {  	_ =	swait.ge [sflag:s2], s0  }
0x226: {  	s31 =	ssub.s32 $0x0, s0;
	[sflag:s2] =	ssyncset.done $0x0  }
0x227: {  	[sflag:s2] =	ssyncadd.s32 s31  }
0x228: {  	[sflag:s2] =	ssyncpa.u1 $0x1  }
.LBB2_43:
0x229: {  	s0 =	sor.u32 s13, s14  }
0x22a: {  	p1 =	sne.s32 s0, $0x0  }
.Ltmp32:
0x22b: {  	_ = 	snop;
	(pc) =	sbr.rel @p1 .LBB2_58-.Ltmp32, $3  }
0x22c: {  	_ =	sdelay $0x1  }
0x22d: {  	[bflag:$0x0] =	sbarrier.arrive $0xFFFF  }
0x22e: {  	_ =	sfence  }
0x22f: {  	s2 =	simm.s32 $0x7  }
0x230: {  	s0 =	simm.s32 $0x800;
	s3 =	simm.s32 $0xA118;
	[sflag:s2] =	ssyncpa.u1 $0x0  }
0x231: {  	[tilespmem:s3], [sflag:$0x7] =	stream.linear.gather [spmem:s0], $0x20, $0x38;
	[tilespmem:$0x1EF88] =	vst v63  }
0x232: {  	s30 =	simm.s32 $0xA138;
	s0 =	simm.s32 $0x0  }
0x233: {  	[tilespmem:s30], [sflag:$0x7] =	stream.linear.gather [spmem:s0], $0x800, $0x38;
	[tilespmem:$0x1EF88] =	vst v63  }
.Ltmp33:
0x234: {  	_ = 	snop;
	(pc) =	sbr.rel .LBB2_45-.Ltmp33, $4  }
0x235: {  	_ =	swait.ge [sflag:s2], $0x820  }
0x236: {  	[sflag:s2] =	ssyncset.done $0x0  }
0x237: {  	s31 =	simm.s32 $0x8;
	[sflag:s2] =	ssyncadd.s32 $0xFFFFF7E0  }
0x238: {  	s2 =	simm.s32 $0x0;
	[sflag:s31] =	ssyncpa.u1 $0x0  }
.LBB2_51:
0x239: {  	p1 =	slt.u32 s3, $0x270F9  }
0x23a: {  	s4 =	sand.u32 @p1 $0x3FFF8, s3  }
0x23b: {  	s3 =	sand.u32 @p1 $0x7, s3;
	s5 =	simm.s32 @p1 $0xA0C8;
	s4 =	sadd.s32 @p1 s1, s4  }
0x23c: {  	[tilespmem:s5], [sflag:$0x8] =	stream.linear.gather @p1 [hbm4b:s4+s3], $0x40, $0x38;
	[tilespmem:$0x1EF88] =	vst v63  }
0x23d: {  	s3 =	simm.s32 @p1 $0x8  }
0x23e: {  	_ =	swait.ge @p1 [sflag:s3], $0x40  }
0x23f: {  	[sflag:s3] =	ssyncset.done @p1 $0x0  }
0x240: {  	[sflag:s3] =	ssyncadd.s32 @p1 $0xFFFFFFC0  }
0x241: {  	v1 =	vld @p1 [tilespmem:$0xA0C8];
	_ =	sdelay $0x2  }
0x242: {  	s3 =	sshll.u32 @p1 s2, $0x8  }
0x243: {  	s4 =	sshrl.u32 @p1 s3, $0x2  }
0x244: {  	[tilespmem:s4+$0xA138] =	vst.add.f32.msk @p1 $0xffff, v1  }
0x245: {  	v1 =	vld @p1 [tilespmem:$0xA0D8];
	_ =	sdelay $0x4  }
0x246: {  	[tilespmem:s4+$0xA148] =	vst.add.f32.msk @p1 $0xffff, v1  }
0x247: {  	v1 =	vld @p1 [tilespmem:$0xA0E8];
	_ =	sdelay $0x4  }
0x248: {  	[tilespmem:s4+$0xA158] =	vst.add.f32.msk @p1 $0xffff, v1  }
0x249: {  	v1 =	vld @p1 [tilespmem:$0xA0F8];
	_ =	sdelay $0x3  }
0x24a: {  	s5 =	sshll.u32 @!p1 s2, $0x8  }
0x24b: {  	s5 =	smov.u32 @p1 s3;
	[tilespmem:s4+$0xA168] =	vst.add.f32.msk @p1 $0xffff, v1  }
0x24c: {  	s3 =	sshrl.u32 s5, $0x2;
	[tilespmem:s0+$0xA118] =	vst.msk $0x1, v0  }
0x24d: {  	v0 =	vld [tilespmem:s3+$0xA138];
	_ =	sdelay $0x2  }
0x24e: {  	s31 =	sshll.u32 s0, $0x8  }
0x24f: {  	s4 =	sshra.s32 s31, $0x2  }
0x250: {  	[tilespmem:s4+$0xA138] =	vst v0  }
0x251: {  	v0 =	vld [tilespmem:s3+$0xA148];
	_ =	sdelay $0x4  }
0x252: {  	[tilespmem:s4+$0xA148] =	vst v0  }
0x253: {  	v0 =	vld [tilespmem:s3+$0xA158];
	_ =	sdelay $0x4  }
0x254: {  	[tilespmem:s4+$0xA158] =	vst v0  }
0x255: {  	v0 =	vld [tilespmem:s3+$0xA168];
	_ =	sdelay $0x4  }
0x256: {  	s0 =	sadd.s32 $0x1, s0;
	[tilespmem:s4+$0xA168] =	vst v0  }
.LBB2_52:
0x257: {  	s2 =	sadd.s32 $0x1, s2  }
0x258: {  	p1 =	sne.s32 s2, $0x20  }
.Ltmp34:
0x259: {  	_ = 	snop;
	(pc) =	sbr.rel @!p1 .LBB2_53-.Ltmp34, $1  }
0x25a: {  	_ =	sdelay $0x3  }
.LBB2_45:
0x25b: {  	v0 =	vld.msk [tilespmem:s2+$0xA118], $0x1;
	_ =	sdelay $0x4  }
0x25c: {  	(v2sf) =	vpush v0, $0x0;
	_ =	sdelay $0xe  }
0x25d: {  	s3 =	spop (v2sf)  }
0x25e: {  	p1 =	seq.s32 s3, $0xFFFFFFFF  }
.Ltmp35:
0x25f: {  	_ = 	snop;
	(pc) =	sbr.rel @p1 .LBB2_52-.Ltmp35, $1  }
0x260: {  	_ =	sdelay $0x3  }
0x261: {  	p1 =	slt.s32 s0, $0x1  }
.Ltmp36:
0x262: {  	_ = 	snop;
	(pc) =	sbr.rel @p1 .LBB2_51-.Ltmp36, $1  }
0x263: {  	_ =	sdelay $0x3  }
0x264: {  	s4 =	simm.s32 $0xA118;
	p1 =	por $0x0, $0x0  }
0x265: {  	v1 =	vld.msk @!p1 [tilespmem:s4+$0x0], $0x1;
	_ =	sdelay $0x4  }
0x266: {  	(v2sf) =	vpush @!p1 v1, $0x0;
	_ =	sdelay $0xd  }
0x267: {  	p3 =	sne.s32 s0, $0x1  }
.Ltmp37:
0x268: {  	s5 =	spop @!p1 (v2sf);
	(pc) =	sbr.rel @!p3 .LBB2_49-.Ltmp37, $4  }
0x269: {  	p2 =	seq.s32 @!p1 s3, s5  }
0x26a: {  	s5 =	simm.s32 $0x0;
	p2 =	por !p2, p1  }
0x26b: {  	s7 =	simm.s32 $0xFFFFFFFF;
	s5 =	simm.s32 @p2 $0xFFFFFFFF  }
0x26c: {  	s6 =	simm.s32 $0x1;
	s5 =	smov.u32 @p1 s7  }
.LBB2_48:
0x26d: {  	s7 =	smov.u32 s5;
	p1 =	sne.s32 s5, $0xFFFFFFFF  }
0x26e: {  	s4 =	sadd.s32 $0x1, s4;
	s5 =	smov.u32 s6;
	s6 =	sadd.s32 $0x1, s6  }
0x26f: {  	p2 =	sne.s32 s0, s6;
	v1 =	vld.msk @!p1 [tilespmem:s4+$0x0], $0x1;
	_ =	sdelay $0x4  }
0x270: {  	(v2sf) =	vpush @!p1 v1, $0x0;
	_ =	sdelay $0xe  }
.Ltmp38:
0x271: {  	s8 =	spop @!p1 (v2sf);
	(pc) =	sbr.rel @p2 .LBB2_48-.Ltmp38, $4  }
0x272: {  	p3 =	seq.s32 @!p1 s3, s8  }
0x273: {  	p3 =	por !p3, p1  }
0x274: {  	s5 =	simm.s32 @p3 $0xFFFFFFFF  }
0x275: {  	s5 =	smov.u32 @p1 s7  }
.LBB2_49:
0x276: {  	p1 =	seq.s32 s5, $0xFFFFFFFF  }
.Ltmp39:
0x277: {  	_ = 	snop;
	(pc) =	sbr.rel @p1 .LBB2_51-.Ltmp39, $1  }
0x278: {  	_ =	sdelay $0x3  }
0x279: {  	s3 =	sshll.u32 s2, $0x6  }
0x27a: {  	s3 =	sand.u32 $0x3FFFFFC0, s3  }
0x27b: {  	v0 =	vld [tilespmem:s3+$0xA138];
	_ =	sdelay $0x2  }
0x27c: {  	s4 =	sshll.u32 s5, $0x8  }
0x27d: {  	s4 =	sshra.s32 s4, $0x2  }
0x27e: {  	[tilespmem:s4+$0xA138] =	vst.add.f32.msk $0xffff, v0  }
0x27f: {  	v0 =	vld [tilespmem:s3+$0xA148];
	_ =	sdelay $0x4  }
0x280: {  	[tilespmem:s4+$0xA148] =	vst.add.f32.msk $0xffff, v0  }
0x281: {  	v0 =	vld [tilespmem:s3+$0xA158];
	_ =	sdelay $0x4  }
0x282: {  	[tilespmem:s4+$0xA158] =	vst.add.f32.msk $0xffff, v0  }
0x283: {  	v0 =	vld [tilespmem:s3+$0xA168]  }
.Ltmp40:
0x284: {  	_ = 	snop;
	(pc) =	sbr.rel .LBB2_52-.Ltmp40, $2  }
0x285: {  	_ =	sdelay $0x2  }
0x286: {  	[tilespmem:s4+$0xA168] =	vst.add.f32.msk $0xffff, v0  }
.LBB2_53:
0x287: {  	p1 =	slt.s32 s0, $0x1  }
.Ltmp41:
0x288: {  	_ = 	snop;
	(pc) =	sbr.rel @p1 .LBB2_57-.Ltmp41, $3  }
0x289: {  	_ =	sdelay $0x1  }
0x28a: {  	s2 =	simm.s32 $0x8  }
0x28b: {  	[sflag:s2] =	ssyncpa.u1 $0x1;
	s2 =	simm.s32 $0x0  }
0x28c: {  	s3 =	simm.s32 $0xA118  }
0x28d: {  	v0 =	vld.msk [tilespmem:s3+$0x0], $0x1;
	_ =	sdelay $0x4  }
0x28e: {  	(v2sf) =	vpush v0, $0x0;
	_ =	sdelay $0xe  }
0x28f: {  	s0 =	sadd.s32 $0xFFFFFFFF, s0;
	s4 =	spop (v2sf)  }
0x290: {  	p2 =	sne.s32 s0, $0x0;
	p1 =	sgt.u32 s4, $0x270F8  }
.Ltmp42:
0x291: {  	s5 =	sand.u32 @!p1 $0x3FFF8, s4;
	(pc) =	sbr.rel @!p2 .LBB2_56-.Ltmp42, $4  }
0x292: {  	s3 =	simm.s32 $0xA138;
	s4 =	sand.u32 @!p1 $0x7, s4;
	s5 =	sadd.s32 @!p1 s1, s5  }
0x293: {  	[hbm4b:s5+s4] =	stream.linear.scatter @!p1 [tilespmem:s3], [sflag:$0x7], $0x40, $0x38;
	[tilespmem:$0x1EF88] =	vst v63  }
0x294: {  	s5 =	simm.s32 $0x0  }
0x295: {  	s4 =	simm.s32 $0xA119;
	s5 =	simm.s32 @!p1 $0x100  }
.LBB2_55:
0x296: {  	v0 =	vld.msk [tilespmem:s4+$0x0], $0x1;
	s0 =	sadd.s32 $0xFFFFFFFF, s0;
	s2 =	sadd.s32 s2, s5  }
0x297: {  	p1 =	sne.s32 s0, $0x0;
	_ =	sdelay $0x3  }
0x298: {  	(v2sf) =	vpush v0, $0x0;
	_ =	sdelay $0xe  }
.Ltmp43:
0x299: {  	s6 =	spop (v2sf);
	(pc) =	sbr.rel @p1 .LBB2_55-.Ltmp43, $4  }
0x29a: {  	s5 =	simm.s32 $0x0;
	p2 =	sgt.u32 s6, $0x270F8  }
0x29b: {  	s3 =	sadd.s32 $0x40, s3;
	s5 =	simm.s32 @!p2 $0x100;
	s7 =	sand.u32 @!p2 $0x3FFF8, s6  }
0x29c: {  	s4 =	sadd.s32 $0x1, s4;
	s6 =	sand.u32 @!p2 $0x7, s6;
	s7 =	sadd.s32 @!p2 s1, s7  }
0x29d: {  	[hbm4b:s7+s6] =	stream.linear.scatter @!p2 [tilespmem:s3], [sflag:$0x7], $0x40, $0x38;
	[tilespmem:$0x1EF88] =	vst v63  }
.LBB2_56:
0x29e: {  	s0 =	sadd.s32 s2, s5  }
0x29f: {  	s2 =	sshrl.u32 s0, $0x2  }
.LBB2_57:
0x2a0: {  	s0 =	simm.s32 $0x7  }
0x2a1: {  	_ =	swait.ge [sflag:s0], s2  }
0x2a2: {  	s1 =	ssub.s32 $0x0, s2;
	[sflag:s0] =	ssyncset.done $0x0  }
0x2a3: {  	[sflag:s0] =	ssyncadd.s32 s1  }
0x2a4: {  	[sflag:s0] =	ssyncpa.u1 $0x1  }
.LBB2_58:
0x2a5: {  	_ =	sfence;
	s0 =	simm.s32 $0x1  }
0x2a6: {  	[sflag:s0] =	ssyncpa.u1 $0x1  }
0x2a7: {  	_ =	strace $0x90000056  }
0x2a8: {  	[bflag:$0x2] =	sbarrier.arrive $0xFFFF  }
0x2a9: {  	s0 =	rddreg [dreg:$0x3]  }
0x2aa: {  	s0 =	sadd.s32 @!p0 $0x100000, s0  }
0x2ab: {  	[sflag:s0] =	ssyncadd.tile.s32 @!p0 $0x1;
	_ =	shalt  }
.Lfunc_end2:
_tile_overlayer_lowered:
.L_overlay_start_2:
0x2ac: {  	(tag) =	ssettag $0x2  }
0x2ad: {  	s0 =	rddreg [dreg:$0x0];
	s2 =	stileid.u32  }
0x2ae: {  	s1 =	rddreg [dreg:$0x1];
	p0 =	sne.s32 s2, $0x0  }
0x2af: {  	s3 =	rddreg [dreg:$0x2];
	[bflag:$0x3] =	sbarrier.arrive $0xFFFF;
	s2 =	simm.s32 @!p0 $0x1C01  }
0x2b0: {  	[timem:s3], [sflag:s2] =	dma.local @!p0 [hbm:s0], s1  }
0x2b1: {  	s0 =	simm.s32 @!p0 $0x1  }
0x2b2: {  	_ =	swait.ge @!p0 [sflag:s0], s1  }
0x2b3: {  	s1 =	ssub.s32 @!p0 $0x0, s1;
	[sflag:s0] =	ssyncset.done @!p0 $0x0  }
0x2b4: {  	[sflag:s0] =	ssyncadd.s32 @!p0 s1  }
0x2b5: {  	[bflag:$0x3] =	sbarrier.arrive $0xFFFF  }
0x2b6: {  	_ =	shalt  }

// kernel: scatter_offload_async_start
scs
__scs_entry_jumppad:
0x0: {  	(pc) =	sbr.rel $0x88, $3  }
0x1: {  	(tag) =	ssettag $0x0;
	lr =	simm.s32 $0x1  }
0x2: {  	[smem:$0x3F93] =	sst lr;
	_ =	strace $0xD0000000  }
0x3: {  	_ = 	snop  }
0x4: {  	_ = 	snop  }
0x5: {  	_ = 	snop  }
0x6: {  	_ = 	snop  }
0x7: {  	_ = 	snop  }
__scs_overlays_trampoline_lowered:
0x8: {  	[smem:$0x3FA2] =	sst s0  }
0x9: {  	[smem:$0x3FA3] =	sst s1  }
0xa: {  	[smem:$0x3FA4] =	sst s2  }
0xb: {  	[smem:$0x3FA5] =	sst s3  }
0xc: {  	[smem:$0x3FA6] =	sst s4  }
0xd: {  	[smem:$0x3FA7] =	sst s5  }
0xe: {  	[smem:$0x3FA8] =	sst s6  }
0xf: {  	[smem:$0x3FA9] =	sst s7  }
0x10: {  	[smem:$0x3FAA] =	sst s8  }
0x11: {  	[smem:$0x3FAB] =	sst s9;
	s0 =	simm.s32 @!p0 $0x0  }
0x12: {  	s1 =	sld [smem:$0x3F91];
	s0 =	simm.s32 @p0 $0x1  }
0x13: {  	[smem:$0x3FAC] =	sst s0;
	s0 =	simm.s32 @!p1 $0x0  }
0x14: {  	s2 =	sld [smem:$0x3F90];
	s0 =	simm.s32 @p1 $0x1  }
0x15: {  	[smem:$0x3FAD] =	sst s0;
	s0 =	simm.s32 @!p2 $0x0  }
0x16: {  	s3 =	sld [smem:$0x3FDB];
	s0 =	simm.s32 @p2 $0x1  }
0x17: {  	s4 =	simm.s32 $0x1BF5;
	[smem:$0x3FAF] =	sst s0  }
0x18: {  	s0 =	sld [smem:$0x3F92];
	_ =	swait.ge [sflag:s4], $0x0  }
0x19: {  	s7 =	sld [smem:$0x3F93]  }
0x1a: {  	s8 =	sadd.s32 $0xFFFFE003, lr  }
0x1b: {  	s9 =	sadd.s32 $0xFFFFFEF7, lr;
	s5 =	simm.s32 $0xFFFFFFFF;
	p2 =	slt.u32 s8, $0xFFFFF086  }
0x1c: {  	p1 =	slt.u32 s9, $0xF7A;
	s5 =	simm.s32 @!p2 $0x0  }
0x1d: {  	s5 =	simm.s32 @p1 $0x1;
	p0 =	seq.s32 s7, s2  }
0x1e: {  	s7 =	smul.u32 @!p0 $0xF7A, s2;
	p2 =	seq.s32 @!p0 s5, $0x0  }
0x1f: {  	s9 =	smul.u32 $0xF7A, s1;
	s8 =	simm.s32 @!p0 $0x1BF5;
	p2 =	por !p2, p0  }
0x20: {  	[sflag:s8] =	ssyncset.s32 @!p0 $0xFFFFF086;
	s6 =	sadd.s32 @!p0 s3, s7;
	s7 =	simm.s32 @!p0 $0x108  }
0x21: {  	s3 =	sadd.s32 s3, s9;
	s6 =	sadd.s32 @!p0 $0x88, s6;
	s7 =	simm.s32 @p2 $0x1082  }
0x22: {  	[simem:s7], [sflag:s8] =	dma.local @!p0 [hbm:s6], $0xF7A  }
0x23: {  	s9 =	sor.u32 $0xD0000000, s2;
	s6 =	simm.s32 $0x108;
	_ =	swait.ge @!p0 [sflag:s8], $0x0  }
0x24: {  	s3 =	sadd.s32 $0x88, s3;
	s6 =	simm.s32 @!p1 $0x1082;
	[sflag:s4] =	ssyncset.s32 $0xFFFFF086  }
0x25: {  	[simem:s6], [sflag:s4] =	dma.local [hbm:s3], $0xF7A  }
0x26: {  	[smem:$0x3F93] =	sst s1;
	(tag) =	ssettag s2;
	_ =	strace s9  }
0x27: {  	s1 =	sld [smem:$0x3FA3]  }
0x28: {  	s2 =	sld [smem:$0x3FA4]  }
0x29: {  	s4 =	sld [smem:$0x3FA6]  }
0x2a: {  	p0 =	seq.s32 s5, $0x0;
	s5 =	sld [smem:$0x3FA7]  }
0x2b: {  	s6 =	sld [smem:$0x3FA8]  }
0x2c: {  	s7 =	sld [smem:$0x3FA9]  }
0x2d: {  	s3 =	simm.s32 $0x108;
	s8 =	sld [smem:$0x3FAA]  }
0x2e: {  	s3 =	simm.s32 @!p0 $0x1082;
	s9 =	sld [smem:$0x3FAB]  }
0x2f: {  	lr =	sadd.s32 s0, s3;
	s0 =	sld [smem:$0x3FA2]  }
0x30: {  	s3 =	sld [smem:$0x3FA5]  }
0x31: {  	[smem:$0x3FAE] =	sst s10  }
0x32: {  	s10 =	sld [smem:$0x3FAC];
	_ =	sdelay $0x3  }
0x33: {  	p0 =	seq.s32 s10, $0x1;
	s10 =	sld [smem:$0x3FAE];
	_ =	sdelay $0x3  }
0x34: {  	[smem:$0x3FAE] =	sst s10  }
0x35: {  	s10 =	sld [smem:$0x3FAD];
	_ =	sdelay $0x3  }
0x36: {  	p1 =	seq.s32 s10, $0x1;
	s10 =	sld [smem:$0x3FAE];
	_ =	sdelay $0x3  }
0x37: {  	[smem:$0x3FAE] =	sst s10  }
0x38: {  	s10 =	sld [smem:$0x3FAF]  }
0x39: {  	_ = 	snop;
	(pc) =	sbr.ind lr, $3  }
0x3a: {  	_ = 	snop  }
0x3b: {  	_ = 	snop  }
0x3c: {  	p2 =	seq.s32 s10, $0x1;
	s10 =	sld [smem:$0x3FAE]  }
0x3d: {  	_ =	shalt  }
0x3e: {  	_ =	shalt  }
0x3f: {  	_ =	shalt  }
0x40: {  	_ =	shalt  }
0x41: {  	_ =	shalt  }
0x42: {  	_ =	shalt  }
0x43: {  	_ =	shalt  }
0x44: {  	_ =	shalt  }
0x45: {  	_ =	shalt  }
0x46: {  	_ =	shalt  }
0x47: {  	_ =	shalt  }
0x48: {  	_ =	shalt  }
0x49: {  	_ =	shalt  }
0x4a: {  	_ =	shalt  }
0x4b: {  	_ =	shalt  }
0x4c: {  	_ =	shalt  }
0x4d: {  	_ =	shalt  }
0x4e: {  	_ =	shalt  }
0x4f: {  	_ =	shalt  }
0x50: {  	_ =	shalt  }
0x51: {  	_ =	shalt  }
0x52: {  	_ =	shalt  }
0x53: {  	_ =	shalt  }
0x54: {  	_ =	shalt  }
0x55: {  	_ =	shalt  }
0x56: {  	_ =	shalt  }
0x57: {  	_ =	shalt  }
0x58: {  	_ =	shalt  }
0x59: {  	_ =	shalt  }
0x5a: {  	_ =	shalt  }
0x5b: {  	_ =	shalt  }
0x5c: {  	_ =	shalt  }
0x5d: {  	_ =	shalt  }
0x5e: {  	_ =	shalt  }
0x5f: {  	_ =	shalt  }
0x60: {  	_ =	shalt  }
0x61: {  	_ =	shalt  }
0x62: {  	_ =	shalt  }
0x63: {  	_ =	shalt  }
0x64: {  	_ =	shalt  }
0x65: {  	_ =	shalt  }
0x66: {  	_ =	shalt  }
0x67: {  	_ =	shalt  }
0x68: {  	_ =	shalt  }
0x69: {  	_ =	shalt  }
0x6a: {  	_ =	shalt  }
0x6b: {  	_ =	shalt  }
0x6c: {  	_ =	shalt  }
0x6d: {  	_ =	shalt  }
0x6e: {  	_ =	shalt  }
0x6f: {  	_ =	shalt  }
0x70: {  	_ =	shalt  }
0x71: {  	_ =	shalt  }
0x72: {  	_ =	shalt  }
0x73: {  	_ =	shalt  }
0x74: {  	_ =	shalt  }
0x75: {  	_ =	shalt  }
0x76: {  	_ =	shalt  }
0x77: {  	_ =	shalt  }
0x78: {  	_ =	shalt  }
0x79: {  	_ =	shalt  }
0x7a: {  	_ =	shalt  }
0x7b: {  	_ =	shalt  }
0x7c: {  	_ =	shalt  }
0x7d: {  	_ =	shalt  }
0x7e: {  	_ =	shalt  }
0x7f: {  	_ =	shalt  }
0x80: {  	_ =	shalt  }
0x81: {  	_ =	shalt  }
0x82: {  	_ =	shalt  }
0x83: {  	_ =	shalt  }
0x84: {  	_ =	shalt  }
0x85: {  	_ =	shalt  }
0x86: {  	_ =	shalt  }
0x87: {  	_ =	shalt  }
.Lfunc_end0:
.L_simem_size_0:
called_computation_lowered:
.L_overlay_start_0:
0x88: {  	s2 =	sld [smem:$0x3FD9]  }
0x89: {  	s3 =	sld [smem:$0x3FFE];
	_ =	sdelay $0x1  }
0x8a: {  	s1 =	srdreg.scid  }
0x8b: {  	s0 =	sand.u32 $0x1, s1  }
0x8c: {  	s12 =	sshll.u32 s0, $0xA;
	s2 =	sadd.s32 s3, s2  }
0x8d: {  	s2 =	sadd.s32 s2, s12  }
0x8e: {  	[smem:$0x3FBA] =	sst s2  }
0x8f: {  	_ = 	snop  }
0x90: {  	(tm) =	ssettm $0x1  }
0x91: {  	s13 =	sld [smem:$0x3FFB];
	_ =	sdelay $0x3  }
0x92: {  	_ =	strace s13  }
0x93: {  	s2 =	sld [smem:$0x3FFC];
	_ =	sdelay $0x3  }
0x94: {  	_ =	strace s2  }
0x95: {  	s2 =	sld [smem:$0x3FFD];
	_ =	sdelay $0x3  }
0x96: {  	_ =	strace s2  }
0x97: {  	_ =	strace $0x8FFFFFFF  }
0x98: {  	s14 =	sld [smem:$0x3FDB];
	_ =	sdelay $0x1  }
0x99: {  	s15 =	simm.s32 $_scs_section_size  }
0x9a: {  	s4 =	simm.s32 $_size__tile_overlayer_lowered;
	s5 =	simm.s32 $_tile_overlayer_lowered  }
0x9b: {  	s19 =	simm.s32 $0x1BFF;
	s17 =	sshll.u32 s5, $0x1;
	s6 =	sadd.s32 s15, s14  }
0x9c: {  	s20 =	simm.s32 $0x0;
	s16 =	sshll.u32 s4, $0x1;
	s18 =	sadd.s32 s17, s6  }
0x9d: {  	[timem:s20], [sflag:s19] =	dma.local [hbm:s18], s16  }
0x9e: {  	_ =	swait.ge [sflag:s19], s16  }
0x9f: {  	s3 =	ssub.s32 $0x0, s16;
	[sflag:s19] =	ssyncset.done $0x0  }
0xa0: {  	[sflag:s19] =	ssyncadd.s32 s3;
	_ =	sdelay $0x1  }
0xa1: {  	s21 =	simm.s32 $0x1B8B  }
0xa2: {  	_ =	swait.ge [sflag:s21], $0x1  }
0xa3: {  	[sflag:s21] =	ssyncset.done $0x0  }
0xa4: {  	[sflag:s21] =	ssyncadd.s32 $0xFFFFFFFF  }
0xa5: {  	s3 =	sld [smem:$0x0]  }
0xa6: {  	s4 =	sand.u32 $0xFFFFFFFE, s1  }
0xa7: {  	p0 =	sne.s32 s1, s4  }
0xa8: {  	s4 =	sshll.u32 @p0 s4, $0xE  }
0xa9: {  	s5 =	sadd.s32 @p0 $0x11B8D, s4;
	s7 =	sshll.u32 @p0 s3, $0x11  }
0xaa: {  	s5 =	sor.u32 @p0 s7, s5  }
0xab: {  	[sflag:s5] =	ssyncadd.remote.s32 @p0 $0x1;
	_ =	sdelay $0x1  }
0xac: {  	s5 =	simm.s32 @p0 $0x1B8D  }
0xad: {  	_ =	swait.eq @p0 [sflag:s5], $0x1  }
0xae: {  	[sflag:s5] =	ssyncadd.s32 @p0 $0xFFFFFFFF  }
0xaf: {  	s7 =	sshll.u32 @!p0 s1, $0xE  }
0xb0: {  	s7 =	sor.u32 @!p0 $0x4000, s7;
	s5 =	simm.s32 @!p0 $0x1B8D  }
0xb1: {  	s9 =	sshll.u32 @!p0 s3, $0x11;
	s8 =	sadd.s32 @!p0 $0x11B8D, s7;
	_ =	swait.eq @!p0 [sflag:s5], $0x1  }
0xb2: {  	[sflag:s5] =	ssyncadd.s32 @!p0 $0xFFFFFFFF;
	s5 =	sor.u32 @!p0 s9, s8  }
0xb3: {  	s23 =	simm.s32 $0x1B8E;
	s22 =	sld [smem:$0x3FFE];
	[sflag:s5] =	ssyncadd.remote.s32 @!p0 $0x1  }
0xb4: {  	s24 =	simm.s32 $execute0_lowered;
	[smem:$0x3FD2] =	sst s23  }
0xb5: {  	s8 =	sshll.u32 s24, $0x1;
	_ =	strace $0x8000004C;
	[dreg:$0x1] =	wrdreg $0xFFFFFFFF  }
0xb6: {  	s25 =	simm.s32 $_size_execute0_lowered;
	s8 =	sadd.s32 s6, s8;
	[dreg:$0x0] =	wrdreg $0x0  }
0xb7: {  	s9 =	sshll.u32 s25, $0x1;
	[dreg:$0x2] =	wrdreg s8  }
0xb8: {  	[dreg:$0x3] =	wrdreg s9  }
0xb9: {  	[dreg:$0x4] =	wrdreg $0xC0  }
0xba: {  	s26 =	simm.s32 $execute1_lowered;
	_ =	task [dreg:s20], $0x5FFFF  }
0xbb: {  	s8 =	sshll.u32 s26, $0x1;
	[dreg:$0x1] =	wrdreg $0xFFFFFFFF  }
0xbc: {  	s6 =	sadd.s32 s6, s8;
	[dreg:$0x0] =	wrdreg $0x60  }
0xbd: {  	[dreg:$0x2] =	wrdreg s6  }
0xbe: {  	[dreg:$0x3] =	wrdreg s22  }
0xbf: {  	[dreg:$0x4] =	wrdreg $0xA  }
0xc0: {  	_ =	task.clear_ibuf [dreg:s20], $0x5FFFF;
	_ =	strace $0x9000004C  }
0xc1: {  	s28 =	simm.s32 $0xA;
	_ =	strace $0x8000004E  }
0xc2: {  	_ =	swait.ge [sflag:s28], $0x1  }
0xc3: {  	[sflag:s28] =	ssyncadd.s32 $0xFFFFFFFF  }
0xc4: {  	_ =	strace $0x9000004E  }
0xc5: {  	s6 =	sld [smem:$0x0];
	_ =	sdelay $0x3  }
0xc6: {  	s4 =	sadd.s32 @p0 $0x11BF3, s4;
	s8 =	sshll.u32 @p0 s6, $0x11  }
0xc7: {  	s4 =	sor.u32 @p0 s8, s4  }
0xc8: {  	[sflag:s4] =	ssyncadd.remote.s32 @p0 $0x1;
	_ =	sdelay $0x1  }
0xc9: {  	s4 =	simm.s32 @p0 $0x1BF3  }
0xca: {  	_ =	swait.eq @p0 [sflag:s4], $0x1  }
0xcb: {  	[sflag:s4] =	ssyncadd.s32 @p0 $0xFFFFFFFF;
	_ =	sdelay $0x1  }
0xcc: {  	s4 =	simm.s32 @!p0 $0x1BF3  }
0xcd: {  	s7 =	sadd.s32 @!p0 $0x11BF3, s7;
	s6 =	sshll.u32 @!p0 s6, $0x11;
	_ =	swait.eq @!p0 [sflag:s4], $0x1  }
0xce: {  	[sflag:s4] =	ssyncadd.s32 @!p0 $0xFFFFFFFF;
	s4 =	sor.u32 @!p0 s6, s7  }
0xcf: {  	[sflag:s4] =	ssyncadd.remote.s32 @!p0 $0x1  }
0xd0: {  	_ =	strace $0x8000004F;
	[dreg:$0x1] =	wrdreg $0xFFFFFFFF  }
0xd1: {  	[dreg:$0x0] =	wrdreg $0x2030  }
0xd2: {  	[dreg:$0x2] =	wrdreg s22  }
0xd3: {  	[dreg:$0x3] =	wrdreg s1  }
0xd4: {  	[dreg:$0x4] =	wrdreg s3  }
0xd5: {  	[dreg:$0x5] =	wrdreg $0xB  }
0xd6: {  	_ =	task.clear_ibuf [dreg:s20], $0x6FFFF;
	_ =	strace $0x9000004F  }
0xd7: {  	s29 =	simm.s32 $0xB;
	_ =	strace $0x80000051  }
0xd8: {  	_ =	swait.ge [sflag:s29], $0x1  }
0xd9: {  	[sflag:s29] =	ssyncadd.s32 $0xFFFFFFFF  }
0xda: {  	_ =	strace $0x90000051  }
0xdb: {  	_ =	sfence  }
0xdc: {  	s30 =	sld [smem:$0x0];
	_ =	sdelay $0x2  }
0xdd: {  	s31 =	sshll.u32 s1, $0xD;
	s1 =	sshrl.u32 s1, $0x2  }
0xde: {  	s4 =	sand.u32 $0x4000, s31;
	s1 =	sadd.s32 s1, s30  }
0xdf: {  	s0 =	sor.u32 s4, s0;
	s1 =	sshll.u32 s1, $0x11  }
0xe0: {  	s0 =	sor.u32 s1, s0  }
0xe1: {  	s0 =	sadd.s32 $0x8F2B, s0  }
0xe2: {  	[sflag:s0] =	ssyncadd.remote.s32 $0x1  }
0xe3: {  	_ =	sfence.sel $0xFFFF  }
0xe4: {  	[dreg:$0x0] =	wrdreg $0xFFFFFFFF;
	(pc) =	sbr.abs _section_cstart, $3  }
0xe5: {  	[dreg:$0x1] =	wrdreg $0xFFFFFFFF  }
0xe6: {  	_ =	task.clear_ibuf [dreg:s20], $0x2FFFF;
	_ =	strace $0x9FFFFFFF  }
0xe7: {  	(tm) =	ssettm $0x7FFFFFFF  }
tec
execute0_lowered:
.L_overlay_start_1:
0x0: {  	(tag) =	ssettag $0x1  }
0x1: {  	s2 =	rddreg [dreg:$0x0]  }
0x2: {  	s5 =	rddreg [dreg:$0x1]  }
0x3: {  	s0 =	rddreg [dreg:$0x2];
	s3 =	stileid.u32;
	[bflag:$0x3] =	sbarrier.arrive $0xFFFF  }
0x4: {  	s1 =	simm.s32 $_size_execute1_lowered;
	s29 =	srdreg.scid;
	s31 =	simm.s32 $0x2  }
0x5: {  	s13 =	simm.s32 $0x0;
	s8 =	simm.s32 $0x40;
	p0 =	sne.s32 s3, $0x0  }
0x6: {  	s1 =	sshll.u32 s1, $0x1;
	s4 =	simm.s32 @!p0 $0x1C3F;
	s6 =	simm.s32 @!p0 $0x4060  }
0x7: {  	[timem:s6], [sflag:s4] =	dma.local @!p0 [hbm:s2], s1  }
0x8: {  	s9 =	simm.s32 $0x80;
	s11 =	simm.s32 $0x0;
	s2 =	sshll.u32 s29, $0x8  }
.Ltmp0:
0x9: {  	s3 =	sshll.u32 s3, $0x9;
	s30 =	sand.u32 $0x100, s2;
	(pc) =	sbr.rel .LBB2_1-.Ltmp0, $4  }
0xa: {  	s12 =	simm.s32 $0x0;
	s4 =	simm.s32 $0x1;
	s3 =	sor.u32 s3, s30  }
0xb: {  	_ =	strace $0x8000004D;
	s2 =	sadd.s32 $0x45200, s5;
	s7 =	ssub.s32 $0x2700, s3  }
0xc: {  	s5 =	sadd.s32 $0x6C400, s5;
	[sflag:s4] =	ssyncpa.u1 $0x0;
	s6 =	sshrl.u32 s7, $0xD  }
0xd: {  	[sflag:s31] =	ssyncpa.u1 $0x0;
	s10 =	smov.u32 s3;
	s7 =	sor.u32 $0x2, s6  }
.LBB2_5:
0xe: {  	_ =	sdelay $0x3  }
0xf: {  	[tilespmem:v3+s18+$0x0 ss:$0x1] =	vst.idx.msk $0xffff, v1  }
0x10: {  	[tilespmem:v3+s17+$0x0 ss:$0x1] =	vst.idx.msk $0xffff, v2  }
0x11: {  	[tilespmem:v3+s16+$0x0 ss:$0x1] =	vst.idx.msk $0xffff, v4  }
0x12: {  	[tilespmem:v3+s19+$0x0 ss:$0x1] =	vst.idx.msk $0xffff, v5  }
.LBB2_6:
0x13: {  	s16 =	sand.u32 $0x1FFFFFF, s11  }
0x14: {  	s17 =	smulhi.u32 $0x1A36E2F, s16;
	_ =	sdelay $0x1  }
0x15: {  	s17 =	sshrl.u32 s17, $0x6  }
0x16: {  	s17 =	smul.u32 $0x2710, s17;
	_ =	sdelay $0x1  }
0x17: {  	s16 =	ssub.s32 s16, s17  }
0x18: {  	s16 =	sshll.u32 s16, $0x4  }
0x19: {  	s16 =	sadd.s32 s5, s16  }
0x1a: {  	[hbm4b:s16+s8] =	stream.strided.scatter [tilespmem:s15], [sflag:$0x2], s14, s9, s8, $0x38;
	[tilespmem:$0x10000] =	vst v63  }
.LBB2_7:
0x1b: {  	p1 =	slt.u32 s12, $0x2  }
0x1c: {  	p2 =	sgt.s32 @!p1 s13, $0x2610  }
0x1d: {  	s14 =	smov.u32 s13;
	s15 =	sshra.s32 @!p1 s13, $0x1F;
	p2 =	por !p2, p1  }
0x1e: {  	s13 =	sand.u32 @!p1 s15, s13;
	s14 =	simm.s32 @p2 $0x2610  }
0x1f: {  	s13 =	ssub.s32 @!p1 s14, s13  }
0x20: {  	s13 =	sadd.s32 @!p1 $0xFFFFD9F0, s13  }
0x21: {  	s14 =	sshll.u32 @!p1 s13, $0x8  }
0x22: {  	p2 =	sgt.s32 @!p1 s13, $0xFF;
	s13 =	ssub.s32 @!p1 $0x10000, s14  }
0x23: {  	s15 =	sadd.s32 $0x2000, s10;
	p2 =	por !p2, p1;
	s13 =	sshrl.u32 @!p1 s13, $0x2  }
0x24: {  	s13 =	simm.s32 @!p2 $0x0;
	p2 =	sgt.s32 s15, $0x270F  }
0x25: {  	s15 =	smov.u32 @p2 s3;
	p2 =	sne.s32 s12, s7  }
.Ltmp1:
0x26: {  	_ = 	snop;
	(pc) =	sbr.rel @!p2 .LBB2_8-.Ltmp1, $4  }
0x27: {  	s14 =	simm.s32 @!p1 $0x2  }
0x28: {  	_ =	swait.ge @!p1 [sflag:s14], s13;
	s16 =	ssub.s32 @!p1 $0x0, s13  }
0x29: {  	s13 =	smov.u32 s11;
	s12 =	sadd.s32 $0x1, s12;
	[sflag:s14] =	ssyncset.done @!p1 $0x0  }
0x2a: {  	s11 =	smov.u32 s10;
	s10 =	smov.u32 s15;
	[sflag:s14] =	ssyncadd.s32 @!p1 s16  }
.LBB2_1:
0x2b: {  	p1 =	sgt.u32 s12, s6  }
0x2c: {  	s15 =	smov.u32 s10;
	p2 =	sgt.s32 @!p1 s10, $0x2610  }
0x2d: {  	s14 =	sand.u32 @!p1 $0x1FFFFFF, s10;
	s16 =	sshra.s32 @!p1 s10, $0x1F;
	p2 =	por !p2, p1  }
0x2e: {  	s17 =	smulhi.u32 @!p1 $0x1A36E2F, s14;
	s16 =	sand.u32 @!p1 s16, s10;
	s15 =	simm.s32 @p2 $0x2610  }
0x2f: {  	s15 =	ssub.s32 @!p1 s15, s16  }
0x30: {  	s16 =	sshrl.u32 @!p1 s17, $0x6;
	s15 =	sadd.s32 @!p1 $0xFFFFD9F0, s15  }
0x31: {  	s17 =	sxor.u32 @!p1 $0xFFFFFFFF, s12;
	s16 =	smul.u32 @!p1 $0x2710, s16;
	s18 =	sshll.u32 @!p1 s15, $0x8  }
0x32: {  	s17 =	sshll.u32 @!p1 s17, $0xE;
	p2 =	sgt.s32 @!p1 s15, $0xFF;
	s15 =	ssub.s32 @!p1 $0x10000, s18  }
0x33: {  	s14 =	ssub.s32 @!p1 s14, s16;
	p2 =	por !p2, p1;
	s16 =	sand.u32 @!p1 $0x4000, s17  }
0x34: {  	s17 =	simm.s32 @!p1 $0x40;
	s15 =	sshrl.u32 @!p1 s15, $0x2;
	s14 =	sshll.u32 @!p1 s14, $0x4  }
0x35: {  	s18 =	simm.s32 @!p1 $0x80;
	s15 =	simm.s32 @!p2 $0x0;
	s14 =	sadd.s32 @!p1 s2, s14  }
0x36: {  	[tilespmem:s16], [sflag:$0x1] =	stream.strided.gather @!p1 [hbm4b:s14+s17], s15, s18, s17, $0x38;
	[tilespmem:$0x10000] =	vst v63  }
0x37: {  	p1 =	seq.s32 s12, $0x0  }
0x38: {  	p2 =	sge.u32 @!p1 s12, s7  }
0x39: {  	p1 =	por p1, p2  }
.Ltmp2:
0x3a: {  	_ = 	snop;
	(pc) =	sbr.rel @p1 .LBB2_7-.Ltmp2, $1  }
0x3b: {  	_ =	sdelay $0x3  }
0x3c: {  	p1 =	sgt.s32 s11, $0x2610;
	s14 =	smov.u32 s11;
	s15 =	sshra.s32 s11, $0x1F  }
0x3d: {  	s14 =	simm.s32 @!p1 $0x2610;
	s15 =	sand.u32 s15, s11  }
0x3e: {  	s14 =	ssub.s32 s14, s15  }
0x3f: {  	s14 =	sadd.s32 $0xFFFFD9F0, s14  }
0x40: {  	s31 =	sshll.u32 s14, $0x8  }
0x41: {  	s15 =	ssub.s32 $0x10000, s31  }
0x42: {  	p1 =	sgt.s32 s14, $0xFF;
	s14 =	sshrl.u32 s15, $0x2;
	s15 =	sadd.s32 $0x100, s11  }
0x43: {  	s14 =	simm.s32 @p1 $0x0;
	p1 =	slt.s32 s15, $0x2710  }
0x44: {  	s15 =	simm.s32 @!p1 $0x2710  }
0x45: {  	s20 =	ssub.s32 s15, s11  }
0x46: {  	p1 =	slt.s32 s20, $0x1  }
.Ltmp3:
0x47: {  	_ = 	snop;
	(pc) =	sbr.rel @p1 .LBB2_6-.Ltmp3, $4  }
0x48: {  	_ = 	snop  }
0x49: {  	s16 =	sshll.u32 s12, $0xE;
	_ =	swait.ge [sflag:s4], s14  }
0x4a: {  	s16 =	sand.u32 $0x4000, s16;
	s17 =	ssub.s32 $0x0, s14;
	[sflag:s4] =	ssyncset.done $0x0  }
0x4b: {  	s15 =	sor.u32 $0x8000, s16;
	[sflag:s4] =	ssyncadd.s32 s17  }
0x4c: {  	v0 =	vmov s16;
	_ =	sdelay $0x2  }
0x4d: {  	s31 =	simm.s32 $0x0;
	p1 =	sne.s32 s20, $0x1  }
.Ltmp4:
0x4e: {  	s18 =	sand.u32 $0x3FC0, s31;
	(pc) =	sbr.rel @!p1 .LBB2_5-.Ltmp4, $4  }
0x4f: {  	s17 =	sor.u32 $0x30, s18;
	v1 =	vld.idx.msk [tilespmem:v0+s18+$0x0 ss:$0x1], $0xffff  }
0x50: {  	v3 =	vmov s15;
	s16 =	sor.u32 $0x10, s18;
	v2 =	vld.idx.msk [tilespmem:v0+s17+$0x0 ss:$0x1], $0xffff  }
0x51: {  	s19 =	sor.u32 $0x20, s18;
	v4 =	vld.idx.msk [tilespmem:v0+s16+$0x0 ss:$0x1], $0xffff  }
0x52: {  	s20 =	sadd.s32 $0xFFFFFFFF, s20;
	s21 =	simm.s32 $0x40;
	v5 =	vld.idx.msk [tilespmem:v0+s19+$0x0 ss:$0x1], $0xffff  }
.LBB2_4:
0x53: {  	s22 =	sand.u32 $0x3FC0, s21  }
0x54: {  	p1 =	sne.s32 s20, $0x1;
	s20 =	sadd.s32 $0xFFFFFFFF, s20;
	s23 =	sor.u32 $0x10, s22  }
.Ltmp5:
0x55: {  	s24 =	sor.u32 $0x20, s22;
	s25 =	sor.u32 $0x30, s22;
	[tilespmem:v3+s18+$0x0 ss:$0x1] =	vst.idx.msk $0xffff, v1;
	v1 =	vld.idx.msk [tilespmem:v0+s22+$0x0 ss:$0x1], $0xffff;
	(pc) =	sbr.rel @p1 .LBB2_4-.Ltmp5, $4  }
0x56: {  	s18 =	smov.u32 s22;
	[tilespmem:v3+s17+$0x0 ss:$0x1] =	vst.idx.msk $0xffff, v2;
	v2 =	vld.idx.msk [tilespmem:v0+s25+$0x0 ss:$0x1], $0xffff;
	s17 =	smov.u32 s25  }
0x57: {  	[tilespmem:v3+s16+$0x0 ss:$0x1] =	vst.idx.msk $0xffff, v4;
	v4 =	vld.idx.msk [tilespmem:v0+s23+$0x0 ss:$0x1], $0xffff;
	s16 =	smov.u32 s23  }
0x58: {  	[tilespmem:v3+s19+$0x0 ss:$0x1] =	vst.idx.msk $0xffff, v5;
	v5 =	vld.idx.msk [tilespmem:v0+s24+$0x0 ss:$0x1], $0xffff;
	s19 =	smov.u32 s24  }
0x59: {  	s21 =	sadd.s32 $0x40, s21  }
.Ltmp6:
0x5a: {  	_ = 	snop;
	(pc) =	sbr.rel .LBB2_5-.Ltmp6, $1  }
0x5b: {  	_ =	sdelay $0x3  }
.LBB2_8:
0x5c: {  	_ =	sfence.sel $0x180000  }
0x5d: {  	s2 =	simm.s32 $0x1;
	[bflag:$0x0] =	sbarrier.arrive $0xFFFF  }
0x5e: {  	s31 =	simm.s32 $0x2;
	[sflag:s2] =	ssyncpa.u1 $0x1  }
0x5f: {  	[sflag:s31] =	ssyncpa.u1 $0x1  }
0x60: {  	_ =	strace $0x9000004D  }
0x61: {  	s0 =	sadd.s32 @!p0 $0x100000, s0;
	[bflag:$0x2] =	sbarrier.arrive $0xFFFF  }
0x62: {  	[sflag:s0] =	ssyncadd.tile.s32 @!p0 $0x1;
	s0 =	simm.s32 @!p0 $0x3F  }
0x63: {  	_ =	swait.ge @!p0 [sflag:s0], s1  }
0x64: {  	s1 =	ssub.s32 @!p0 $0x0, s1;
	[sflag:s0] =	ssyncset.done @!p0 $0x0  }
0x65: {  	[sflag:s0] =	ssyncadd.s32 @!p0 s1  }
0x66: {  	[bflag:$0x3] =	sbarrier.arrive $0xFFFF  }
0x67: {  	_ =	shalt  }
.Lfunc_end2:
execute1_lowered:
.L_overlay_start_2:
0x68: {  	(tag) =	ssettag $0x2  }
0x69: {  	s2 =	rddreg [dreg:$0x0]  }
0x6a: {  	s4 =	rddreg [dreg:$0x1];
	_ =	strace $0x80000050;
	s0 =	simm.s32 $0x1  }
0x6b: {  	s3 =	simm.s32 $0x88;
	v0 =	vimm.s32 $0x0;
	[sflag:s0] =	ssyncpa.u1 $0x0  }
0x6c: {  	s1 =	sadd.s32 $0x6C400, s2;
	[tilespmem:s3+$0x30] =	vst v0  }
0x6d: {  	s0 =	sadd.s32 $0x7ABE00, s2;
	s6 =	sadd.s32 $0x2B6200, s2;
	[tilespmem:s3+$0x20] =	vst v0  }
0x6e: {  	s2 =	sadd.s32 $0x7B5C00, s2;
	s7 =	sand.u32 $0x1, s4;
	s4 =	simm.s32 $0x40;
	[tilespmem:s3+$0x10] =	vst v0  }
.LBB3_1:
0x6f: {  	s4 =	sadd.s32 $0x40, s4  }
0x70: {  	[tilespmem:s3+$0x0] =	vst v0;
	s3 =	sadd.s32 $0x40, s3;
	p0 =	slt.u32 s4, $0x5040  }
.Ltmp7:
0x71: {  	(pc) =	sbr.rel @p0 .LBB3_1-.Ltmp7, $4  }
0x72: {  	_ = 	snop  }
0x73: {  	[tilespmem:s3+$0x30] =	vst v0  }
0x74: {  	[tilespmem:s3+$0x20] =	vst v0  }
0x75: {  	[tilespmem:s3+$0x10] =	vst v0  }
0x76: {  	s8 =	stileid.u32  }
0x77: {  	s4 =	smul.u32 $0x1F, s8  }
0x78: {  	s5 =	smin.u32 s8, $0x4  }
0x79: {  	s4 =	sadd.s32 s5, s4  }
0x7a: {  	p0 =	slt.u32 s8, $0x4;
	s12 =	smul.u32 $0x140, s4;
	s4 =	simm.s32 $0x2800  }
0x7b: {  	s4 =	simm.s32 @!p0 $0x26C0  }
0x7c: {  	s25 =	simm.s32 $0x2;
	s4 =	sadd.s32 s4, s12  }
0x7d: {  	s28 =	simm.s32 $0x9;
	s9 =	simm.s32 $0xA;
	s14 =	smin.u32 s4, $0x27100  }
0x7e: {  	s30 =	simm.s32 $0xB;
	[dreg:$0x4] =	wrdreg s7;
	s4 =	ssub.s32 s14, s12  }
0x7f: {  	s31 =	smul.u32 $0x4E20, s7;
	s13 =	simm.s32 $0x1;
	p0 =	sgt.s32 s4, $0x0  }
0x80: {  	s19 =	simm.s32 $0x0;
	s20 =	simm.s32 $0xA808;
	s4 =	simm.s32 @!p0 $0x0  }
0x81: {  	s21 =	simm.s32 $0xFFFFFFFF;
	p1 =	por $0x0, $0x0;
	s26 =	smulhi.u32 $0x66666667, s4  }
0x82: {  	[tilespmem:s3+$0x0] =	vst v0;
	s23 =	simm.s32 $0x0;
	[sflag:s25] =	ssyncpa.u1 $0x0;
	s18 =	sshll.u32 s8, $0x7  }
0x83: {  	s0 =	sadd.s32 s31, s0;
	[dreg:$0xa] =	wrdreg s18;
	s3 =	sshrl.u32 s26, $0x7  }
0x84: {  	v0 =	vimm.s32 $0xFFFFFFFF;
	s17 =	sadd.s32 s31, s2;
	[dreg:$0x9] =	wrdreg s0;
	s29 =	smul.u32 $0x140, s3  }
0x85: {  	s25 =	simm.s32 $0x0;
	[tilespmem:$0xA108] =	vst v0;
	[sflag:s28] =	ssyncpa.u1 $0x0;
	[dreg:$0x8] =	wrdreg s17  }
.Ltmp8:
0x86: {  	p0 =	sne.s32 s4, s29;
	s4 =	simm.s32 $0x1;
	(pc) =	sbr.rel .LBB3_3-.Ltmp8, $4  }
0x87: {  	[sflag:s9] =	ssyncpa.u1 $0x0;
	[dreg:$0x5] =	wrdreg s12;
	s4 =	simm.s32 @!p0 $0x0  }
0x88: {  	[sflag:s30] =	ssyncpa.u1 $0x0;
	[dreg:$0x6] =	wrdreg s14;
	s15 =	sadd.s32 s4, s3  }
0x89: {  	s24 =	smov.u32 s12;
	s22 =	sadd.s32 $0x1, s15;
	[dreg:$0x7] =	wrdreg s15  }
0x8a: {  	v0 =	vlaneseq.u32;
	s26 =	simm.s32 $0x0;
	p0 =	por $0x1, $0x1;
	[dreg:$0xb] =	wrdreg s22  }
.LBB3_22:
0x8b: {  	s0 =	sshrl.u32 s3, $0x2  }
.LBB3_24:
0x8c: {  	s3 =	simm.s32 $0xC  }
0x8d: {  	_ =	swait.ge [sflag:s3], s0  }
0x8e: {  	s31 =	ssub.s32 $0x0, s0;
	v1 =	vmov s4;
	vm0 =	veq.s32 v0, $0x0;
	[sflag:s3] =	ssyncset.done $0x0  }
0x8f: {  	vm15 =	veq.s32 v0, $0x2;
	v1 =	vsel vm0, s2, v1;
	[sflag:s3] =	ssyncadd.s32 s31  }
0x90: {  	v1 =	vsel vm15, s26, v1;
	[sflag:s3] =	ssyncpa.u1 $0x1  }
0x91: {  	[tilespmem:$0xA108] =	vst v1  }
.LBB3_25:
0x92: {  	s0 =	sadd.s32 $0x140, s24  }
0x93: {  	s2 =	smov.u32 s12;
	p2 =	slt.s32 s0, s14  }
0x94: {  	s2 =	smov.u32 @p2 s0;
	p2 =	sne.s32 s25, s22  }
.Ltmp9:
0x95: {  	_ = 	snop;
	(pc) =	sbr.rel @!p2 .LBB3_26-.Ltmp9, $4  }
0x96: {  	_ = 	snop  }
0x97: {  	s26 =	smov.u32 s23;
	s31 =	sadd.s32 $0x1, s25;
	p0 =	por !p0, !p0  }
0x98: {  	s23 =	smov.u32 s24;
	s20 =	sadd.s32 $0x140, s20;
	s21 =	sadd.s32 $0x1, s21  }
0x99: {  	p1 =	por !p1, !p1;
	s25 =	smov.u32 s31;
	s24 =	smov.u32 s2  }
.LBB3_3:
0x9a: {  	p2 =	sge.u32 s25, s15  }
0x9b: {  	s0 =	smulhi.u32 @!p2 $0xAAAAAAAB, s25  }
0x9c: {  	s2 =	smov.u32 s24;
	p3 =	sgt.s32 @!p2 s24, $0x26FC0  }
0x9d: {  	s3 =	sshra.s32 @!p2 s24, $0x1F;
	p3 =	por !p3, p2;
	s0 =	sshrl.u32 @!p2 s0, $0x1  }
0x9e: {  	s3 =	sand.u32 @!p2 s3, s24;
	s2 =	simm.s32 @p3 $0x26FC0;
	s0 =	smul.u32 @!p2 $0x3, s0  }
0x9f: {  	s2 =	ssub.s32 @!p2 s2, s3  }
0xa0: {  	s2 =	sadd.s32 @!p2 $0xFFFD9040, s2;
	s0 =	ssub.s32 @!p2 s25, s0  }
0xa1: {  	s3 =	sshll.u32 @!p2 s2, $0x2;
	p3 =	sgt.s32 @!p2 s2, $0x13F;
	s0 =	smul.u32 @!p2 $0x500, s0  }
0xa2: {  	s4 =	sand.u32 @!p2 $0x7, s24;
	s2 =	ssub.s32 @!p2 $0x500, s3;
	p3 =	por !p3, p2  }
0xa3: {  	s3 =	sshrl.u32 @!p2 s24, $0x3;
	s2 =	sshrl.u32 @!p2 s2, $0x2;
	s0 =	sshrl.u32 @!p2 s0, $0x2  }
0xa4: {  	s3 =	sadd.s32 @!p2 s3, s17;
	s2 =	simm.s32 @!p3 $0x0;
	s0 =	sadd.s32 @!p2 $0xA948, s0  }
0xa5: {  	[tilespmem:s0], [sflag:$0xA] =	stream.linear.gather @!p2 [hbm4b:s3+s4], s2, $0x38;
	[tilespmem:$0x1EF88] =	vst v63  }
0xa6: {  	s0 =	sadd.s32 $0xFFFFFFFF, s25  }
0xa7: {  	p2 =	sge.u32 s0, s15  }
.Ltmp10:
0xa8: {  	_ = 	snop;
	(pc) =	sbr.rel @p2 .LBB3_7-.Ltmp10, $1  }
0xa9: {  	_ =	sdelay $0x3  }
0xaa: {  	p2 =	sgt.s32 s23, $0x26FC0;
	s2 =	smov.u32 s23;
	s3 =	sshra.s32 s23, $0x1F  }
0xab: {  	s2 =	simm.s32 @!p2 $0x26FC0;
	s3 =	sand.u32 s3, s23  }
0xac: {  	s17 =	smulhi.u32 $0xAAAAAAAB, s21;
	s2 =	ssub.s32 s2, s3  }
0xad: {  	s0 =	sand.u32 $0x1, s0;
	s2 =	sadd.s32 $0xFFFD9040, s2  }
0xae: {  	s5 =	simm.s32 $0xA;
	s3 =	sshrl.u32 s17, $0x1;
	s4 =	sshll.u32 s2, $0x2  }
0xaf: {  	s7 =	sshrl.u32 s23, $0x3;
	s3 =	smul.u32 $0xFFFFF100, s3;
	s4 =	ssub.s32 $0x500, s4  }
0xb0: {  	s18 =	smul.u32 $0x500, s0;
	p2 =	sgt.s32 s2, $0x13F;
	s2 =	sshrl.u32 s4, $0x2  }
0xb1: {  	s9 =	sand.u32 $0x7, s23;
	s3 =	sshra.s32 s3, $0x2;
	s2 =	simm.s32 @p2 $0x0  }
0xb2: {  	s0 =	sadd.s32 s3, s20;
	s4 =	sshrl.u32 s18, $0x2;
	_ =	swait.ge [sflag:s5], s2  }
0xb3: {  	s22 =	ssub.s32 $0x0, s2;
	[sflag:s5] =	ssyncset.done $0x0;
	s8 =	rddreg [dreg:$0x9]  }
0xb4: {  	s4 =	sadd.s32 $0xAD08, s4;
	[sflag:s5] =	ssyncadd.s32 s22;
	s3 =	sadd.s32 s7, s8  }
0xb5: {  	[tilespmem:s4], [sflag:$0xB] =	stream.linear.gather [hbm4b:s3+s9], s2, $0x38;
	[tilespmem:$0x1EF88] =	vst v63  }
0xb6: {  	v1 =	vld.msk [tilespmem:s0+$0x0], $0xffff;
	_ =	sdelay $0x4  }
0xb7: {  	v1 =	vshll.u32 v1, $0x4  }
0xb8: {  	(v2sf) =	vpush v1, $0x0  }
0xb9: {  	(v2sf) =	vpush v1, $0x1  }
0xba: {  	(v2sf) =	vpush v1, $0x2;
	_ =	sdelay $0x3  }
0xbb: {  	(v2sf) =	vpush v1, $0x3;
	_ =	sdelay $0x1  }
0xbc: {  	(v2sf) =	vpush v1, $0x4  }
0xbd: {  	s2 =	simm.s32 $0x1;
	(v2sf) =	vpush v1, $0x5  }
0xbe: {  	s2 =	simm.s32 @!p0 $0x0  }
0xbf: {  	s2 =	smul.u32 $0x28000, s2;
	(v2sf) =	vpush v1, $0x6;
	_ =	sdelay $0x1  }
0xc0: {  	s2 =	sshrl.u32 s2, $0x2  }
0xc1: {  	s28 =	sadd.s32 $0xB708, s2  }
0xc2: {  	s12 =	sadd.s32 $0xFFFFF880, s28;
	s17 =	sadd.s32 $0xFFFFF900, s28;
	s10 =	spop (v2sf);
	(v2sf) =	vpush v1, $0x7  }
0xc3: {  	s18 =	sadd.s32 $0xFFFFF980, s28;
	s11 =	sand.u32 $0x1FFFFFF0, s10;
	s14 =	spop (v2sf)  }
0xc4: {  	(v2sf) =	vpush v1, $0x8;
	s2 =	sadd.s32 s6, s11;
	s15 =	sand.u32 $0x1FFFFFF0, s14;
	s16 =	spop (v2sf)  }
0xc5: {  	[tilespmem:s12], [sflag:$0x9] =	stream.linear.gather [hbm4b:s2+s19], $0x40, $0x38;
	[tilespmem:$0x1EF88] =	vst v63  }
0xc6: {  	s5 =	sadd.s32 $0xFFFFFA00, s28;
	s2 =	sadd.s32 s6, s15;
	s3 =	sand.u32 $0x1FFFFFF0, s16  }
0xc7: {  	(v2sf) =	vpush v1, $0x9;
	[tilespmem:s17], [sflag:$0x9] =	stream.linear.gather [hbm4b:s2+s19], $0x40, $0x38;
	[tilespmem:$0x1EF88] =	vst v63  }
0xc8: {  	s7 =	sadd.s32 $0xFFFFFA80, s28;
	s22 =	spop (v2sf);
	s3 =	sadd.s32 s6, s3  }
0xc9: {  	(v2sf) =	vpush v1, $0xA;
	[tilespmem:s18], [sflag:$0x9] =	stream.linear.gather [hbm4b:s3+s19], $0x40, $0x38;
	[tilespmem:$0x1EF88] =	vst v63  }
0xca: {  	s11 =	sadd.s32 $0xFFFFFB00, s28;
	s4 =	spop (v2sf);
	(v2sf) =	vpush v1, $0xB;
	s3 =	sand.u32 $0x1FFFFFF0, s22  }
0xcb: {  	s8 =	spop (v2sf);
	s2 =	sadd.s32 s6, s3;
	s3 =	sand.u32 $0x1FFFFFF0, s4  }
0xcc: {  	(v2sf) =	vpush v1, $0xC;
	[tilespmem:s5], [sflag:$0x9] =	stream.linear.gather [hbm4b:s2+s19], $0x40, $0x38;
	[tilespmem:$0x1EF88] =	vst v63  }
0xcd: {  	s9 =	sand.u32 $0x1FFFFFF0, s8;
	s10 =	spop (v2sf);
	s3 =	sadd.s32 s6, s3  }
0xce: {  	(v2sf) =	vpush v1, $0xD;
	[tilespmem:s7], [sflag:$0x9] =	stream.linear.gather [hbm4b:s3+s19], $0x40, $0x38;
	[tilespmem:$0x1EF88] =	vst v63  }
0xcf: {  	s12 =	sadd.s32 $0xFFFFFB80, s28;
	s2 =	sadd.s32 s6, s9;
	s3 =	sand.u32 $0x1FFFFFF0, s10  }
0xd0: {  	[tilespmem:s11], [sflag:$0x9] =	stream.linear.gather [hbm4b:s2+s19], $0x40, $0x38;
	[tilespmem:$0x1EF88] =	vst v63  }
0xd1: {  	s17 =	sadd.s32 $0xFFFFFC00, s28;
	s3 =	sadd.s32 s6, s3;
	s14 =	spop (v2sf)  }
0xd2: {  	[tilespmem:s12], [sflag:$0x9] =	stream.linear.gather [hbm4b:s3+s19], $0x40, $0x38;
	(v2sf) =	vpush v1, $0xE;
	[tilespmem:$0x1EF88] =	vst v63  }
0xd3: {  	s18 =	sadd.s32 $0xFFFFFC80, s28;
	s15 =	sand.u32 $0x1FFFFFF0, s14;
	s16 =	spop (v2sf)  }
0xd4: {  	s5 =	sadd.s32 $0xFFFFFD00, s28;
	(v2sf) =	vpush v1, $0xF;
	s2 =	sadd.s32 s6, s15;
	s3 =	sand.u32 $0x1FFFFFF0, s16  }
0xd5: {  	[tilespmem:s17], [sflag:$0x9] =	stream.linear.gather [hbm4b:s2+s19], $0x40, $0x38;
	[tilespmem:$0x1EF88] =	vst v63  }
0xd6: {  	s7 =	sadd.s32 $0xFFFFFD80, s28;
	s22 =	spop (v2sf);
	s3 =	sadd.s32 s6, s3  }
0xd7: {  	[tilespmem:s18], [sflag:$0x9] =	stream.linear.gather [hbm4b:s3+s19], $0x40, $0x38;
	[tilespmem:$0x1EF88] =	vst v63  }
0xd8: {  	s11 =	sadd.s32 $0xFFFFFE00, s28;
	s4 =	spop (v2sf);
	s3 =	sand.u32 $0x1FFFFFF0, s22  }
0xd9: {  	s8 =	spop (v2sf);
	s2 =	sadd.s32 s6, s3;
	s3 =	sand.u32 $0x1FFFFFF0, s4  }
0xda: {  	[tilespmem:s5], [sflag:$0x9] =	stream.linear.gather [hbm4b:s2+s19], $0x40, $0x38;
	[tilespmem:$0x1EF88] =	vst v63  }
0xdb: {  	s9 =	sand.u32 $0x1FFFFFF0, s8;
	s10 =	spop (v2sf);
	s3 =	sadd.s32 s6, s3  }
0xdc: {  	[tilespmem:s7], [sflag:$0x9] =	stream.linear.gather [hbm4b:s3+s19], $0x40, $0x38;
	[tilespmem:$0x1EF88] =	vst v63  }
0xdd: {  	s14 =	spop (v2sf);
	s2 =	sadd.s32 s6, s9;
	s3 =	sand.u32 $0x1FFFFFF0, s10  }
0xde: {  	[tilespmem:s11], [sflag:$0x9] =	stream.linear.gather [hbm4b:s2+s19], $0x40, $0x38;
	[tilespmem:$0x1EF88] =	vst v63  }
0xdf: {  	s12 =	sadd.s32 $0xFFFFFE80, s28;
	s15 =	sand.u32 $0x1FFFFFF0, s14;
	s3 =	sadd.s32 s6, s3  }
0xe0: {  	[tilespmem:s12], [sflag:$0x9] =	stream.linear.gather [hbm4b:s3+s19], $0x40, $0x38;
	[tilespmem:$0x1EF88] =	vst v63  }
0xe1: {  	s17 =	sadd.s32 $0xFFFFFF00, s28;
	s2 =	sadd.s32 s6, s15;
	s16 =	spop (v2sf)  }
0xe2: {  	[tilespmem:s17], [sflag:$0x9] =	stream.linear.gather [hbm4b:s2+s19], $0x40, $0x38;
	[tilespmem:$0x1EF88] =	vst v63  }
0xe3: {  	s29 =	simm.s32 $0x0;
	s3 =	sand.u32 $0x1FFFFFF0, s16;
	s18 =	spop (v2sf)  }
0xe4: {  	s22 =	sadd.s32 $0xFFFFFF80, s28;
	s3 =	sadd.s32 s6, s3;
	s2 =	sand.u32 $0x1FFFFFF0, s18  }
0xe5: {  	[tilespmem:s22], [sflag:$0x9] =	stream.linear.gather [hbm4b:s3+s19], $0x40, $0x38;
	[tilespmem:$0x1EF88] =	vst v63  }
0xe6: {  	s31 =	sadd.s32 $0x10, s0;
	s30 =	sadd.s32 $0x800, s28;
	s2 =	sadd.s32 s6, s2  }
.LBB3_5:
0xe7: {  	[tilespmem:s28], [sflag:$0x9] =	stream.linear.gather [hbm4b:s2+s19], $0x40, $0x38;
	[tilespmem:$0x1EF88] =	vst v63  }
0xe8: {  	s29 =	sadd.s32 $0x10, s29;
	s28 =	smov.u32 s30  }
0xe9: {  	p2 =	slt.u32 s29, $0x130;
	v1 =	vld.msk [tilespmem:s31+$0x0], $0xffff;
	_ =	sdelay $0x4  }
0xea: {  	v1 =	vshll.u32 v1, $0x4  }
0xeb: {  	(v2sf) =	vpush v1, $0x0  }
0xec: {  	(v2sf) =	vpush v1, $0x1  }
0xed: {  	(v2sf) =	vpush v1, $0x2;
	_ =	sdelay $0x1  }
0xee: {  	(v2sf) =	vpush v1, $0x3;
	_ =	sdelay $0x1  }
0xef: {  	(v2sf) =	vpush v1, $0x4;
	_ =	sdelay $0x1  }
0xf0: {  	(v2sf) =	vpush v1, $0x5;
	_ =	sdelay $0x1  }
0xf1: {  	(v2sf) =	vpush v1, $0x6  }
0xf2: {  	s4 =	sadd.s32 $0xFFFFFE80, s30;
	s0 =	sadd.s32 $0xFFFFFF00, s30  }
0xf3: {  	s3 =	sadd.s32 $0xFFFFFD00, s30;
	s2 =	sadd.s32 $0xFFFFFD80, s30;
	s5 =	sadd.s32 $0xFFFFFE00, s30;
	(v2sf) =	vpush v1, $0x7  }
0xf4: {  	s10 =	sadd.s32 $0xFFFFFB80, s30;
	s9 =	sadd.s32 $0xFFFFFC00, s30;
	s16 =	sadd.s32 $0xFFFFFC80, s30  }
0xf5: {  	s11 =	sadd.s32 $0xFFFFFA00, s30;
	s12 =	sadd.s32 $0xFFFFFA80, s30;
	s15 =	sadd.s32 $0xFFFFFB00, s30;
	(v2sf) =	vpush v1, $0x8  }
0xf6: {  	s18 =	sadd.s32 $0xFFFFF900, s30;
	s7 =	sadd.s32 $0xFFFFF980, s30;
	s22 =	spop (v2sf)  }
0xf7: {  	s8 =	sadd.s32 $0xFFFFF880, s30;
	s22 =	sand.u32 $0x1FFFFFF0, s22;
	s14 =	spop (v2sf);
	(v2sf) =	vpush v1, $0x9  }
0xf8: {  	s22 =	sadd.s32 s6, s22;
	s14 =	sand.u32 $0x1FFFFFF0, s14;
	s17 =	spop (v2sf)  }
0xf9: {  	[tilespmem:s8], [sflag:$0x9] =	stream.linear.gather [hbm4b:s22+s19], $0x40, $0x38;
	(v2sf) =	vpush v1, $0xA;
	[tilespmem:$0x1EF88] =	vst v63  }
0xfa: {  	s8 =	sadd.s32 s6, s14;
	s14 =	sand.u32 $0x1FFFFFF0, s17;
	s17 =	spop (v2sf)  }
0xfb: {  	[tilespmem:s18], [sflag:$0x9] =	stream.linear.gather [hbm4b:s8+s19], $0x40, $0x38;
	(v2sf) =	vpush v1, $0xB;
	[tilespmem:$0x1EF88] =	vst v63  }
0xfc: {  	s8 =	sadd.s32 s6, s14;
	s14 =	sand.u32 $0x1FFFFFF0, s17;
	s17 =	spop (v2sf)  }
0xfd: {  	[tilespmem:s7], [sflag:$0x9] =	stream.linear.gather [hbm4b:s8+s19], $0x40, $0x38;
	(v2sf) =	vpush v1, $0xC;
	[tilespmem:$0x1EF88] =	vst v63  }
0xfe: {  	s7 =	sadd.s32 s6, s14;
	s8 =	sand.u32 $0x1FFFFFF0, s17;
	s14 =	spop (v2sf)  }
0xff: {  	[tilespmem:s11], [sflag:$0x9] =	stream.linear.gather [hbm4b:s7+s19], $0x40, $0x38;
	(v2sf) =	vpush v1, $0xD;
	[tilespmem:$0x1EF88] =	vst v63  }
0x100: {  	s7 =	sadd.s32 s6, s8;
	s8 =	sand.u32 $0x1FFFFFF0, s14;
	s11 =	spop (v2sf)  }
0x101: {  	[tilespmem:s12], [sflag:$0x9] =	stream.linear.gather [hbm4b:s7+s19], $0x40, $0x38;
	(v2sf) =	vpush v1, $0xE;
	[tilespmem:$0x1EF88] =	vst v63  }
0x102: {  	s7 =	sadd.s32 s6, s8;
	s8 =	sand.u32 $0x1FFFFFF0, s11;
	s11 =	spop (v2sf)  }
0x103: {  	[tilespmem:s15], [sflag:$0x9] =	stream.linear.gather [hbm4b:s7+s19], $0x40, $0x38;
	(v2sf) =	vpush v1, $0xF;
	[tilespmem:$0x1EF88] =	vst v63  }
0x104: {  	s7 =	sadd.s32 s6, s8;
	s8 =	sand.u32 $0x1FFFFFF0, s11;
	s11 =	spop (v2sf)  }
0x105: {  	[tilespmem:s10], [sflag:$0x9] =	stream.linear.gather [hbm4b:s7+s19], $0x40, $0x38;
	[tilespmem:$0x1EF88] =	vst v63  }
0x106: {  	s7 =	sadd.s32 s6, s8;
	s8 =	sand.u32 $0x1FFFFFF0, s11;
	s10 =	spop (v2sf)  }
0x107: {  	[tilespmem:s9], [sflag:$0x9] =	stream.linear.gather [hbm4b:s7+s19], $0x40, $0x38;
	[tilespmem:$0x1EF88] =	vst v63  }
0x108: {  	s7 =	sadd.s32 s6, s8;
	s8 =	sand.u32 $0x1FFFFFF0, s10;
	s9 =	spop (v2sf)  }
0x109: {  	[tilespmem:s16], [sflag:$0x9] =	stream.linear.gather [hbm4b:s7+s19], $0x40, $0x38;
	[tilespmem:$0x1EF88] =	vst v63  }
0x10a: {  	s7 =	sadd.s32 s6, s8;
	s8 =	sand.u32 $0x1FFFFFF0, s9;
	s9 =	spop (v2sf)  }
0x10b: {  	[tilespmem:s3], [sflag:$0x9] =	stream.linear.gather [hbm4b:s7+s19], $0x40, $0x38;
	[tilespmem:$0x1EF88] =	vst v63  }
0x10c: {  	s3 =	sadd.s32 s6, s8;
	s7 =	sand.u32 $0x1FFFFFF0, s9;
	s8 =	spop (v2sf)  }
0x10d: {  	[tilespmem:s2], [sflag:$0x9] =	stream.linear.gather [hbm4b:s3+s19], $0x40, $0x38;
	[tilespmem:$0x1EF88] =	vst v63  }
0x10e: {  	s2 =	sadd.s32 s6, s7;
	s3 =	sand.u32 $0x1FFFFFF0, s8;
	s7 =	spop (v2sf)  }
0x10f: {  	[tilespmem:s5], [sflag:$0x9] =	stream.linear.gather [hbm4b:s2+s19], $0x40, $0x38;
	[tilespmem:$0x1EF88] =	vst v63  }
0x110: {  	s2 =	sadd.s32 s6, s3;
	s3 =	sand.u32 $0x1FFFFFF0, s7;
	s5 =	spop (v2sf)  }
0x111: {  	[tilespmem:s4], [sflag:$0x9] =	stream.linear.gather [hbm4b:s2+s19], $0x40, $0x38;
	[tilespmem:$0x1EF88] =	vst v63  }
0x112: {  	s2 =	sadd.s32 s6, s3  }
.Ltmp11:
0x113: {  	s3 =	sand.u32 $0x1FFFFFF0, s5;
	s4 =	spop (v2sf);
	(pc) =	sbr.rel @p2 .LBB3_5-.Ltmp11, $4  }
0x114: {  	[tilespmem:s0], [sflag:$0x9] =	stream.linear.gather [hbm4b:s2+s19], $0x40, $0x38;
	[tilespmem:$0x1EF88] =	vst v63  }
0x115: {  	s0 =	sadd.s32 s6, s3;
	s2 =	sadd.s32 $0xFFFFFF80, s30;
	s3 =	sand.u32 $0x1FFFFFF0, s4  }
0x116: {  	[tilespmem:s2], [sflag:$0x9] =	stream.linear.gather [hbm4b:s0+s19], $0x40, $0x38;
	[tilespmem:$0x1EF88] =	vst v63  }
0x117: {  	s31 =	sadd.s32 $0x10, s31;
	s30 =	sadd.s32 $0x800, s30;
	s2 =	sadd.s32 s6, s3  }
0x118: {  	[tilespmem:s28], [sflag:$0x9] =	stream.linear.gather [hbm4b:s2+s19], $0x40, $0x38;
	[tilespmem:$0x1EF88] =	vst v63  }
0x119: {  	s12 =	rddreg [dreg:$0x5]  }
0x11a: {  	s14 =	rddreg [dreg:$0x6]  }
0x11b: {  	s15 =	rddreg [dreg:$0x7]  }
0x11c: {  	s17 =	rddreg [dreg:$0x8]  }
0x11d: {  	s18 =	rddreg [dreg:$0xa]  }
0x11e: {  	s22 =	rddreg [dreg:$0xb]  }
.LBB3_7:
0x11f: {  	p2 =	slt.u32 s25, $0x2  }
.Ltmp12:
0x120: {  	_ = 	snop;
	(pc) =	sbr.rel @p2 .LBB3_25-.Ltmp12, $1  }
0x121: {  	_ =	sdelay $0x3  }
0x122: {  	p2 =	sgt.s32 s26, $0x26FC0;
	s0 =	smov.u32 s26;
	s2 =	sshra.s32 s26, $0x1F  }
0x123: {  	s0 =	simm.s32 @!p2 $0x26FC0;
	s2 =	sand.u32 s2, s26  }
0x124: {  	s0 =	ssub.s32 s0, s2  }
0x125: {  	s0 =	sadd.s32 $0xFFFD9040, s0  }
0x126: {  	s3 =	simm.s32 $0x9;
	s29 =	sshll.u32 s0, $0x2  }
0x127: {  	_ =	swait.ge [sflag:s3], $0x5000;
	s2 =	ssub.s32 $0x500, s29  }
0x128: {  	[sflag:s3] =	ssyncset.done $0x0;
	p2 =	sgt.s32 s0, $0x13F;
	s0 =	sshrl.u32 s2, $0x2  }
0x129: {  	s30 =	simm.s32 $0xB;
	[sflag:s3] =	ssyncadd.s32 $0xFFFFB000;
	s0 =	simm.s32 @p2 $0x0  }
0x12a: {  	_ =	swait.ge [sflag:s30], s0  }
0x12b: {  	s0 =	ssub.s32 $0x0, s0;
	[sflag:s30] =	ssyncset.done $0x0  }
0x12c: {  	[sflag:s30] =	ssyncadd.s32 s0  }
0x12d: {  	v1 =	vld [tilespmem:$0xA108];
	_ =	sdelay $0x4  }
0x12e: {  	(v2sf) =	vpush v1, $0x0  }
0x12f: {  	(v2sf) =	vpush v1, $0x1  }
0x130: {  	(v2sf) =	vpush v1, $0x2;
	_ =	sdelay $0x3  }
0x131: {  	s0 =	sadd.s32 $0x140, s26  }
0x132: {  	s4 =	ssub.s32 $0x4E200, s26;
	p2 =	slt.s32 s14, s0  }
0x133: {  	s0 =	smov.u32 @p2 s14;
	p2 =	sgt.s32 s4, $0x0  }
0x134: {  	s0 =	ssub.s32 s0, s26;
	s4 =	simm.s32 @!p2 $0x0  }
0x135: {  	p2 =	slt.s32 s4, s0  }
0x136: {  	s0 =	smov.u32 @p2 s4  }
0x137: {  	s2 =	simm.s32 $0x1;
	p2 =	slt.s32 s0, $0x1  }
.Ltmp13:
0x138: {  	s2 =	simm.s32 @!p1 $0x0;
	(pc) =	sbr.rel @p2 .LBB3_12-.Ltmp13, $4  }
0x139: {  	s7 =	smul.u32 $0x500, s2  }
0x13a: {  	s3 =	spop (v2sf)  }
0x13b: {  	s31 =	sshrl.u32 s7, $0x2;
	s5 =	spop (v2sf)  }
0x13c: {  	s28 =	sadd.s32 $0xAD08, s31;
	s26 =	spop (v2sf)  }
0x13d: {  	s4 =	smin.u32 s0, $0x10  }
0x13e: {  	v1 =	vmov s4  }
0x13f: {  	p3 =	sgt.s32 s0, $0x10;
	vm1 =	vgt.u32 v1, v0  }
.Ltmp14:
0x140: {  	_ = 	snop;
	(pc) =	sbr.rel @!p3 .LBB3_11-.Ltmp14, $2  }
0x141: {  	_ =	sdelay $0x2  }
0x142: {  	s9 =	simm.s32 $0x10;
	s10 =	sadd.s32 $0xFFFFFFF0, s0;
	s4 =	smov.u32 s28;
	vm0 =	vmmov vm1  }
.LBB3_10:
0x143: {  	s7 =	smin.u32 s10, $0x10;
	s9 =	sadd.s32 $0x10, s9;
	v1 =	vld.msk [tilespmem:s4+$0x0 ss:$0x1], vm1  }
0x144: {  	v2 =	vmov s7;
	p3 =	slt.s32 s9, s0  }
0x145: {  	vm1 =	vgt.u32 v2, v0  }
.Ltmp15:
0x146: {  	(pc) =	sbr.rel @p3 .LBB3_10-.Ltmp15, $3  }
0x147: {  	_ =	sdelay $0x1  }
0x148: {  	v1 =	vshll.u32 v1, $0x4  }
0x149: {  	s10 =	sadd.s32 $0xFFFFFFF0, s10;
	[tilespmem:s4+$0x0] =	vst.msk vm0, v1;
	s4 =	sadd.s32 $0x10, s4;
	vm0 =	vmmov vm1  }
.LBB3_11:
0x14a: {  	_ =	sdelay $0x4  }
0x14b: {  	v1 =	vld.msk [tilespmem:s4+$0x0 ss:$0x1], vm1;
	_ =	sdelay $0x4  }
0x14c: {  	v1 =	vshll.u32 v1, $0x4  }
0x14d: {  	[tilespmem:s4+$0x0] =	vst.msk vm0, v1  }
.LBB3_12:
0x14e: {  	s4 =	sand.u32 $0x1, s25  }
0x14f: {  	s4 =	smul.u32 $0x140, s4  }
0x150: {  	p3 =	sne.s32 s5, $0xFFFFFFFF  }
0x151: {  	v1 =	vld.msk @!p3 [tilespmem:s4+$0xAD08], $0x1;
	_ =	sdelay $0x4  }
0x152: {  	(v2sf) =	vpush @!p3 v1, $0x0;
	_ =	sdelay $0xc  }
.Ltmp16:
0x153: {  	_ = 	snop;
	(pc) =	sbr.rel @p2 .LBB3_23-.Ltmp16, $4  }
0x154: {  	_ = 	snop  }
0x155: {  	s29 =	spop @!p3 (v2sf)  }
0x156: {  	s31 =	simm.s32 $0xC;
	s26 =	simm.s32 @!p3 $0x0;
	s4 =	smov.u32 s29  }
0x157: {  	[sflag:s31] =	ssyncpa.u1 $0x0;
	s29 =	smov.u32 @p3 s3;
	s4 =	smov.u32 @p3 s5  }
0x158: {  	v1 =	vld.msk [tilespmem:s28+$0x0], $0x1;
	_ =	sdelay $0x4  }
0x159: {  	(v2sf) =	vpush v1, $0x0;
	_ =	sdelay $0xe  }
0x15a: {  	s2 =	smul.u32 $0x28000, s2;
	s5 =	spop (v2sf)  }
0x15b: {  	s31 =	ssub.s32 $0x0, s0;
	p2 =	seq.s32 s29, s5  }
0x15c: {  	s3 =	smov.u32 s29;
	s2 =	sshrl.u32 s2, $0x2;
	p3 =	sgt.s32 @!p2 s29, $0x0  }
0x15d: {  	s30 =	sadd.s32 $0xAFA8, s2;
	s2 =	sadd.s32 $0x1, s31;
	p3 =	por !p3, p2  }
0x15e: {  	s3 =	simm.s32 @p3 $0x0;
	p3 =	seq.s32 s2, $0x0  }
.Ltmp17:
0x15f: {  	_ = 	snop;
	(pc) =	sbr.rel @p3 .LBB3_15-.Ltmp17, $4  }
0x160: {  	_ = 	snop  }
0x161: {  	s0 =	simm.s32 $0x0;
	s9 =	simm.s32 @!p2 $0x1;
	s3 =	smin.u32 @!p2 s3, $0x270F8  }
0x162: {  	s10 =	simm.s32 @!p2 $0x50C8;
	s9 =	smov.u32 @p2 s0;
	s7 =	sand.u32 @!p2 $0x3FFF8, s3  }
0x163: {  	s16 =	sand.u32 @!p2 $0x7, s3;
	s3 =	sadd.s32 $0x1, s28;
	s11 =	sadd.s32 @!p2 s1, s7  }
.LBB3_14:
0x164: {  	s7 =	smov.u32 s9  }
0x165: {  	[tilespmem:s10], [sflag:$0x2] =	stream.linear.gather @!p2 [hbm4b:s11+s16], $0x40, $0x38;
	[tilespmem:$0x1EF88] =	vst v63  }
0x166: {  	s2 =	sadd.s32 $0x1, s2;
	s8 =	smov.u32 s5;
	v1 =	vld.msk [tilespmem:s3+$0x0], $0x1  }
0x167: {  	p3 =	seq.s32 s2, $0x0;
	_ =	sdelay $0x3  }
0x168: {  	(v2sf) =	vpush v1, $0x0;
	_ =	sdelay $0xe  }
0x169: {  	s5 =	spop (v2sf)  }
0x16a: {  	p2 =	seq.s32 s8, s5  }
0x16b: {  	p4 =	sgt.s32 @!p2 s8, $0x0;
	s10 =	sshll.u32 @!p2 s9, $0x8;
	s9 =	sadd.s32 @!p2 $0x1, s9  }
.Ltmp18:
0x16c: {  	p4 =	por !p4, p2;
	s10 =	sshra.s32 @!p2 s10, $0x2;
	(pc) =	sbr.rel @!p3 .LBB3_14-.Ltmp18, $4  }
0x16d: {  	s9 =	smov.u32 @p2 s7;
	s8 =	simm.s32 @p4 $0x0;
	s10 =	sadd.s32 @!p2 $0x50C8, s10  }
0x16e: {  	s7 =	smin.u32 @!p2 s8, $0x270F8  }
0x16f: {  	s8 =	sand.u32 @!p2 $0x3FFF8, s7;
	s16 =	sand.u32 @!p2 $0x7, s7  }
0x170: {  	s3 =	sadd.s32 $0x1, s3;
	s11 =	sadd.s32 @!p2 s1, s8  }
.LBB3_15:
0x171: {  	[tilespmem:s10], [sflag:$0x2] =	stream.linear.gather @!p2 [hbm4b:s11+s16], $0x40, $0x38;
	[tilespmem:$0x1EF88] =	vst v63  }
.Ltmp19:
0x172: {  	s2 =	sshll.u32 s9, $0x6;
	(pc) =	sbr.rel .LBB3_16-.Ltmp19, $4  }
0x173: {  	s3 =	simm.s32 $0x2;
	s2 =	sand.u32 $0x3FFFFFC0, s2  }
0x174: {  	_ =	swait.ge [sflag:s3], s2  }
0x175: {  	s2 =	ssub.s32 $0x0, s2;
	[sflag:s3] =	ssyncset.done $0x0  }
0x176: {  	[sflag:s3] =	ssyncadd.s32 s2;
	s3 =	simm.s32 $0x0  }
.LBB3_17:
0x177: {  	v1 =	vld [tilespmem:s30+$0xFFFFFFE0];
	_ =	sdelay $0x4  }
0x178: {  	[tilespmem:s5+$0x88] =	vst.add.f32.msk $0xffff, v1  }
0x179: {  	v1 =	vld [tilespmem:s30+$0xFFFFFFF0];
	_ =	sdelay $0x4  }
0x17a: {  	[tilespmem:s5+$0x98] =	vst.add.f32.msk $0xffff, v1  }
0x17b: {  	v1 =	vld [tilespmem:s30+$0x0];
	_ =	sdelay $0x4  }
0x17c: {  	[tilespmem:s5+$0xA8] =	vst.add.f32.msk $0xffff, v1  }
0x17d: {  	v1 =	vld [tilespmem:s30+$0x10];
	_ =	sdelay $0x4  }
0x17e: {  	[tilespmem:s5+$0xB8] =	vst.add.f32.msk $0xffff, v1  }
.LBB3_21:
0x17f: {  	s31 =	sadd.s32 $0x1, s31  }
0x180: {  	p2 =	seq.s32 s31, $0x0  }
.Ltmp20:
0x181: {  	_ = 	snop;
	(pc) =	sbr.rel @p2 .LBB3_22-.Ltmp20, $2  }
0x182: {  	_ =	sdelay $0x2  }
0x183: {  	s30 =	sadd.s32 $0x80, s30;
	s28 =	sadd.s32 $0x1, s28;
	s29 =	smov.u32 s2  }
.LBB3_16:
0x184: {  	v1 =	vld.msk [tilespmem:s28+$0x0], $0x1;
	_ =	sdelay $0x4  }
0x185: {  	(v2sf) =	vpush v1, $0x0;
	_ =	sdelay $0xe  }
0x186: {  	s2 =	spop (v2sf)  }
0x187: {  	p2 =	sne.s32 s29, s2  }
.Ltmp21:
0x188: {  	_ = 	snop;
	(pc) =	sbr.rel @!p2 .LBB3_17-.Ltmp21, $3  }
0x189: {  	_ =	sdelay $0x1  }
0x18a: {  	s5 =	sshll.u32 s26, $0x8  }
0x18b: {  	s5 =	sshra.s32 s5, $0x2  }
0x18c: {  	p2 =	seq.s32 s29, s4  }
.Ltmp22:
0x18d: {  	_ = 	snop;
	(pc) =	sbr.rel @!p2 .LBB3_19-.Ltmp22, $1  }
0x18e: {  	_ =	sdelay $0x3  }
.Ltmp23:
0x18f: {  	s5 =	sadd.s32 $0x88, s5;
	(pc) =	sbr.rel .LBB3_20-.Ltmp23, $4  }
0x190: {  	[spmem:s18] =	stream.linear.scatter [tilespmem:s5], [sflag:$0x1], $0x40, $0x38;
	[tilespmem:$0x1EF88] =	vst v63  }
0x191: {  	_ =	swait.ge [sflag:s13], $0x40  }
0x192: {  	[sflag:s13] =	ssyncset.done $0x0  }
0x193: {  	[sflag:s13] =	ssyncadd.s32 $0xFFFFFFC0  }
.LBB3_19:
0x194: {  	s7 =	sshll.u32 s0, $0x8  }
0x195: {  	s7 =	sshra.s32 s7, $0x2  }
0x196: {  	v1 =	vld [tilespmem:s7+$0x50C8];
	_ =	sdelay $0x4  }
0x197: {  	[tilespmem:s5+$0x88] =	vst.add.f32.msk $0xffff, v1  }
0x198: {  	v1 =	vld [tilespmem:s7+$0x50D8];
	_ =	sdelay $0x4  }
0x199: {  	[tilespmem:s5+$0x98] =	vst.add.f32.msk $0xffff, v1  }
0x19a: {  	v1 =	vld [tilespmem:s7+$0x50E8];
	_ =	sdelay $0x4  }
0x19b: {  	[tilespmem:s5+$0xA8] =	vst.add.f32.msk $0xffff, v1  }
0x19c: {  	v1 =	vld [tilespmem:s7+$0x50F8];
	_ =	sdelay $0x2  }
0x19d: {  	p2 =	sgt.u32 s29, $0x270F8  }
0x19e: {  	s7 =	sand.u32 @!p2 $0x3FFF8, s29  }
0x19f: {  	s8 =	sadd.s32 $0x88, s5;
	[tilespmem:s5+$0xB8] =	vst.add.f32.msk $0xffff, v1;
	s5 =	sadd.s32 @!p2 s1, s7;
	s7 =	sand.u32 @!p2 $0x7, s29  }
0x1a0: {  	[hbm4b:s5+s7] =	stream.linear.scatter @!p2 [tilespmem:s8], [sflag:$0xC], $0x40, $0x38;
	[tilespmem:$0x1EF88] =	vst v63  }
0x1a1: {  	s5 =	simm.s32 $0x0  }
0x1a2: {  	s5 =	simm.s32 @!p2 $0x100  }
0x1a3: {  	s3 =	sadd.s32 s5, s3  }
.LBB3_20:
0x1a4: {  	s5 =	sadd.s32 $0x1, s26  }
0x1a5: {  	s7 =	smulhi.u32 $0xCCCCCCCD, s5;
	_ =	sdelay $0x1  }
0x1a6: {  	v1 =	vld [tilespmem:s30+$0xFFFFFFE0];
	s7 =	sshrl.u32 s7, $0x8  }
0x1a7: {  	s7 =	smul.u32 $0x140, s7;
	_ =	sdelay $0x1  }
0x1a8: {  	s26 =	ssub.s32 s5, s7  }
0x1a9: {  	s5 =	sshll.u32 s26, $0x6  }
0x1aa: {  	[tilespmem:s5+$0x88] =	vst v1  }
0x1ab: {  	v1 =	vld [tilespmem:s30+$0xFFFFFFF0];
	_ =	sdelay $0x4  }
0x1ac: {  	[tilespmem:s5+$0x98] =	vst v1  }
0x1ad: {  	v1 =	vld [tilespmem:s30+$0x0];
	_ =	sdelay $0x4  }
0x1ae: {  	[tilespmem:s5+$0xA8] =	vst v1  }
0x1af: {  	v1 =	vld [tilespmem:s30+$0x10]  }
.Ltmp24:
0x1b0: {  	_ = 	snop;
	(pc) =	sbr.rel .LBB3_21-.Ltmp24, $2  }
0x1b1: {  	_ =	sdelay $0x2  }
0x1b2: {  	s0 =	sadd.s32 $0x1, s0;
	[tilespmem:s5+$0xB8] =	vst v1  }
.LBB3_23:
.Ltmp25:
0x1b3: {  	(pc) =	sbr.rel .LBB3_24-.Ltmp25, $4  }
0x1b4: {  	_ = 	snop  }
0x1b5: {  	s0 =	simm.s32 $0x2  }
0x1b6: {  	_ =	swait.ge [sflag:s0], $0x0  }
0x1b7: {  	s2 =	smov.u32 s29;
	[sflag:s0] =	ssyncset.done $0x0;
	s0 =	simm.s32 $0x0  }
.LBB3_26:
0x1b8: {  	_ =	sfence.sel $0x180000  }
0x1b9: {  	s0 =	simm.s32 $0x9;
	[bflag:$0x0] =	sbarrier.arrive $0xFFFF  }
0x1ba: {  	s24 =	simm.s32 $0xA;
	[sflag:s0] =	ssyncpa.u1 $0x1  }
0x1bb: {  	s25 =	simm.s32 $0xB;
	[sflag:s24] =	ssyncpa.u1 $0x1  }
0x1bc: {  	s26 =	simm.s32 $0x2;
	[sflag:s25] =	ssyncpa.u1 $0x1  }
0x1bd: {  	[sflag:s26] =	ssyncpa.u1 $0x1  }
0x1be: {  	v0 =	vld [tilespmem:$0xA108];
	_ =	sdelay $0x4  }
0x1bf: {  	(v2sf) =	vpush v0, $0x0  }
0x1c0: {  	(v2sf) =	vpush v0, $0x1;
	_ =	sdelay $0x1  }
0x1c1: {  	(v2sf) =	vpush v0, $0x2;
	_ =	sdelay $0xb  }
0x1c2: {  	s0 =	spop (v2sf)  }
0x1c3: {  	s2 =	spop (v2sf)  }
0x1c4: {  	s3 =	smov.u32 s0;
	p0 =	sne.s32 s0, s2  }
0x1c5: {  	s4 =	spop (v2sf);
	s3 =	simm.s32 @!p0 $0xFFFFFFFF  }
0x1c6: {  	v2 =	vimm.s32 $0x1;
	v3 =	vlaneseq.u32;
	p0 =	seq.s32 s4, $0xFFFFFFFF;
	v1 =	vmov s3  }
0x1c7: {  	s14 =	stileid.u32;
	v0 =	vperm.xlane v0, v2;
	p1 =	sne.s32 @!p0 s0, s2;
	v1 =	vperm.xlane v1, v3  }
0x1c8: {  	vm0 =	vcmask $0x3F04;
	s6 =	simm.s32 $0xA108;
	s0 =	simm.s32 @!p0 $0x1;
	p1 =	por !p1, p0  }
0x1c9: {  	s3 =	sshll.u32 s14, $0x1;
	s2 =	sshll.u32 @!p0 s4, $0x8;
	s0 =	simm.s32 @p1 $0x0;
	v0 =	vsel vm0, v1, v0  }
0x1ca: {  	s5 =	sor.u32 $0x800, s3;
	s2 =	sshra.s32 @!p0 s2, $0x2;
	s0 =	sor.u32 @!p0 s0, s3;
	[tilespmem:$0xA108] =	vst v0  }
0x1cb: {  	[spmem:s5] =	stream.linear.scatter [tilespmem:s6], [sflag:$0x1], $0x2, $0x38;
	[tilespmem:$0x1EF88] =	vst v63  }
0x1cc: {  	s2 =	sadd.s32 @!p0 $0x88, s2;
	s0 =	sshll.u32 @!p0 s0, $0x6  }
0x1cd: {  	[spmem:s0] =	stream.linear.scatter @!p0 [tilespmem:s2], [sflag:$0x1], $0x40, $0x38;
	[tilespmem:$0x1EF88] =	vst v63  }
0x1ce: {  	s0 =	simm.s32 @!p0 $0x42  }
0x1cf: {  	s28 =	simm.s32 $0x1;
	s0 =	simm.s32 @p0 $0x2  }
0x1d0: {  	_ =	swait.ge [sflag:s28], s0  }
0x1d1: {  	s0 =	ssub.s32 $0x0, s0;
	[sflag:s28] =	ssyncset.done $0x0  }
0x1d2: {  	p0 =	sne.s32 s14, $0x0;
	[sflag:s28] =	ssyncadd.s32 s0  }
.Ltmp26:
0x1d3: {  	_ =	sfence.stream.spmem;
	(pc) =	sbr.rel @p0 .LBB3_43-.Ltmp26, $4  }
0x1d4: {  	s29 =	simm.s32 $0x3;
	[bflag:$0x0] =	sbarrier.arrive $0xFFFF  }
0x1d5: {  	s30 =	simm.s32 $0x4;
	[sflag:s29] =	ssyncpa.u1 $0x1  }
0x1d6: {  	s31 =	simm.s32 $0x3C;
	[sflag:s30] =	ssyncpa.u1 $0x1  }
0x1d7: {  	s13 =	rddreg [dreg:$0x4];
	[sflag:s31] =	ssyncpa.u1 $0x1  }
0x1d8: {  	_ =	sfence.stream.spmem;
	s0 =	simm.s32 $0x5  }
0x1d9: {  	s2 =	simm.s32 $0x800;
	s3 =	simm.s32 $0xA118;
	[sflag:s0] =	ssyncpa.u1 $0x0  }
0x1da: {  	[tilespmem:s3], [sflag:$0x5] =	stream.linear.gather [spmem:s2], $0x20, $0x38;
	[tilespmem:$0x1EF88] =	vst v63  }
0x1db: {  	s26 =	simm.s32 $0x0;
	s28 =	simm.s32 $0xA138  }
0x1dc: {  	[tilespmem:s28], [sflag:$0x5] =	stream.linear.gather [spmem:s26], $0x800, $0x38;
	[tilespmem:$0x1EF88] =	vst v63  }
0x1dd: {  	_ =	swait.ge [sflag:s0], $0x820  }
0x1de: {  	[sflag:s0] =	ssyncset.done $0x0  }
0x1df: {  	s29 =	simm.s32 $0x0;
	[sflag:s0] =	ssyncadd.s32 $0xFFFFF7E0  }
0x1e0: {  	v0 =	vld.msk [tilespmem:s29+$0xA118], $0x1;
	_ =	sdelay $0x1  }
0x1e1: {  	s30 =	simm.s32 $0x1  }
0x1e2: {  	v1 =	vld.msk [tilespmem:s30+$0xA118], $0x1;
	_ =	sdelay $0x1  }
0x1e3: {  	(v2sf) =	vpush v0, $0x0;
	_ =	sdelay $0x2  }
0x1e4: {  	(v2sf) =	vpush v1, $0x0;
	_ =	sdelay $0x2  }
0x1e5: {  	s31 =	simm.s32 $0x2  }
0x1e6: {  	v0 =	vld.msk [tilespmem:s31+$0xA118], $0x1;
	_ =	sdelay $0x2  }
0x1e7: {  	s2 =	simm.s32 $0xFFFFFFFF;
	s3 =	simm.s32 $0xFFFFFFFF;
	s0 =	simm.s32 $0xC  }
.LBB3_28:
0x1e8: {  	s4 =	smov.u32 s3;
	s5 =	smov.u32 s2  }
0x1e9: {  	s2 =	sshra.s32 s0, $0x2;
	p1 =	sne.s32 s0, $0x7C;
	s0 =	sadd.s32 $0x4, s0;
	(v2sf) =	vpush v0, $0x0  }
0x1ea: {  	v0 =	vld.msk [tilespmem:s2+$0xA118], $0x1  }
.Ltmp27:
0x1eb: {  	(pc) =	sbr.rel @p1 .LBB3_28-.Ltmp27, $4  }
0x1ec: {  	s3 =	spop (v2sf)  }
0x1ed: {  	p2 =	sne.s32 s5, $0xFFFFFFFF;
	s2 =	smov.u32 s3  }
0x1ee: {  	p3 =	seq.s32 s3, $0xFFFFFFFF;
	s2 =	smov.u32 @p2 s5  }
0x1ef: {  	s3 =	smov.u32 @p3 s4;
	s2 =	smov.u32 @p3 s5  }
0x1f0: {  	(v2sf) =	vpush v0, $0x0;
	_ =	sdelay $0x8  }
0x1f1: {  	s0 =	spop (v2sf)  }
0x1f2: {  	p1 =	sne.s32 s2, $0xFFFFFFFF;
	s4 =	smov.u32 s0  }
0x1f3: {  	s6 =	simm.s32 $0x0;
	p2 =	seq.s32 s0, $0xFFFFFFFF;
	s4 =	smov.u32 @p1 s2  }
0x1f4: {  	s9 =	simm.s32 $0xA0C8;
	s4 =	smov.u32 @p2 s2;
	s2 =	spop (v2sf)  }
0x1f5: {  	s0 =	smov.u32 @p2 s3;
	p1 =	sne.s32 s4, $0xFFFFFFFF;
	s5 =	smov.u32 s2  }
.Ltmp28:
0x1f6: {  	p2 =	seq.s32 s2, $0xFFFFFFFF;
	s5 =	smov.u32 @p1 s4;
	(pc) =	sbr.rel .LBB3_30-.Ltmp28, $4  }
0x1f7: {  	s10 =	simm.s32 $0x0;
	s5 =	smov.u32 @p2 s4;
	s7 =	spop (v2sf)  }
0x1f8: {  	s2 =	smov.u32 @p2 s0;
	p1 =	sne.s32 s5, $0xFFFFFFFF;
	s8 =	smov.u32 s7  }
0x1f9: {  	s0 =	simm.s32 $0x6;
	p2 =	seq.s32 s7, $0xFFFFFFFF;
	s8 =	smov.u32 @p1 s5  }
0x1fa: {  	[sflag:s0] =	ssyncpa.u1 $0x0;
	s7 =	smov.u32 @p2 s2;
	s8 =	smov.u32 @p2 s5  }
.LBB3_36:
0x1fb: {  	p1 =	sgt.u32 s2, $0x270F8  }
0x1fc: {  	p2 =	seq.s32 @!p1 s2, s8  }
0x1fd: {  	p1 =	por p1, p2  }
0x1fe: {  	p2 =	sne.s32 @!p1 s2, s7  }
0x1ff: {  	p1 =	por p1, !p2  }
0x200: {  	s2 =	sshll.u32 @p1 s10, $0x8  }
0x201: {  	s3 =	sand.u32 @!p1 $0x3FFF8, s2  }
0x202: {  	s2 =	sand.u32 @!p1 $0x7, s2;
	s3 =	sadd.s32 @!p1 s1, s3  }
0x203: {  	[tilespmem:s9], [sflag:$0x6] =	stream.linear.gather @!p1 [hbm4b:s3+s2], $0x40, $0x38;
	[tilespmem:$0x1EF88] =	vst v63  }
0x204: {  	_ =	swait.ge @!p1 [sflag:s0], $0x40  }
0x205: {  	[sflag:s0] =	ssyncset.done @!p1 $0x0  }
0x206: {  	[sflag:s0] =	ssyncadd.s32 @!p1 $0xFFFFFFC0  }
0x207: {  	v1 =	vld @!p1 [tilespmem:$0xA0C8];
	_ =	sdelay $0x2  }
0x208: {  	s2 =	sshll.u32 @!p1 s10, $0x8  }
0x209: {  	s3 =	sshrl.u32 @!p1 s2, $0x2  }
0x20a: {  	[tilespmem:s3+$0xA138] =	vst.add.f32.msk @!p1 $0xffff, v1  }
0x20b: {  	v1 =	vld @!p1 [tilespmem:$0xA0D8];
	_ =	sdelay $0x4  }
0x20c: {  	[tilespmem:s3+$0xA148] =	vst.add.f32.msk @!p1 $0xffff, v1  }
0x20d: {  	v1 =	vld @!p1 [tilespmem:$0xA0E8];
	_ =	sdelay $0x4  }
0x20e: {  	[tilespmem:s3+$0xA158] =	vst.add.f32.msk @!p1 $0xffff, v1  }
0x20f: {  	v1 =	vld @!p1 [tilespmem:$0xA0F8];
	_ =	sdelay $0x4  }
0x210: {  	[tilespmem:s3+$0xA168] =	vst.add.f32.msk @!p1 $0xffff, v1  }
0x211: {  	s2 =	sshrl.u32 s2, $0x2;
	[tilespmem:s6+$0xA118] =	vst.msk $0x1, v0  }
0x212: {  	v0 =	vld [tilespmem:s2+$0xA138];
	_ =	sdelay $0x2  }
0x213: {  	s31 =	sshll.u32 s6, $0x8  }
0x214: {  	s3 =	sshra.s32 s31, $0x2  }
0x215: {  	[tilespmem:s3+$0xA138] =	vst v0  }
0x216: {  	v0 =	vld [tilespmem:s2+$0xA148];
	_ =	sdelay $0x4  }
0x217: {  	[tilespmem:s3+$0xA148] =	vst v0  }
0x218: {  	v0 =	vld [tilespmem:s2+$0xA158];
	_ =	sdelay $0x4  }
0x219: {  	[tilespmem:s3+$0xA158] =	vst v0  }
0x21a: {  	v0 =	vld [tilespmem:s2+$0xA168];
	_ =	sdelay $0x4  }
0x21b: {  	s6 =	sadd.s32 $0x1, s6;
	[tilespmem:s3+$0xA168] =	vst v0  }
.LBB3_37:
0x21c: {  	s10 =	sadd.s32 $0x1, s10  }
0x21d: {  	p1 =	sne.s32 s10, $0x20  }
.Ltmp29:
0x21e: {  	_ = 	snop;
	(pc) =	sbr.rel @!p1 .LBB3_38-.Ltmp29, $1  }
0x21f: {  	_ =	sdelay $0x3  }
.LBB3_30:
0x220: {  	v0 =	vld.msk [tilespmem:s10+$0xA118], $0x1;
	_ =	sdelay $0x4  }
0x221: {  	(v2sf) =	vpush v0, $0x0;
	_ =	sdelay $0xe  }
0x222: {  	s2 =	spop (v2sf)  }
0x223: {  	p1 =	seq.s32 s2, $0xFFFFFFFF  }
.Ltmp30:
0x224: {  	_ = 	snop;
	(pc) =	sbr.rel @p1 .LBB3_37-.Ltmp30, $1  }
0x225: {  	_ =	sdelay $0x3  }
0x226: {  	p1 =	slt.s32 s6, $0x1  }
.Ltmp31:
0x227: {  	_ = 	snop;
	(pc) =	sbr.rel @p1 .LBB3_36-.Ltmp31, $1  }
0x228: {  	_ =	sdelay $0x3  }
0x229: {  	s3 =	simm.s32 $0xA118;
	p1 =	por $0x0, $0x0  }
0x22a: {  	v1 =	vld.msk @!p1 [tilespmem:s3+$0x0], $0x1;
	_ =	sdelay $0x4  }
0x22b: {  	(v2sf) =	vpush @!p1 v1, $0x0;
	_ =	sdelay $0xd  }
0x22c: {  	p3 =	sne.s32 s6, $0x1  }
.Ltmp32:
0x22d: {  	s4 =	spop @!p1 (v2sf);
	(pc) =	sbr.rel @!p3 .LBB3_34-.Ltmp32, $4  }
0x22e: {  	p2 =	seq.s32 @!p1 s2, s4  }
0x22f: {  	s4 =	simm.s32 $0x0;
	p2 =	por !p2, p1  }
0x230: {  	s11 =	simm.s32 $0xFFFFFFFF;
	s4 =	simm.s32 @p2 $0xFFFFFFFF  }
0x231: {  	s5 =	simm.s32 $0x1;
	s4 =	smov.u32 @p1 s11  }
.LBB3_33:
0x232: {  	s11 =	smov.u32 s4;
	p1 =	sne.s32 s4, $0xFFFFFFFF  }
0x233: {  	s3 =	sadd.s32 $0x1, s3;
	s4 =	smov.u32 s5;
	s5 =	sadd.s32 $0x1, s5  }
0x234: {  	p2 =	sne.s32 s6, s5;
	v1 =	vld.msk @!p1 [tilespmem:s3+$0x0], $0x1;
	_ =	sdelay $0x4  }
0x235: {  	(v2sf) =	vpush @!p1 v1, $0x0;
	_ =	sdelay $0xe  }
.Ltmp33:
0x236: {  	s12 =	spop @!p1 (v2sf);
	(pc) =	sbr.rel @p2 .LBB3_33-.Ltmp33, $4  }
0x237: {  	p3 =	seq.s32 @!p1 s2, s12  }
0x238: {  	p3 =	por !p3, p1  }
0x239: {  	s4 =	simm.s32 @p3 $0xFFFFFFFF  }
0x23a: {  	s4 =	smov.u32 @p1 s11  }
.LBB3_34:
0x23b: {  	p1 =	seq.s32 s4, $0xFFFFFFFF  }
.Ltmp34:
0x23c: {  	_ = 	snop;
	(pc) =	sbr.rel @p1 .LBB3_36-.Ltmp34, $1  }
0x23d: {  	_ =	sdelay $0x3  }
0x23e: {  	s2 =	sshll.u32 s10, $0x6  }
0x23f: {  	s2 =	sand.u32 $0x3FFFFFC0, s2  }
0x240: {  	v0 =	vld [tilespmem:s2+$0xA138];
	_ =	sdelay $0x2  }
0x241: {  	s3 =	sshll.u32 s4, $0x8  }
0x242: {  	s3 =	sshra.s32 s3, $0x2  }
0x243: {  	[tilespmem:s3+$0xA138] =	vst.add.f32.msk $0xffff, v0  }
0x244: {  	v0 =	vld [tilespmem:s2+$0xA148];
	_ =	sdelay $0x4  }
0x245: {  	[tilespmem:s3+$0xA148] =	vst.add.f32.msk $0xffff, v0  }
0x246: {  	v0 =	vld [tilespmem:s2+$0xA158];
	_ =	sdelay $0x4  }
0x247: {  	[tilespmem:s3+$0xA158] =	vst.add.f32.msk $0xffff, v0  }
0x248: {  	v0 =	vld [tilespmem:s2+$0xA168]  }
.Ltmp35:
0x249: {  	_ = 	snop;
	(pc) =	sbr.rel .LBB3_37-.Ltmp35, $2  }
0x24a: {  	_ =	sdelay $0x2  }
0x24b: {  	[tilespmem:s3+$0xA168] =	vst.add.f32.msk $0xffff, v0  }
.LBB3_38:
0x24c: {  	s0 =	simm.s32 $0x6;
	p1 =	seq.s32 s6, $0x0  }
0x24d: {  	[sflag:s0] =	ssyncpa.u1 $0x1;
	v0 =	vimm.s32 @p1 $0xFFFFFFFF  }
0x24e: {  	s0 =	sadd.s32 $0xFFFFFFFF, s6;
	[tilespmem:$0xA938] =	vst @p1 v0  }
0x24f: {  	v0 =	vld.msk @!p1 [tilespmem:s0+$0xA118], $0x1;
	_ =	sdelay $0x1  }
0x250: {  	v1 =	vld.msk @!p1 [tilespmem:$0xA118], $0x1;
	_ =	sdelay $0x2  }
0x251: {  	p2 =	seq.s32 @!p1 s0, $0x0;
	v0 =	vbroadcast @!p1 v0, $0x0  }
0x252: {  	vm0 =	vmmov @!p1 $0x1;
	p2 =	por !p2, p1  }
0x253: {  	v1 =	vnsel @!p1 vm0, $0xFFFFFFFF, v1;
	vm0 =	vcmask @!p1 $0x308;
	v0 =	vpsel !p2, $0xFFFFFFFF, v0  }
0x254: {  	p2 =	sne.s32 @!p1 s8, s7;
	v0 =	vsel @!p1 vm0, v1, v0  }
0x255: {  	s2 =	simm.s32 @!p1 $0xA138;
	s3 =	simm.s32 @!p1 $0x0;
	p3 =	por !p2, p1;
	[tilespmem:$0xA938] =	vst @!p1 v0  }
0x256: {  	[spmem:s3] =	stream.linear.scatter @!p1 [tilespmem:s2], [sflag:$0x1], $0x40, $0x38;
	[tilespmem:$0x1EF88] =	vst v63  }
0x257: {  	s2 =	sshll.u32 @!p3 s0, $0x8  }
0x258: {  	s2 =	sshra.s32 @!p3 s2, $0x2  }
0x259: {  	s3 =	simm.s32 @!p3 $0x40;
	s2 =	sadd.s32 @!p3 $0xA138, s2  }
0x25a: {  	[spmem:s3] =	stream.linear.scatter @!p3 [tilespmem:s2], [sflag:$0x1], $0x40, $0x38;
	[tilespmem:$0x1EF88] =	vst v63  }
0x25b: {  	s2 =	simm.s32 @!p3 $0x1  }
0x25c: {  	_ =	swait.ge @!p3 [sflag:s2], $0x80  }
0x25d: {  	p1 =	por p2, p1;
	[sflag:s2] =	ssyncset.done @!p3 $0x0  }
0x25e: {  	[sflag:s2] =	ssyncadd.s32 @!p3 $0xFFFFFF80;
	s2 =	simm.s32 @!p1 $0x1  }
0x25f: {  	_ =	swait.ge @!p1 [sflag:s2], $0x40  }
0x260: {  	s29 =	simm.s32 $0xA938;
	[sflag:s2] =	ssyncset.done @!p1 $0x0  }
0x261: {  	s30 =	simm.s32 $0x800;
	s31 =	simm.s32 $0x1;
	[sflag:s2] =	ssyncadd.s32 @!p1 $0xFFFFFFC0  }
0x262: {  	[spmem:s30] =	stream.linear.scatter [tilespmem:s29], [sflag:$0x1], $0x10, $0x38;
	[tilespmem:$0x1EF88] =	vst v63  }
0x263: {  	_ =	swait.ge [sflag:s31], $0x10  }
0x264: {  	[sflag:s31] =	ssyncset.done $0x0  }
0x265: {  	p1 =	seq.s32 s13, $0x0;
	s9 =	rddreg [dreg:$0x1];
	[sflag:s31] =	ssyncadd.s32 $0xFFFFFFF0  }
0x266: {  	s3 =	sshll.u32 @p1 s9, $0xE;
	s8 =	rddreg [dreg:$0x2]  }
0x267: {  	s2 =	sadd.s32 @p1 $0x15C3C, s3;
	s3 =	sshll.u32 @p1 s8, $0x11  }
0x268: {  	_ =	sfence.stream.spmem;
	s2 =	sor.u32 @p1 s3, s2  }
0x269: {  	[sflag:s2] =	ssyncadd.remote.s32 @p1 $0x1;
	s2 =	simm.s32 @p1 $0x4  }
0x26a: {  	s4 =	simm.s32 @!p1 $0x3C;
	s3 =	sand.u32 $0xFFFFFFFE, s9;
	_ =	swait.ge @p1 [sflag:s2], $0x12  }
0x26b: {  	s5 =	simm.s32 @!p1 $0x0;
	s3 =	sadd.s32 @!p1 $0x4, s3;
	[sflag:s2] =	ssyncset.done @p1 $0x0  }
0x26c: {  	s7 =	simm.s32 @!p1 $0x80;
	[sflag:s2] =	ssyncadd.s32 @p1 $0xFFFFFFEE;
	s2 =	sshll.u32 @!p1 s3, $0x1A  }
0x26d: {  	s3 =	sshll.u32 @!p1 s3, $0xD;
	s2 =	sor.u32 @!p1 s2, s8;
	_ =	swait.eq @!p1 [sflag:s4], $0x1  }
0x26e: {  	s3 =	sor.u32 @!p1 $0x1C04, s3;
	s4 =	simm.s32 @!p1 $0x1C03;
	s2 =	sor.u32 @!p1 $0x80004000, s2  }
0x26f: {  	[spmem:s7], [sflag:s3] =	dma.general @!p1 [spmem:s5], [sflag:s4], length:$0x10, [dreg:$0x0], stride_count:$0x0, ici_dest:s2, dma_misc:DstOpCode:WRITE  }
0x270: {  	p2 =	slt.s32 s0, $0x2;
	s5 =	simm.s32 @!p1 $0x100;
	s7 =	simm.s32 @!p1 $0x102  }
0x271: {  	[spmem:s7], [sflag:s3] =	dma.general @!p1 [spmem:s5], [sflag:s4], length:$0x2, [dreg:$0x0], stride_count:$0x0, ici_dest:s2, dma_misc:DstOpCode:WRITE  }
.Ltmp36:
0x272: {  	s2 =	simm.s32 @!p1 $0x3;
	(pc) =	sbr.rel @p2 .LBB3_42-.Ltmp36, $4  }
0x273: {  	s3 =	sshll.u32 @!p1 s9, $0xE;
	_ =	swait.ge @!p1 [sflag:s2], $0x12  }
0x274: {  	s4 =	sshll.u32 @!p1 s8, $0x11;
	s3 =	sadd.s32 @!p1 $0x11C3C, s3;
	[sflag:s2] =	ssyncset.done @!p1 $0x0  }
0x275: {  	[sflag:s2] =	ssyncadd.s32 @!p1 $0xFFFFFFEE;
	s2 =	sor.u32 @!p1 s4, s3  }
0x276: {  	s0 =	simm.s32 $0x0;
	[sflag:s2] =	ssyncadd.remote.s32 @!p1 $0xFFFFFFFF  }
0x277: {  	s0 =	simm.s32 $0xA119  }
0x278: {  	v0 =	vld.msk [tilespmem:s0+$0x0], $0x1;
	_ =	sdelay $0x4  }
0x279: {  	(v2sf) =	vpush v0, $0x0;
	_ =	sdelay $0xc  }
0x27a: {  	s2 =	sadd.s32 $0xFFFFFFFE, s6  }
0x27b: {  	s2 =	sadd.s32 $0xFFFFFFFF, s2  }
0x27c: {  	p2 =	sne.s32 s2, $0x0;
	s3 =	spop (v2sf)  }
.Ltmp37:
0x27d: {  	p1 =	sgt.u32 s3, $0x270F8;
	(pc) =	sbr.rel @!p2 .LBB3_41-.Ltmp37, $4  }
0x27e: {  	s5 =	simm.s32 $0x0;
	s4 =	sand.u32 @!p1 $0x3FFF8, s3  }
0x27f: {  	s0 =	simm.s32 $0xA178;
	s3 =	sand.u32 @!p1 $0x7, s3;
	s4 =	sadd.s32 @!p1 s1, s4  }
0x280: {  	[hbm4b:s4+s3] =	stream.linear.scatter @!p1 [tilespmem:s0], [sflag:$0x5], $0x40, $0x38;
	[tilespmem:$0x1EF88] =	vst v63  }
0x281: {  	s5 =	simm.s32 @!p1 $0x100;
	s3 =	simm.s32 $0x0;
	s4 =	simm.s32 $0xA11A  }
.LBB3_40:
0x282: {  	v0 =	vld.msk [tilespmem:s4+$0x0], $0x1;
	s2 =	sadd.s32 $0xFFFFFFFF, s2;
	s3 =	sadd.s32 s3, s5  }
0x283: {  	p1 =	sne.s32 s2, $0x0;
	_ =	sdelay $0x3  }
0x284: {  	(v2sf) =	vpush v0, $0x0;
	_ =	sdelay $0xe  }
.Ltmp38:
0x285: {  	s6 =	spop (v2sf);
	(pc) =	sbr.rel @p1 .LBB3_40-.Ltmp38, $4  }
0x286: {  	s5 =	simm.s32 $0x0;
	p2 =	sgt.u32 s6, $0x270F8  }
0x287: {  	s0 =	sadd.s32 $0x40, s0;
	s5 =	simm.s32 @!p2 $0x100;
	s7 =	sand.u32 @!p2 $0x3FFF8, s6  }
0x288: {  	s4 =	sadd.s32 $0x1, s4;
	s6 =	sand.u32 @!p2 $0x7, s6;
	s7 =	sadd.s32 @!p2 s1, s7  }
0x289: {  	[hbm4b:s7+s6] =	stream.linear.scatter @!p2 [tilespmem:s0], [sflag:$0x5], $0x40, $0x38;
	[tilespmem:$0x1EF88] =	vst v63  }
.LBB3_41:
0x28a: {  	s0 =	sadd.s32 s3, s5  }
0x28b: {  	s0 =	sshrl.u32 s0, $0x2  }
.LBB3_42:
0x28c: {  	s2 =	simm.s32 $0x5  }
0x28d: {  	_ =	swait.ge [sflag:s2], s0  }
0x28e: {  	s31 =	ssub.s32 $0x0, s0;
	[sflag:s2] =	ssyncset.done $0x0  }
0x28f: {  	[sflag:s2] =	ssyncadd.s32 s31  }
0x290: {  	[sflag:s2] =	ssyncpa.u1 $0x1  }
.LBB3_43:
0x291: {  	s0 =	sor.u32 s13, s14  }
0x292: {  	p1 =	sne.s32 s0, $0x0  }
.Ltmp39:
0x293: {  	_ = 	snop;
	(pc) =	sbr.rel @p1 .LBB3_58-.Ltmp39, $3  }
0x294: {  	_ =	sdelay $0x1  }
0x295: {  	[bflag:$0x0] =	sbarrier.arrive $0xFFFF  }
0x296: {  	_ =	sfence  }
0x297: {  	s2 =	simm.s32 $0x7  }
0x298: {  	s0 =	simm.s32 $0x800;
	s3 =	simm.s32 $0xA118;
	[sflag:s2] =	ssyncpa.u1 $0x0  }
0x299: {  	[tilespmem:s3], [sflag:$0x7] =	stream.linear.gather [spmem:s0], $0x20, $0x38;
	[tilespmem:$0x1EF88] =	vst v63  }
0x29a: {  	s30 =	simm.s32 $0xA138;
	s0 =	simm.s32 $0x0  }
0x29b: {  	[tilespmem:s30], [sflag:$0x7] =	stream.linear.gather [spmem:s0], $0x800, $0x38;
	[tilespmem:$0x1EF88] =	vst v63  }
.Ltmp40:
0x29c: {  	_ = 	snop;
	(pc) =	sbr.rel .LBB3_45-.Ltmp40, $4  }
0x29d: {  	_ =	swait.ge [sflag:s2], $0x820  }
0x29e: {  	[sflag:s2] =	ssyncset.done $0x0  }
0x29f: {  	s31 =	simm.s32 $0x8;
	[sflag:s2] =	ssyncadd.s32 $0xFFFFF7E0  }
0x2a0: {  	s2 =	simm.s32 $0x0;
	[sflag:s31] =	ssyncpa.u1 $0x0  }
.LBB3_51:
0x2a1: {  	p1 =	slt.u32 s3, $0x270F9  }
0x2a2: {  	s4 =	sand.u32 @p1 $0x3FFF8, s3  }
0x2a3: {  	s3 =	sand.u32 @p1 $0x7, s3;
	s5 =	simm.s32 @p1 $0xA0C8;
	s4 =	sadd.s32 @p1 s1, s4  }
0x2a4: {  	[tilespmem:s5], [sflag:$0x8] =	stream.linear.gather @p1 [hbm4b:s4+s3], $0x40, $0x38;
	[tilespmem:$0x1EF88] =	vst v63  }
0x2a5: {  	s3 =	simm.s32 @p1 $0x8  }
0x2a6: {  	_ =	swait.ge @p1 [sflag:s3], $0x40  }
0x2a7: {  	[sflag:s3] =	ssyncset.done @p1 $0x0  }
0x2a8: {  	[sflag:s3] =	ssyncadd.s32 @p1 $0xFFFFFFC0  }
0x2a9: {  	v1 =	vld @p1 [tilespmem:$0xA0C8];
	_ =	sdelay $0x2  }
0x2aa: {  	s3 =	sshll.u32 @p1 s2, $0x8  }
0x2ab: {  	s4 =	sshrl.u32 @p1 s3, $0x2  }
0x2ac: {  	[tilespmem:s4+$0xA138] =	vst.add.f32.msk @p1 $0xffff, v1  }
0x2ad: {  	v1 =	vld @p1 [tilespmem:$0xA0D8];
	_ =	sdelay $0x4  }
0x2ae: {  	[tilespmem:s4+$0xA148] =	vst.add.f32.msk @p1 $0xffff, v1  }
0x2af: {  	v1 =	vld @p1 [tilespmem:$0xA0E8];
	_ =	sdelay $0x4  }
0x2b0: {  	[tilespmem:s4+$0xA158] =	vst.add.f32.msk @p1 $0xffff, v1  }
0x2b1: {  	v1 =	vld @p1 [tilespmem:$0xA0F8];
	_ =	sdelay $0x3  }
0x2b2: {  	s5 =	sshll.u32 @!p1 s2, $0x8  }
0x2b3: {  	s5 =	smov.u32 @p1 s3;
	[tilespmem:s4+$0xA168] =	vst.add.f32.msk @p1 $0xffff, v1  }
0x2b4: {  	s3 =	sshrl.u32 s5, $0x2;
	[tilespmem:s0+$0xA118] =	vst.msk $0x1, v0  }
0x2b5: {  	v0 =	vld [tilespmem:s3+$0xA138];
	_ =	sdelay $0x2  }
0x2b6: {  	s31 =	sshll.u32 s0, $0x8  }
0x2b7: {  	s4 =	sshra.s32 s31, $0x2  }
0x2b8: {  	[tilespmem:s4+$0xA138] =	vst v0  }
0x2b9: {  	v0 =	vld [tilespmem:s3+$0xA148];
	_ =	sdelay $0x4  }
0x2ba: {  	[tilespmem:s4+$0xA148] =	vst v0  }
0x2bb: {  	v0 =	vld [tilespmem:s3+$0xA158];
	_ =	sdelay $0x4  }
0x2bc: {  	[tilespmem:s4+$0xA158] =	vst v0  }
0x2bd: {  	v0 =	vld [tilespmem:s3+$0xA168];
	_ =	sdelay $0x4  }
0x2be: {  	s0 =	sadd.s32 $0x1, s0;
	[tilespmem:s4+$0xA168] =	vst v0  }
.LBB3_52:
0x2bf: {  	s2 =	sadd.s32 $0x1, s2  }
0x2c0: {  	p1 =	sne.s32 s2, $0x20  }
.Ltmp41:
0x2c1: {  	_ = 	snop;
	(pc) =	sbr.rel @!p1 .LBB3_53-.Ltmp41, $1  }
0x2c2: {  	_ =	sdelay $0x3  }
.LBB3_45:
0x2c3: {  	v0 =	vld.msk [tilespmem:s2+$0xA118], $0x1;
	_ =	sdelay $0x4  }
0x2c4: {  	(v2sf) =	vpush v0, $0x0;
	_ =	sdelay $0xe  }
0x2c5: {  	s3 =	spop (v2sf)  }
0x2c6: {  	p1 =	seq.s32 s3, $0xFFFFFFFF  }
.Ltmp42:
0x2c7: {  	_ = 	snop;
	(pc) =	sbr.rel @p1 .LBB3_52-.Ltmp42, $1  }
0x2c8: {  	_ =	sdelay $0x3  }
0x2c9: {  	p1 =	slt.s32 s0, $0x1  }
.Ltmp43:
0x2ca: {  	_ = 	snop;
	(pc) =	sbr.rel @p1 .LBB3_51-.Ltmp43, $1  }
0x2cb: {  	_ =	sdelay $0x3  }
0x2cc: {  	s4 =	simm.s32 $0xA118;
	p1 =	por $0x0, $0x0  }
0x2cd: {  	v1 =	vld.msk @!p1 [tilespmem:s4+$0x0], $0x1;
	_ =	sdelay $0x4  }
0x2ce: {  	(v2sf) =	vpush @!p1 v1, $0x0;
	_ =	sdelay $0xd  }
0x2cf: {  	p3 =	sne.s32 s0, $0x1  }
.Ltmp44:
0x2d0: {  	s5 =	spop @!p1 (v2sf);
	(pc) =	sbr.rel @!p3 .LBB3_49-.Ltmp44, $4  }
0x2d1: {  	p2 =	seq.s32 @!p1 s3, s5  }
0x2d2: {  	s5 =	simm.s32 $0x0;
	p2 =	por !p2, p1  }
0x2d3: {  	s7 =	simm.s32 $0xFFFFFFFF;
	s5 =	simm.s32 @p2 $0xFFFFFFFF  }
0x2d4: {  	s6 =	simm.s32 $0x1;
	s5 =	smov.u32 @p1 s7  }
.LBB3_48:
0x2d5: {  	s7 =	smov.u32 s5;
	p1 =	sne.s32 s5, $0xFFFFFFFF  }
0x2d6: {  	s4 =	sadd.s32 $0x1, s4;
	s5 =	smov.u32 s6;
	s6 =	sadd.s32 $0x1, s6  }
0x2d7: {  	p2 =	sne.s32 s0, s6;
	v1 =	vld.msk @!p1 [tilespmem:s4+$0x0], $0x1;
	_ =	sdelay $0x4  }
0x2d8: {  	(v2sf) =	vpush @!p1 v1, $0x0;
	_ =	sdelay $0xe  }
.Ltmp45:
0x2d9: {  	s8 =	spop @!p1 (v2sf);
	(pc) =	sbr.rel @p2 .LBB3_48-.Ltmp45, $4  }
0x2da: {  	p3 =	seq.s32 @!p1 s3, s8  }
0x2db: {  	p3 =	por !p3, p1  }
0x2dc: {  	s5 =	simm.s32 @p3 $0xFFFFFFFF  }
0x2dd: {  	s5 =	smov.u32 @p1 s7  }
.LBB3_49:
0x2de: {  	p1 =	seq.s32 s5, $0xFFFFFFFF  }
.Ltmp46:
0x2df: {  	_ = 	snop;
	(pc) =	sbr.rel @p1 .LBB3_51-.Ltmp46, $1  }
0x2e0: {  	_ =	sdelay $0x3  }
0x2e1: {  	s3 =	sshll.u32 s2, $0x6  }
0x2e2: {  	s3 =	sand.u32 $0x3FFFFFC0, s3  }
0x2e3: {  	v0 =	vld [tilespmem:s3+$0xA138];
	_ =	sdelay $0x2  }
0x2e4: {  	s4 =	sshll.u32 s5, $0x8  }
0x2e5: {  	s4 =	sshra.s32 s4, $0x2  }
0x2e6: {  	[tilespmem:s4+$0xA138] =	vst.add.f32.msk $0xffff, v0  }
0x2e7: {  	v0 =	vld [tilespmem:s3+$0xA148];
	_ =	sdelay $0x4  }
0x2e8: {  	[tilespmem:s4+$0xA148] =	vst.add.f32.msk $0xffff, v0  }
0x2e9: {  	v0 =	vld [tilespmem:s3+$0xA158];
	_ =	sdelay $0x4  }
0x2ea: {  	[tilespmem:s4+$0xA158] =	vst.add.f32.msk $0xffff, v0  }
0x2eb: {  	v0 =	vld [tilespmem:s3+$0xA168]  }
.Ltmp47:
0x2ec: {  	_ = 	snop;
	(pc) =	sbr.rel .LBB3_52-.Ltmp47, $2  }
0x2ed: {  	_ =	sdelay $0x2  }
0x2ee: {  	[tilespmem:s4+$0xA168] =	vst.add.f32.msk $0xffff, v0  }
.LBB3_53:
0x2ef: {  	p1 =	slt.s32 s0, $0x1  }
.Ltmp48:
0x2f0: {  	_ = 	snop;
	(pc) =	sbr.rel @p1 .LBB3_57-.Ltmp48, $3  }
0x2f1: {  	_ =	sdelay $0x1  }
0x2f2: {  	s2 =	simm.s32 $0x8  }
0x2f3: {  	[sflag:s2] =	ssyncpa.u1 $0x1;
	s2 =	simm.s32 $0x0  }
0x2f4: {  	s3 =	simm.s32 $0xA118  }
0x2f5: {  	v0 =	vld.msk [tilespmem:s3+$0x0], $0x1;
	_ =	sdelay $0x4  }
0x2f6: {  	(v2sf) =	vpush v0, $0x0;
	_ =	sdelay $0xe  }
0x2f7: {  	s0 =	sadd.s32 $0xFFFFFFFF, s0;
	s4 =	spop (v2sf)  }
0x2f8: {  	p2 =	sne.s32 s0, $0x0;
	p1 =	sgt.u32 s4, $0x270F8  }
.Ltmp49:
0x2f9: {  	s5 =	sand.u32 @!p1 $0x3FFF8, s4;
	(pc) =	sbr.rel @!p2 .LBB3_56-.Ltmp49, $4  }
0x2fa: {  	s3 =	simm.s32 $0xA138;
	s4 =	sand.u32 @!p1 $0x7, s4;
	s5 =	sadd.s32 @!p1 s1, s5  }
0x2fb: {  	[hbm4b:s5+s4] =	stream.linear.scatter @!p1 [tilespmem:s3], [sflag:$0x7], $0x40, $0x38;
	[tilespmem:$0x1EF88] =	vst v63  }
0x2fc: {  	s5 =	simm.s32 $0x0  }
0x2fd: {  	s4 =	simm.s32 $0xA119;
	s5 =	simm.s32 @!p1 $0x100  }
.LBB3_55:
0x2fe: {  	v0 =	vld.msk [tilespmem:s4+$0x0], $0x1;
	s0 =	sadd.s32 $0xFFFFFFFF, s0;
	s2 =	sadd.s32 s2, s5  }
0x2ff: {  	p1 =	sne.s32 s0, $0x0;
	_ =	sdelay $0x3  }
0x300: {  	(v2sf) =	vpush v0, $0x0;
	_ =	sdelay $0xe  }
.Ltmp50:
0x301: {  	s6 =	spop (v2sf);
	(pc) =	sbr.rel @p1 .LBB3_55-.Ltmp50, $4  }
0x302: {  	s5 =	simm.s32 $0x0;
	p2 =	sgt.u32 s6, $0x270F8  }
0x303: {  	s3 =	sadd.s32 $0x40, s3;
	s5 =	simm.s32 @!p2 $0x100;
	s7 =	sand.u32 @!p2 $0x3FFF8, s6  }
0x304: {  	s4 =	sadd.s32 $0x1, s4;
	s6 =	sand.u32 @!p2 $0x7, s6;
	s7 =	sadd.s32 @!p2 s1, s7  }
0x305: {  	[hbm4b:s7+s6] =	stream.linear.scatter @!p2 [tilespmem:s3], [sflag:$0x7], $0x40, $0x38;
	[tilespmem:$0x1EF88] =	vst v63  }
.LBB3_56:
0x306: {  	s0 =	sadd.s32 s2, s5  }
0x307: {  	s2 =	sshrl.u32 s0, $0x2  }
.LBB3_57:
0x308: {  	s0 =	simm.s32 $0x7  }
0x309: {  	_ =	swait.ge [sflag:s0], s2  }
0x30a: {  	s1 =	ssub.s32 $0x0, s2;
	[sflag:s0] =	ssyncset.done $0x0  }
0x30b: {  	[sflag:s0] =	ssyncadd.s32 s1  }
0x30c: {  	[sflag:s0] =	ssyncpa.u1 $0x1  }
.LBB3_58:
0x30d: {  	_ =	sfence;
	s0 =	simm.s32 $0x1  }
0x30e: {  	[sflag:s0] =	ssyncpa.u1 $0x1  }
0x30f: {  	_ =	strace $0x90000050  }
0x310: {  	[bflag:$0x2] =	sbarrier.arrive $0xFFFF  }
0x311: {  	s0 =	rddreg [dreg:$0x3]  }
0x312: {  	s0 =	sadd.s32 @!p0 $0x100000, s0  }
0x313: {  	[sflag:s0] =	ssyncadd.tile.s32 @!p0 $0x1;
	_ =	shalt  }
.Lfunc_end3:
_tile_overlayer_lowered:
.L_overlay_start_3:
0x314: {  	(tag) =	ssettag $0x3  }
0x315: {  	s0 =	rddreg [dreg:$0x0];
	s2 =	stileid.u32  }
0x316: {  	s1 =	rddreg [dreg:$0x1];
	p0 =	sne.s32 s2, $0x0  }
0x317: {  	s3 =	rddreg [dreg:$0x2];
	[bflag:$0x3] =	sbarrier.arrive $0xFFFF;
	s2 =	simm.s32 @!p0 $0x1C01  }
0x318: {  	[timem:s3], [sflag:s2] =	dma.local @!p0 [hbm:s0], s1  }
0x319: {  	s0 =	simm.s32 @!p0 $0x1  }
0x31a: {  	_ =	swait.ge @!p0 [sflag:s0], s1  }
0x31b: {  	s1 =	ssub.s32 @!p0 $0x0, s1;
	[sflag:s0] =	ssyncset.done @!p0 $0x0  }
0x31c: {  	[sflag:s0] =	ssyncadd.s32 @!p0 s1  }
0x31d: {  	[bflag:$0x3] =	sbarrier.arrive $0xFFFF  }
0x31e: {  	_ =	shalt  }

// kernel: sparse-core-data-format-call.1.cloned.1.call-start
scs
called_computation.4_lowered:
.L_overlay_start_0:
0x0: {  	s1 =	sld [smem:$0x3FD9]  }
0x1: {  	s2 =	sld [smem:$0x3FFE];
	_ =	sdelay $0x1  }
0x2: {  	s3 =	srdreg.scid  }
0x3: {  	s0 =	sand.u32 $0x1, s3  }
0x4: {  	s17 =	sshll.u32 s0, $0xA;
	s1 =	sadd.s32 s2, s1  }
0x5: {  	s1 =	sadd.s32 s1, s17  }
0x6: {  	[smem:$0x3FBA] =	sst s1  }
0x7: {  	_ = 	snop  }
0x8: {  	(tm) =	ssettm $0x1  }
0x9: {  	s18 =	sld [smem:$0x3FFB];
	_ =	sdelay $0x3  }
0xa: {  	_ =	strace s18  }
0xb: {  	s1 =	sld [smem:$0x3FFC];
	_ =	sdelay $0x3  }
0xc: {  	_ =	strace s1  }
0xd: {  	s1 =	sld [smem:$0x3FFD];
	_ =	sdelay $0x3  }
0xe: {  	_ =	strace s1  }
0xf: {  	_ =	strace $0x8FFFFFFF  }
0x10: {  	s19 =	sld [smem:$0x3FDB];
	_ =	sdelay $0x1  }
0x11: {  	s20 =	simm.s32 $_scs_section_size  }
0x12: {  	s4 =	simm.s32 $_size__tile_overlayer_lowered;
	s5 =	simm.s32 $_tile_overlayer_lowered  }
0x13: {  	s23 =	simm.s32 $0x1BFF;
	s22 =	sshll.u32 s5, $0x1;
	s1 =	sadd.s32 s20, s19  }
0x14: {  	s6 =	simm.s32 $0x0;
	s21 =	sshll.u32 s4, $0x1;
	s4 =	sadd.s32 s22, s1  }
0x15: {  	[timem:s6], [sflag:s23] =	dma.local [hbm:s4], s21  }
0x16: {  	_ =	swait.ge [sflag:s23], s21  }
0x17: {  	s2 =	ssub.s32 $0x0, s21;
	[sflag:s23] =	ssyncset.done $0x0  }
0x18: {  	[sflag:s23] =	ssyncadd.s32 s2;
	_ =	sdelay $0x1  }
0x19: {  	s24 =	simm.s32 $0x1B8B  }
0x1a: {  	_ =	swait.ge [sflag:s24], $0x1  }
0x1b: {  	[sflag:s24] =	ssyncset.done $0x0  }
0x1c: {  	s26 =	simm.s32 $0x1B8E;
	s25 =	sld [smem:$0x3FFE];
	[sflag:s24] =	ssyncadd.s32 $0xFFFFFFFF  }
0x1d: {  	s27 =	simm.s32 $execute0_lowered;
	[smem:$0x3FD2] =	sst s26  }
0x1e: {  	s4 =	sshll.u32 s27, $0x1;
	_ =	strace $0x80000046;
	[dreg:$0x1] =	wrdreg $0xFFFFFFFF  }
0x1f: {  	s28 =	simm.s32 $_size_execute0_lowered;
	s1 =	sadd.s32 s1, s4;
	[dreg:$0x0] =	wrdreg $0x0  }
0x20: {  	s4 =	sshll.u32 s28, $0x1;
	[dreg:$0x2] =	wrdreg s1  }
0x21: {  	[dreg:$0x3] =	wrdreg s4  }
0x22: {  	[dreg:$0x4] =	wrdreg $0xC0  }
0x23: {  	_ =	task [dreg:s6], $0x5FFFF  }
0x24: {  	[dreg:$0x1] =	wrdreg $0xFFFFFFFF  }
0x25: {  	[dreg:$0x0] =	wrdreg $0x60  }
0x26: {  	[dreg:$0x2] =	wrdreg s25  }
0x27: {  	[dreg:$0x3] =	wrdreg $0xA  }
0x28: {  	_ =	task.clear_ibuf [dreg:s6], $0x4FFFF;
	_ =	strace $0x90000046  }
0x29: {  	s29 =	simm.s32 $0xA;
	_ =	strace $0x80000048  }
0x2a: {  	_ =	swait.ge [sflag:s29], $0x1  }
0x2b: {  	[sflag:s29] =	ssyncadd.s32 $0xFFFFFFFF  }
0x2c: {  	_ =	strace $0x90000048  }
0x2d: {  	_ =	sfence  }
0x2e: {  	s30 =	sld [smem:$0x0];
	_ =	sdelay $0x2  }
0x2f: {  	s31 =	sshll.u32 s3, $0xD;
	s3 =	sshrl.u32 s3, $0x2  }
0x30: {  	s2 =	sand.u32 $0x4000, s31;
	s1 =	sadd.s32 s3, s30  }
0x31: {  	s0 =	sor.u32 s2, s0;
	s1 =	sshll.u32 s1, $0x11  }
0x32: {  	s0 =	sor.u32 s1, s0  }
0x33: {  	s0 =	sadd.s32 $0x8F2B, s0  }
0x34: {  	[sflag:s0] =	ssyncadd.remote.s32 $0x1  }
0x35: {  	_ =	sfence.sel $0xFFFF  }
0x36: {  	[dreg:$0x0] =	wrdreg $0xFFFFFFFF;
	(pc) =	sbr.abs _section_cstart, $3  }
0x37: {  	[dreg:$0x1] =	wrdreg $0xFFFFFFFF  }
0x38: {  	_ =	task.clear_ibuf [dreg:s6], $0x2FFFF;
	_ =	strace $0x9FFFFFFF  }
0x39: {  	(tm) =	ssettm $0x7FFFFFFF  }
tec
execute0_lowered:
.L_overlay_start_1:
0x0: {  	(tag) =	ssettag $0x1  }
0x1: {  	s0 =	srdreg.scid  }
0x2: {  	s6 =	rddreg [dreg:$0x0];
	s7 =	simm.s32 $0x1;
	s1 =	sshll.u32 s0, $0x4  }
0x3: {  	s8 =	simm.s32 $0x2;
	s0 =	stileid.u32;
	s1 =	sand.u32 $0x10, s1  }
0x4: {  	s13 =	simm.s32 $0x0;
	s12 =	simm.s32 $0x0;
	s1 =	sor.u32 s0, s1  }
0x5: {  	s10 =	simm.s32 $0x0;
	s11 =	simm.s32 $0x0;
	s2 =	sshll.u32 s1, $0x8  }
0x6: {  	s3 =	sadd.s32 $0x45200, s6;
	s6 =	sadd.s32 $0x2B6200, s6;
	s5 =	ssub.s32 $0x4E200, s2  }
.Ltmp0:
0x7: {  	s1 =	rddreg [dreg:$0x1];
	s4 =	sand.u32 $0x1F00, s5;
	(pc) =	sbr.rel .LBB1_1-.Ltmp0, $4  }
0x8: {  	_ =	strace $0x80000047;
	s9 =	smov.u32 s2;
	p0 =	sne.s32 s4, $0x0  }
0x9: {  	s5 =	sshrl.u32 s5, $0xD;
	s4 =	simm.s32 $0x1;
	s7 =	simm.s32 @!p0 $0x0  }
0xa: {  	[sflag:s4] =	ssyncpa.u1 $0x0;
	p0 =	por $0x0, $0x0;
	s5 =	sadd.s32 s7, s5  }
0xb: {  	[sflag:s8] =	ssyncpa.u1 $0x0;
	s8 =	simm.s32 $0x80;
	s7 =	sadd.s32 $0x1, s5  }
.LBB1_4:
0xc: {  	_ =	sdelay $0x3  }
0xd: {  	s21 =	sor.u32 s24, s23;
	v47 =	vld.idx.msk [tilespmem:v0+s16+$0x470 ss:$0x1], $0xffff  }
0xe: {  	v57 =	vld.idx.msk [tilespmem:v0+s21+$0x410 ss:$0x1], $0xffff  }
0xf: {  	v58 =	vld.idx.msk [tilespmem:v0+s21+$0x420 ss:$0x1], $0xffff  }
0x10: {  	[tilespmem:s18+$0x1860 ss:$0x41] =	vst.msk $0xffff, v8;
	v59 =	vld.idx.msk [tilespmem:v0+s21+$0x430 ss:$0x1], $0xffff  }
0x11: {  	[tilespmem:s18+$0x1C70 ss:$0x41] =	vst.msk $0xffff, v7;
	v60 =	vld.idx.msk [tilespmem:v0+s21+$0x440 ss:$0x1], $0xffff  }
0x12: {  	[tilespmem:s18+$0x2490 ss:$0x41] =	vst.msk $0xffff, v1;
	s22 =	sand.u32 $0x3B00, s21;
	v61 =	vld.idx.msk [tilespmem:v0+s21+$0x450 ss:$0x1], $0xffff  }
0x13: {  	s20 =	sand.u32 $0x80, s20;
	[tilespmem:s18+$0x28A0 ss:$0x41] =	vst.msk $0xffff, v2;
	v62 =	vld.idx.msk [tilespmem:v0+s21+$0x460 ss:$0x1], $0xffff;
	s15 =	sadd.s32 s22, s15  }
0x14: {  	[tilespmem:s18+$0x2CB0 ss:$0x41] =	vst.msk $0xffff, v3;
	v63 =	vld.idx.msk [tilespmem:v0+s21+$0x470 ss:$0x1], $0xffff;
	s15 =	sadd.s32 s20, s15  }
0x15: {  	[tilespmem:s18+$0x30C0 ss:$0x41] =	vst.msk $0xffff, v4;
	v48 =	vld [tilespmem:s15+$0x400]  }
0x16: {  	[tilespmem:s18+$0x34D0 ss:$0x41] =	vst.msk $0xffff, v5;
	v49 =	vld [tilespmem:s15+$0x0]  }
0x17: {  	s25 =	sshra.s32 s19, $0x2;
	[tilespmem:s18+$0x38E0 ss:$0x41] =	vst.msk $0xffff, v6;
	v50 =	vld [tilespmem:s15+$0x10]  }
0x18: {  	s16 =	sadd.s32 s25, s17;
	v51 =	vld [tilespmem:s15+$0x20];
	[tilespmem:s18+$0x3CF0 ss:$0x41] =	vst.msk $0xffff, v47  }
0x19: {  	v52 =	vld [tilespmem:s15+$0x30];
	[tilespmem:s16+$0x2490 ss:$0x41] =	vst.msk $0xffff, v57  }
0x1a: {  	v53 =	vld [tilespmem:s15+$0x40];
	[tilespmem:s16+$0x28A0 ss:$0x41] =	vst.msk $0xffff, v58  }
0x1b: {  	v54 =	vld [tilespmem:s15+$0x50];
	[tilespmem:s16+$0x2CB0 ss:$0x41] =	vst.msk $0xffff, v59  }
0x1c: {  	s13 =	sshll.u32 s13, $0x7;
	s26 =	sshll.u32 s12, $0x3;
	v55 =	vld [tilespmem:s15+$0x60];
	[tilespmem:s16+$0x30C0 ss:$0x41] =	vst.msk $0xffff, v60  }
0x1d: {  	s27 =	sand.u32 $0xFFFFFC00, s13;
	v56 =	vld [tilespmem:s15+$0x70];
	s15 =	sand.u32 $0xFFFFFC00, s26;
	[tilespmem:s16+$0x34D0 ss:$0x41] =	vst.msk $0xffff, v61  }
0x1e: {  	s13 =	sand.u32 $0x380, s13;
	s15 =	sadd.s32 s15, s27;
	[tilespmem:s16+$0x38E0 ss:$0x41] =	vst.msk $0xffff, v62  }
0x1f: {  	s13 =	sor.u32 s13, s15;
	[tilespmem:s16+$0x3CF0 ss:$0x41] =	vst.msk $0xffff, v63  }
0x20: {  	s13 =	sshrl.u32 s13, $0x7;
	[tilespmem:s16+$0x2080 ss:$0x41] =	vst.msk $0xffff, v48  }
0x21: {  	s28 =	smulhi.u32 $0x1A36E2F, s13;
	[tilespmem:s16+$0x0 ss:$0x41] =	vst.msk $0xffff, v49  }
0x22: {  	[tilespmem:s16+$0x410 ss:$0x41] =	vst.msk $0xffff, v50  }
0x23: {  	[tilespmem:s16+$0x820 ss:$0x41] =	vst.msk $0xffff, v51;
	s15 =	sshrl.u32 s28, $0xB  }
0x24: {  	[tilespmem:s16+$0xC30 ss:$0x41] =	vst.msk $0xffff, v52;
	s15 =	smul.u32 $0x4E200, s15  }
0x25: {  	s29 =	sshrl.u32 s12, $0x3;
	[tilespmem:s16+$0x1040 ss:$0x41] =	vst.msk $0xffff, v53  }
0x26: {  	s31 =	sand.u32 $0x7, s12;
	s30 =	sand.u32 $0xF, s29;
	[tilespmem:s16+$0x1450 ss:$0x41] =	vst.msk $0xffff, v54;
	s13 =	ssub.s32 s13, s15  }
0x27: {  	s12 =	sshll.u32 s31, $0x12;
	[tilespmem:s16+$0x1860 ss:$0x41] =	vst.msk $0xffff, v55;
	s15 =	sadd.s32 s6, s30;
	s13 =	sshll.u32 s13, $0x4  }
0x28: {  	s12 =	sor.u32 $0x40, s12;
	[tilespmem:s16+$0x1C70 ss:$0x41] =	vst.msk $0xffff, v56;
	s13 =	sadd.s32 s13, s15  }
0x29: {  	[hbm4b:s13+s12] =	stream.strided.scatter [tilespmem:s14], [sflag:$0x2], $0x4000, s8, s12, $0x18;
	[tilespmem:$0x10200] =	vst v63  }
.LBB1_5:
0x2a: {  	s14 =	sadd.s32 $0x2000, s9  }
0x2b: {  	s12 =	sadd.s32 $0x40, s10;
	s16 =	smov.u32 s10;
	p2 =	sgt.s32 s14, $0x4E1FF  }
0x2c: {  	s16 =	smov.u32 @p2 s12  }
0x2d: {  	s14 =	smov.u32 @p2 s2;
	p2 =	sgt.s32 s16, $0x3F  }
0x2e: {  	s16 =	simm.s32 @p2 $0x0;
	p2 =	sne.s32 s11, s7  }
.Ltmp1:
0x2f: {  	p1 =	slt.u32 s11, $0x2;
	(pc) =	sbr.rel @!p2 .LBB1_6-.Ltmp1, $4  }
0x30: {  	s15 =	simm.s32 @!p1 $0x2  }
0x31: {  	s13 =	smov.u32 s9;
	p0 =	por !p0, !p0;
	_ =	swait.ge @!p1 [sflag:s15], $0x4000  }
0x32: {  	s12 =	smov.u32 s10;
	[sflag:s15] =	ssyncset.done @!p1 $0x0;
	s9 =	smov.u32 s14  }
0x33: {  	s11 =	sadd.s32 $0x1, s11;
	[sflag:s15] =	ssyncadd.s32 @!p1 $0xFFFFC000;
	s10 =	smov.u32 s16  }
.LBB1_1:
0x34: {  	p1 =	sge.u32 s11, s5  }
0x35: {  	s14 =	sshrl.u32 @!p1 s10, $0x3  }
0x36: {  	s15 =	sshll.u32 @!p1 s9, $0x3;
	s14 =	smul.u32 @!p1 $0x271000, s14  }
0x37: {  	s16 =	sshll.u32 @!p1 s10, $0x7;
	s15 =	sand.u32 @!p1 $0xFFFFFC00, s15  }
0x38: {  	s14 =	sadd.s32 @!p1 s14, s15;
	s15 =	sand.u32 @!p1 $0x380, s16  }
0x39: {  	s16 =	sand.u32 @!p1 $0x7F, s9;
	s14 =	sor.u32 @!p1 s15, s14  }
0x3a: {  	s15 =	sor.u32 @!p1 s16, s14  }
0x3b: {  	s16 =	smulhi.u32 @!p1 $0xD1B71759, s15;
	_ =	sdelay $0x1  }
0x3c: {  	s14 =	smulhi.u32 @!p1 $0xD1B71759, s14;
	s16 =	sshrl.u32 @!p1 s16, $0x12  }
0x3d: {  	s16 =	smul.u32 @!p1 $0x4E200, s16  }
0x3e: {  	s31 =	sadd.s32 $0xFFFFFFFF, s11;
	s17 =	sxor.u32 @!p1 $0xFFFFFFFF, s11;
	s14 =	sshrl.u32 @!p1 s14, $0x12  }
0x3f: {  	s17 =	sshll.u32 @!p1 s17, $0xE;
	s14 =	sand.u32 @!p1 $0x3F, s14;
	s15 =	ssub.s32 @!p1 s15, s16  }
0x40: {  	s14 =	smul.u32 @!p1 $0x9C40, s14;
	s16 =	sshrl.u32 @!p1 s15, $0x3;
	s15 =	sand.u32 @!p1 $0x7, s15  }
0x41: {  	s17 =	sand.u32 @!p1 $0x4000, s17;
	s16 =	sadd.s32 @!p1 s3, s16;
	s15 =	sshll.u32 @!p1 s15, $0x12  }
0x42: {  	s14 =	sadd.s32 @!p1 s14, s16;
	s15 =	sor.u32 @!p1 $0x800, s15;
	s16 =	simm.s32 @!p1 $0x271000  }
0x43: {  	[tilespmem:s17], [sflag:$0x1] =	stream.strided.gather @!p1 [hbm4b:s14+s15], $0x4000, s16, s15, $0x38;
	[tilespmem:$0x10200] =	vst v63  }
0x44: {  	p1 =	sge.u32 s31, s5  }
.Ltmp2:
0x45: {  	_ = 	snop;
	(pc) =	sbr.rel @p1 .LBB1_5-.Ltmp2, $1  }
0x46: {  	_ =	sdelay $0x3  }
0x47: {  	s17 =	simm.s32 $0x0  }
0x48: {  	s16 =	sand.u32 $0x3800, s17;
	s18 =	sand.u32 $0x380, s17  }
0x49: {  	s14 =	sand.u32 $0x1, s11;
	s16 =	sor.u32 s18, s16  }
0x4a: {  	_ =	swait.ge [sflag:s4], $0x4000;
	s15 =	sshll.u32 s14, $0xE;
	s18 =	sand.u32 $0x3B00, s16  }
0x4b: {  	[sflag:s4] =	ssyncset.done $0x0;
	s17 =	sand.u32 $0x80, s17;
	s18 =	sadd.s32 s18, s15  }
0x4c: {  	[sflag:s4] =	ssyncadd.s32 $0xFFFFC000;
	s20 =	sadd.s32 s17, s18  }
0x4d: {  	v4 =	vld [tilespmem:s20+$0x400]  }
0x4e: {  	s19 =	simm.s32 $0x1;
	v5 =	vld [tilespmem:s20+$0x0]  }
0x4f: {  	s19 =	simm.s32 @!p0 $0x0;
	v6 =	vld [tilespmem:s20+$0x10]  }
0x50: {  	v0 =	vmov s15;
	s31 =	smul.u32 $0x10400, s19;
	v7 =	vld [tilespmem:s20+$0x20]  }
0x51: {  	v9 =	vld [tilespmem:s20+$0x30]  }
0x52: {  	s17 =	sshrl.u32 s31, $0x2;
	v10 =	vld [tilespmem:s20+$0x40]  }
0x53: {  	s17 =	sor.u32 $0x8000, s17;
	v11 =	vld [tilespmem:s20+$0x50]  }
0x54: {  	v8 =	vld [tilespmem:s20+$0x60];
	s18 =	sadd.s32 $0x0, s17  }
0x55: {  	v1 =	vld.idx.msk [tilespmem:v0+s16+$0x410 ss:$0x1], $0xffff;
	[tilespmem:s18+$0x2080 ss:$0x41] =	vst.msk $0xffff, v4  }
0x56: {  	v2 =	vld.idx.msk [tilespmem:v0+s16+$0x420 ss:$0x1], $0xffff;
	[tilespmem:s18+$0x0 ss:$0x41] =	vst.msk $0xffff, v5  }
0x57: {  	v3 =	vld.idx.msk [tilespmem:v0+s16+$0x430 ss:$0x1], $0xffff;
	[tilespmem:s18+$0x410 ss:$0x41] =	vst.msk $0xffff, v6  }
0x58: {  	s14 =	smul.u32 $0x10400, s14;
	[tilespmem:s18+$0x820 ss:$0x41] =	vst.msk $0xffff, v7;
	v7 =	vld [tilespmem:s20+$0x70]  }
0x59: {  	s21 =	simm.s32 $0x100;
	s22 =	simm.s32 $0x8;
	[tilespmem:s18+$0xC30 ss:$0x41] =	vst.msk $0xffff, v9;
	v4 =	vld.idx.msk [tilespmem:v0+s16+$0x440 ss:$0x1], $0xffff  }
0x5a: {  	s23 =	sand.u32 $0x3800, s21;
	s14 =	sshrl.u32 s14, $0x2;
	[tilespmem:s18+$0x1040 ss:$0x41] =	vst.msk $0xffff, v10;
	v5 =	vld.idx.msk [tilespmem:v0+s16+$0x450 ss:$0x1], $0xffff;
	s20 =	simm.s32 $0x80  }
0x5b: {  	s19 =	simm.s32 $0x4;
	s14 =	sor.u32 $0x8000, s14;
	[tilespmem:s18+$0x1450 ss:$0x41] =	vst.msk $0xffff, v11;
	v6 =	vld.idx.msk [tilespmem:v0+s16+$0x460 ss:$0x1], $0xffff;
	s24 =	sand.u32 $0x380, s20  }
.LBB1_3:
0x5c: {  	p1 =	sne.s32 s22, $0xFC;
	[tilespmem:s18+$0x1860 ss:$0x41] =	vst.msk $0xffff, v8;
	v8 =	vld.idx.msk [tilespmem:v0+s16+$0x470 ss:$0x1], $0xffff;
	s16 =	sor.u32 s24, s23  }
0x5d: {  	s23 =	sand.u32 $0x3B00, s16;
	v9 =	vld.idx.msk [tilespmem:v0+s16+$0x410 ss:$0x1], $0xffff;
	[tilespmem:s18+$0x1C70 ss:$0x41] =	vst.msk $0xffff, v7  }
0x5e: {  	s24 =	sand.u32 $0x80, s20;
	s23 =	sadd.s32 s23, s15;
	v7 =	vld.idx.msk [tilespmem:v0+s16+$0x420 ss:$0x1], $0xffff;
	[tilespmem:s18+$0x2490 ss:$0x41] =	vst.msk $0xffff, v1  }
0x5f: {  	s23 =	sadd.s32 s24, s23;
	v10 =	vld.idx.msk [tilespmem:v0+s16+$0x430 ss:$0x1], $0xffff;
	[tilespmem:s18+$0x28A0 ss:$0x41] =	vst.msk $0xffff, v2  }
0x60: {  	v11 =	vld [tilespmem:s23+$0x400];
	[tilespmem:s18+$0x2CB0 ss:$0x41] =	vst.msk $0xffff, v3  }
0x61: {  	v12 =	vld [tilespmem:s23+$0x0];
	[tilespmem:s18+$0x30C0 ss:$0x41] =	vst.msk $0xffff, v4  }
0x62: {  	v4 =	vld [tilespmem:s23+$0x10];
	[tilespmem:s18+$0x34D0 ss:$0x41] =	vst.msk $0xffff, v5  }
0x63: {  	s24 =	sshra.s32 s19, $0x2;
	s19 =	smov.u32 s22;
	v1 =	vmov v9;
	v5 =	vld [tilespmem:s23+$0x20];
	[tilespmem:s18+$0x38E0 ss:$0x41] =	vst.msk $0xffff, v6  }
0x64: {  	v2 =	vmov v7;
	v6 =	vld [tilespmem:s23+$0x30];
	[tilespmem:s18+$0x3CF0 ss:$0x41] =	vst.msk $0xffff, v8;
	s18 =	sadd.s32 s24, s17  }
0x65: {  	v3 =	vmov v10;
	v9 =	vld [tilespmem:s23+$0x40];
	[tilespmem:s18+$0x2080 ss:$0x41] =	vst.msk $0xffff, v11  }
0x66: {  	[tilespmem:s18+$0x0 ss:$0x41] =	vst.msk $0xffff, v12;
	v10 =	vld [tilespmem:s23+$0x50]  }
.Ltmp3:
0x67: {  	[tilespmem:s18+$0x410 ss:$0x41] =	vst.msk $0xffff, v4;
	v8 =	vld [tilespmem:s23+$0x60];
	(pc) =	sbr.rel @p1 .LBB1_3-.Ltmp3, $4  }
0x68: {  	[tilespmem:s18+$0x820 ss:$0x41] =	vst.msk $0xffff, v5;
	v7 =	vld [tilespmem:s23+$0x70]  }
0x69: {  	[tilespmem:s18+$0xC30 ss:$0x41] =	vst.msk $0xffff, v6;
	v4 =	vld.idx.msk [tilespmem:v0+s16+$0x440 ss:$0x1], $0xffff  }
0x6a: {  	s20 =	sadd.s32 $0x80, s20;
	s21 =	sadd.s32 $0x100, s21;
	[tilespmem:s18+$0x1040 ss:$0x41] =	vst.msk $0xffff, v9;
	v5 =	vld.idx.msk [tilespmem:v0+s16+$0x450 ss:$0x1], $0xffff  }
0x6b: {  	s22 =	sadd.s32 $0x4, s22;
	s24 =	sand.u32 $0x380, s20;
	s23 =	sand.u32 $0x3800, s21;
	[tilespmem:s18+$0x1450 ss:$0x41] =	vst.msk $0xffff, v10;
	v6 =	vld.idx.msk [tilespmem:v0+s16+$0x460 ss:$0x1], $0xffff  }
.Ltmp4:
0x6c: {  	_ = 	snop;
	(pc) =	sbr.rel .LBB1_4-.Ltmp4, $1  }
0x6d: {  	_ =	sdelay $0x3  }
.LBB1_6:
0x6e: {  	_ =	sfence.sel $0x180000  }
0x6f: {  	s2 =	simm.s32 $0x1;
	[bflag:$0x0] =	sbarrier.arrive $0xFFFF  }
0x70: {  	s31 =	simm.s32 $0x2;
	[sflag:s2] =	ssyncpa.u1 $0x1  }
0x71: {  	[sflag:s31] =	ssyncpa.u1 $0x1  }
0x72: {  	p0 =	sne.s32 s0, $0x0;
	_ =	strace $0x90000047  }
0x73: {  	s0 =	sadd.s32 @!p0 $0x100000, s1;
	[bflag:$0x2] =	sbarrier.arrive $0xFFFF  }
0x74: {  	[sflag:s0] =	ssyncadd.tile.s32 @!p0 $0x1;
	_ =	shalt  }
.Lfunc_end1:
_tile_overlayer_lowered:
.L_overlay_start_2:
0x75: {  	(tag) =	ssettag $0x2  }
0x76: {  	s0 =	rddreg [dreg:$0x0];
	s2 =	stileid.u32  }
0x77: {  	s1 =	rddreg [dreg:$0x1];
	p0 =	sne.s32 s2, $0x0  }
0x78: {  	s3 =	rddreg [dreg:$0x2];
	[bflag:$0x3] =	sbarrier.arrive $0xFFFF;
	s2 =	simm.s32 @!p0 $0x1C01  }
0x79: {  	[timem:s3], [sflag:s2] =	dma.local @!p0 [hbm:s0], s1  }
0x7a: {  	s0 =	simm.s32 @!p0 $0x1  }
0x7b: {  	_ =	swait.ge @!p0 [sflag:s0], s1  }
0x7c: {  	s1 =	ssub.s32 @!p0 $0x0, s1;
	[sflag:s0] =	ssyncset.done @!p0 $0x0  }
0x7d: {  	[sflag:s0] =	ssyncadd.s32 @!p0 s1  }
0x7e: {  	[bflag:$0x3] =	sbarrier.arrive $0xFFFF  }
0x7f: {  	_ =	shalt  }

// kernel: sparse-core-data-format-call.cloned.1.call-start
scs
called_computation.3_lowered:
.L_overlay_start_0:
0x0: {  	s1 =	sld [smem:$0x3FD9]  }
0x1: {  	s2 =	sld [smem:$0x3FFE];
	_ =	sdelay $0x1  }
0x2: {  	s3 =	srdreg.scid  }
0x3: {  	s0 =	sand.u32 $0x1, s3  }
0x4: {  	s17 =	sshll.u32 s0, $0xA;
	s1 =	sadd.s32 s2, s1  }
0x5: {  	s1 =	sadd.s32 s1, s17  }
0x6: {  	[smem:$0x3FBA] =	sst s1  }
0x7: {  	_ = 	snop  }
0x8: {  	(tm) =	ssettm $0x1  }
0x9: {  	s18 =	sld [smem:$0x3FFB];
	_ =	sdelay $0x3  }
0xa: {  	_ =	strace s18  }
0xb: {  	s1 =	sld [smem:$0x3FFC];
	_ =	sdelay $0x3  }
0xc: {  	_ =	strace s1  }
0xd: {  	s1 =	sld [smem:$0x3FFD];
	_ =	sdelay $0x3  }
0xe: {  	_ =	strace s1  }
0xf: {  	_ =	strace $0x8FFFFFFF  }
0x10: {  	s19 =	sld [smem:$0x3FDB];
	_ =	sdelay $0x1  }
0x11: {  	s20 =	simm.s32 $_scs_section_size  }
0x12: {  	s4 =	simm.s32 $_size__tile_overlayer_lowered;
	s5 =	simm.s32 $_tile_overlayer_lowered  }
0x13: {  	s23 =	simm.s32 $0x1BFF;
	s22 =	sshll.u32 s5, $0x1;
	s1 =	sadd.s32 s20, s19  }
0x14: {  	s6 =	simm.s32 $0x0;
	s21 =	sshll.u32 s4, $0x1;
	s4 =	sadd.s32 s22, s1  }
0x15: {  	[timem:s6], [sflag:s23] =	dma.local [hbm:s4], s21  }
0x16: {  	_ =	swait.ge [sflag:s23], s21  }
0x17: {  	s2 =	ssub.s32 $0x0, s21;
	[sflag:s23] =	ssyncset.done $0x0  }
0x18: {  	[sflag:s23] =	ssyncadd.s32 s2;
	_ =	sdelay $0x1  }
0x19: {  	s24 =	simm.s32 $0x1B8B  }
0x1a: {  	_ =	swait.ge [sflag:s24], $0x1  }
0x1b: {  	[sflag:s24] =	ssyncset.done $0x0  }
0x1c: {  	s26 =	simm.s32 $0x1B8E;
	s25 =	sld [smem:$0x3FFE];
	[sflag:s24] =	ssyncadd.s32 $0xFFFFFFFF  }
0x1d: {  	s27 =	simm.s32 $execute0_lowered;
	[smem:$0x3FD2] =	sst s26  }
0x1e: {  	s4 =	sshll.u32 s27, $0x1;
	_ =	strace $0x80000052;
	[dreg:$0x1] =	wrdreg $0xFFFFFFFF  }
0x1f: {  	s28 =	simm.s32 $_size_execute0_lowered;
	s1 =	sadd.s32 s1, s4;
	[dreg:$0x0] =	wrdreg $0x0  }
0x20: {  	s4 =	sshll.u32 s28, $0x1;
	[dreg:$0x2] =	wrdreg s1  }
0x21: {  	[dreg:$0x3] =	wrdreg s4  }
0x22: {  	[dreg:$0x4] =	wrdreg $0xC0  }
0x23: {  	_ =	task [dreg:s6], $0x5FFFF  }
0x24: {  	[dreg:$0x1] =	wrdreg $0xFFFFFFFF  }
0x25: {  	[dreg:$0x0] =	wrdreg $0x60  }
0x26: {  	[dreg:$0x2] =	wrdreg s25  }
0x27: {  	[dreg:$0x3] =	wrdreg $0x9  }
0x28: {  	_ =	task.clear_ibuf [dreg:s6], $0x4FFFF;
	_ =	strace $0x90000052  }
0x29: {  	s29 =	simm.s32 $0x9;
	_ =	strace $0x80000054  }
0x2a: {  	_ =	swait.ge [sflag:s29], $0x1  }
0x2b: {  	[sflag:s29] =	ssyncadd.s32 $0xFFFFFFFF  }
0x2c: {  	_ =	strace $0x90000054  }
0x2d: {  	_ =	sfence  }
0x2e: {  	s30 =	sld [smem:$0x0];
	_ =	sdelay $0x2  }
0x2f: {  	s31 =	sshll.u32 s3, $0xD;
	s3 =	sshrl.u32 s3, $0x2  }
0x30: {  	s2 =	sand.u32 $0x4000, s31;
	s1 =	sadd.s32 s3, s30  }
0x31: {  	s0 =	sor.u32 s2, s0;
	s1 =	sshll.u32 s1, $0x11  }
0x32: {  	s0 =	sor.u32 s1, s0  }
0x33: {  	s0 =	sadd.s32 $0x8F2B, s0  }
0x34: {  	[sflag:s0] =	ssyncadd.remote.s32 $0x1  }
0x35: {  	_ =	sfence.sel $0xFFFF  }
0x36: {  	[dreg:$0x0] =	wrdreg $0xFFFFFFFF;
	(pc) =	sbr.abs _section_cstart, $3  }
0x37: {  	[dreg:$0x1] =	wrdreg $0xFFFFFFFF  }
0x38: {  	_ =	task.clear_ibuf [dreg:s6], $0x2FFFF;
	_ =	strace $0x9FFFFFFF  }
0x39: {  	(tm) =	ssettm $0x7FFFFFFF  }
tec
execute0_lowered:
.L_overlay_start_1:
0x0: {  	(tag) =	ssettag $0x1  }
0x1: {  	s0 =	srdreg.scid  }
0x2: {  	s6 =	rddreg [dreg:$0x0];
	s7 =	simm.s32 $0x1;
	s1 =	sshll.u32 s0, $0x4  }
0x3: {  	s8 =	simm.s32 $0x2;
	s0 =	stileid.u32;
	s1 =	sand.u32 $0x10, s1  }
0x4: {  	s13 =	simm.s32 $0x0;
	s12 =	simm.s32 $0x0;
	s1 =	sor.u32 s0, s1  }
0x5: {  	s10 =	simm.s32 $0x0;
	s11 =	simm.s32 $0x0;
	s2 =	sshll.u32 s1, $0x8  }
0x6: {  	s3 =	sadd.s32 $0xBA800, s6;
	s6 =	sadd.s32 $0x7BFA00, s6;
	s5 =	ssub.s32 $0x4E200, s2  }
.Ltmp0:
0x7: {  	s1 =	rddreg [dreg:$0x1];
	s4 =	sand.u32 $0x1F00, s5;
	(pc) =	sbr.rel .LBB1_1-.Ltmp0, $4  }
0x8: {  	_ =	strace $0x80000053;
	s9 =	smov.u32 s2;
	p0 =	sne.s32 s4, $0x0  }
0x9: {  	s5 =	sshrl.u32 s5, $0xD;
	s4 =	simm.s32 $0x1;
	s7 =	simm.s32 @!p0 $0x0  }
0xa: {  	[sflag:s4] =	ssyncpa.u1 $0x0;
	p0 =	por $0x0, $0x0;
	s5 =	sadd.s32 s7, s5  }
0xb: {  	[sflag:s8] =	ssyncpa.u1 $0x0;
	s8 =	simm.s32 $0x80;
	s7 =	sadd.s32 $0x1, s5  }
.LBB1_4:
0xc: {  	_ =	sdelay $0x3  }
0xd: {  	s21 =	sor.u32 s24, s23;
	v47 =	vld.idx.msk [tilespmem:v0+s16+$0x470 ss:$0x1], $0xffff  }
0xe: {  	v57 =	vld.idx.msk [tilespmem:v0+s21+$0x410 ss:$0x1], $0xffff  }
0xf: {  	v58 =	vld.idx.msk [tilespmem:v0+s21+$0x420 ss:$0x1], $0xffff  }
0x10: {  	[tilespmem:s18+$0x1860 ss:$0x41] =	vst.msk $0xffff, v8;
	v59 =	vld.idx.msk [tilespmem:v0+s21+$0x430 ss:$0x1], $0xffff  }
0x11: {  	[tilespmem:s18+$0x1C70 ss:$0x41] =	vst.msk $0xffff, v7;
	v60 =	vld.idx.msk [tilespmem:v0+s21+$0x440 ss:$0x1], $0xffff  }
0x12: {  	[tilespmem:s18+$0x2490 ss:$0x41] =	vst.msk $0xffff, v1;
	s22 =	sand.u32 $0x3B00, s21;
	v61 =	vld.idx.msk [tilespmem:v0+s21+$0x450 ss:$0x1], $0xffff  }
0x13: {  	s20 =	sand.u32 $0x80, s20;
	[tilespmem:s18+$0x28A0 ss:$0x41] =	vst.msk $0xffff, v2;
	v62 =	vld.idx.msk [tilespmem:v0+s21+$0x460 ss:$0x1], $0xffff;
	s15 =	sadd.s32 s22, s15  }
0x14: {  	[tilespmem:s18+$0x2CB0 ss:$0x41] =	vst.msk $0xffff, v3;
	v63 =	vld.idx.msk [tilespmem:v0+s21+$0x470 ss:$0x1], $0xffff;
	s15 =	sadd.s32 s20, s15  }
0x15: {  	[tilespmem:s18+$0x30C0 ss:$0x41] =	vst.msk $0xffff, v4;
	v48 =	vld [tilespmem:s15+$0x400]  }
0x16: {  	[tilespmem:s18+$0x34D0 ss:$0x41] =	vst.msk $0xffff, v5;
	v49 =	vld [tilespmem:s15+$0x0]  }
0x17: {  	s25 =	sshra.s32 s19, $0x2;
	[tilespmem:s18+$0x38E0 ss:$0x41] =	vst.msk $0xffff, v6;
	v50 =	vld [tilespmem:s15+$0x10]  }
0x18: {  	s16 =	sadd.s32 s25, s17;
	v51 =	vld [tilespmem:s15+$0x20];
	[tilespmem:s18+$0x3CF0 ss:$0x41] =	vst.msk $0xffff, v47  }
0x19: {  	v52 =	vld [tilespmem:s15+$0x30];
	[tilespmem:s16+$0x2490 ss:$0x41] =	vst.msk $0xffff, v57  }
0x1a: {  	v53 =	vld [tilespmem:s15+$0x40];
	[tilespmem:s16+$0x28A0 ss:$0x41] =	vst.msk $0xffff, v58  }
0x1b: {  	v54 =	vld [tilespmem:s15+$0x50];
	[tilespmem:s16+$0x2CB0 ss:$0x41] =	vst.msk $0xffff, v59  }
0x1c: {  	s13 =	sshll.u32 s13, $0x7;
	s26 =	sshll.u32 s12, $0x3;
	v55 =	vld [tilespmem:s15+$0x60];
	[tilespmem:s16+$0x30C0 ss:$0x41] =	vst.msk $0xffff, v60  }
0x1d: {  	s27 =	sand.u32 $0xFFFFFC00, s13;
	v56 =	vld [tilespmem:s15+$0x70];
	s15 =	sand.u32 $0xFFFFFC00, s26;
	[tilespmem:s16+$0x34D0 ss:$0x41] =	vst.msk $0xffff, v61  }
0x1e: {  	s13 =	sand.u32 $0x380, s13;
	s15 =	sadd.s32 s15, s27;
	[tilespmem:s16+$0x38E0 ss:$0x41] =	vst.msk $0xffff, v62  }
0x1f: {  	s13 =	sor.u32 s13, s15;
	[tilespmem:s16+$0x3CF0 ss:$0x41] =	vst.msk $0xffff, v63  }
0x20: {  	s13 =	sshrl.u32 s13, $0x7;
	[tilespmem:s16+$0x2080 ss:$0x41] =	vst.msk $0xffff, v48  }
0x21: {  	s28 =	smulhi.u32 $0x1A36E2F, s13;
	[tilespmem:s16+$0x0 ss:$0x41] =	vst.msk $0xffff, v49  }
0x22: {  	[tilespmem:s16+$0x410 ss:$0x41] =	vst.msk $0xffff, v50  }
0x23: {  	[tilespmem:s16+$0x820 ss:$0x41] =	vst.msk $0xffff, v51;
	s15 =	sshrl.u32 s28, $0xB  }
0x24: {  	[tilespmem:s16+$0xC30 ss:$0x41] =	vst.msk $0xffff, v52;
	s15 =	smul.u32 $0x4E200, s15  }
0x25: {  	s29 =	sshrl.u32 s12, $0x3;
	[tilespmem:s16+$0x1040 ss:$0x41] =	vst.msk $0xffff, v53  }
0x26: {  	s31 =	sand.u32 $0x7, s12;
	s30 =	sand.u32 $0xF, s29;
	[tilespmem:s16+$0x1450 ss:$0x41] =	vst.msk $0xffff, v54;
	s13 =	ssub.s32 s13, s15  }
0x27: {  	s12 =	sshll.u32 s31, $0x12;
	[tilespmem:s16+$0x1860 ss:$0x41] =	vst.msk $0xffff, v55;
	s15 =	sadd.s32 s6, s30;
	s13 =	sshll.u32 s13, $0x4  }
0x28: {  	s12 =	sor.u32 $0x40, s12;
	[tilespmem:s16+$0x1C70 ss:$0x41] =	vst.msk $0xffff, v56;
	s13 =	sadd.s32 s13, s15  }
0x29: {  	[hbm4b:s13+s12] =	stream.strided.scatter [tilespmem:s14], [sflag:$0x2], $0x4000, s8, s12, $0x18;
	[tilespmem:$0x10200] =	vst v63  }
.LBB1_5:
0x2a: {  	s14 =	sadd.s32 $0x2000, s9  }
0x2b: {  	s12 =	sadd.s32 $0x40, s10;
	s16 =	smov.u32 s10;
	p2 =	sgt.s32 s14, $0x4E1FF  }
0x2c: {  	s16 =	smov.u32 @p2 s12  }
0x2d: {  	s14 =	smov.u32 @p2 s2;
	p2 =	sgt.s32 s16, $0x3F  }
0x2e: {  	s16 =	simm.s32 @p2 $0x0;
	p2 =	sne.s32 s11, s7  }
.Ltmp1:
0x2f: {  	p1 =	slt.u32 s11, $0x2;
	(pc) =	sbr.rel @!p2 .LBB1_6-.Ltmp1, $4  }
0x30: {  	s15 =	simm.s32 @!p1 $0x2  }
0x31: {  	s13 =	smov.u32 s9;
	p0 =	por !p0, !p0;
	_ =	swait.ge @!p1 [sflag:s15], $0x4000  }
0x32: {  	s12 =	smov.u32 s10;
	[sflag:s15] =	ssyncset.done @!p1 $0x0;
	s9 =	smov.u32 s14  }
0x33: {  	s11 =	sadd.s32 $0x1, s11;
	[sflag:s15] =	ssyncadd.s32 @!p1 $0xFFFFC000;
	s10 =	smov.u32 s16  }
.LBB1_1:
0x34: {  	p1 =	sge.u32 s11, s5  }
0x35: {  	s14 =	sshrl.u32 @!p1 s10, $0x3  }
0x36: {  	s15 =	sshll.u32 @!p1 s9, $0x3;
	s14 =	smul.u32 @!p1 $0x271000, s14  }
0x37: {  	s16 =	sshll.u32 @!p1 s10, $0x7;
	s15 =	sand.u32 @!p1 $0xFFFFFC00, s15  }
0x38: {  	s14 =	sadd.s32 @!p1 s14, s15;
	s15 =	sand.u32 @!p1 $0x380, s16  }
0x39: {  	s16 =	sand.u32 @!p1 $0x7F, s9;
	s14 =	sor.u32 @!p1 s15, s14  }
0x3a: {  	s15 =	sor.u32 @!p1 s16, s14  }
0x3b: {  	s16 =	smulhi.u32 @!p1 $0xD1B71759, s15;
	_ =	sdelay $0x1  }
0x3c: {  	s14 =	smulhi.u32 @!p1 $0xD1B71759, s14;
	s16 =	sshrl.u32 @!p1 s16, $0x12  }
0x3d: {  	s16 =	smul.u32 @!p1 $0x4E200, s16  }
0x3e: {  	s31 =	sadd.s32 $0xFFFFFFFF, s11;
	s17 =	sxor.u32 @!p1 $0xFFFFFFFF, s11;
	s14 =	sshrl.u32 @!p1 s14, $0x12  }
0x3f: {  	s17 =	sshll.u32 @!p1 s17, $0xE;
	s14 =	sand.u32 @!p1 $0x3F, s14;
	s15 =	ssub.s32 @!p1 s15, s16  }
0x40: {  	s14 =	smul.u32 @!p1 $0x9C40, s14;
	s16 =	sshrl.u32 @!p1 s15, $0x3;
	s15 =	sand.u32 @!p1 $0x7, s15  }
0x41: {  	s17 =	sand.u32 @!p1 $0x4000, s17;
	s16 =	sadd.s32 @!p1 s3, s16;
	s15 =	sshll.u32 @!p1 s15, $0x12  }
0x42: {  	s14 =	sadd.s32 @!p1 s14, s16;
	s15 =	sor.u32 @!p1 $0x800, s15;
	s16 =	simm.s32 @!p1 $0x271000  }
0x43: {  	[tilespmem:s17], [sflag:$0x1] =	stream.strided.gather @!p1 [hbm4b:s14+s15], $0x4000, s16, s15, $0x38;
	[tilespmem:$0x10200] =	vst v63  }
0x44: {  	p1 =	sge.u32 s31, s5  }
.Ltmp2:
0x45: {  	_ = 	snop;
	(pc) =	sbr.rel @p1 .LBB1_5-.Ltmp2, $1  }
0x46: {  	_ =	sdelay $0x3  }
0x47: {  	s17 =	simm.s32 $0x0  }
0x48: {  	s16 =	sand.u32 $0x3800, s17;
	s18 =	sand.u32 $0x380, s17  }
0x49: {  	s14 =	sand.u32 $0x1, s11;
	s16 =	sor.u32 s18, s16  }
0x4a: {  	_ =	swait.ge [sflag:s4], $0x4000;
	s15 =	sshll.u32 s14, $0xE;
	s18 =	sand.u32 $0x3B00, s16  }
0x4b: {  	[sflag:s4] =	ssyncset.done $0x0;
	s17 =	sand.u32 $0x80, s17;
	s18 =	sadd.s32 s18, s15  }
0x4c: {  	[sflag:s4] =	ssyncadd.s32 $0xFFFFC000;
	s20 =	sadd.s32 s17, s18  }
0x4d: {  	v4 =	vld [tilespmem:s20+$0x400]  }
0x4e: {  	s19 =	simm.s32 $0x1;
	v5 =	vld [tilespmem:s20+$0x0]  }
0x4f: {  	s19 =	simm.s32 @!p0 $0x0;
	v6 =	vld [tilespmem:s20+$0x10]  }
0x50: {  	v0 =	vmov s15;
	s31 =	smul.u32 $0x10400, s19;
	v7 =	vld [tilespmem:s20+$0x20]  }
0x51: {  	v9 =	vld [tilespmem:s20+$0x30]  }
0x52: {  	s17 =	sshrl.u32 s31, $0x2;
	v10 =	vld [tilespmem:s20+$0x40]  }
0x53: {  	s17 =	sor.u32 $0x8000, s17;
	v11 =	vld [tilespmem:s20+$0x50]  }
0x54: {  	v8 =	vld [tilespmem:s20+$0x60];
	s18 =	sadd.s32 $0x0, s17  }
0x55: {  	v1 =	vld.idx.msk [tilespmem:v0+s16+$0x410 ss:$0x1], $0xffff;
	[tilespmem:s18+$0x2080 ss:$0x41] =	vst.msk $0xffff, v4  }
0x56: {  	v2 =	vld.idx.msk [tilespmem:v0+s16+$0x420 ss:$0x1], $0xffff;
	[tilespmem:s18+$0x0 ss:$0x41] =	vst.msk $0xffff, v5  }
0x57: {  	v3 =	vld.idx.msk [tilespmem:v0+s16+$0x430 ss:$0x1], $0xffff;
	[tilespmem:s18+$0x410 ss:$0x41] =	vst.msk $0xffff, v6  }
0x58: {  	s14 =	smul.u32 $0x10400, s14;
	[tilespmem:s18+$0x820 ss:$0x41] =	vst.msk $0xffff, v7;
	v7 =	vld [tilespmem:s20+$0x70]  }
0x59: {  	s21 =	simm.s32 $0x100;
	s22 =	simm.s32 $0x8;
	[tilespmem:s18+$0xC30 ss:$0x41] =	vst.msk $0xffff, v9;
	v4 =	vld.idx.msk [tilespmem:v0+s16+$0x440 ss:$0x1], $0xffff  }
0x5a: {  	s23 =	sand.u32 $0x3800, s21;
	s14 =	sshrl.u32 s14, $0x2;
	[tilespmem:s18+$0x1040 ss:$0x41] =	vst.msk $0xffff, v10;
	v5 =	vld.idx.msk [tilespmem:v0+s16+$0x450 ss:$0x1], $0xffff;
	s20 =	simm.s32 $0x80  }
0x5b: {  	s19 =	simm.s32 $0x4;
	s14 =	sor.u32 $0x8000, s14;
	[tilespmem:s18+$0x1450 ss:$0x41] =	vst.msk $0xffff, v11;
	v6 =	vld.idx.msk [tilespmem:v0+s16+$0x460 ss:$0x1], $0xffff;
	s24 =	sand.u32 $0x380, s20  }
.LBB1_3:
0x5c: {  	p1 =	sne.s32 s22, $0xFC;
	[tilespmem:s18+$0x1860 ss:$0x41] =	vst.msk $0xffff, v8;
	v8 =	vld.idx.msk [tilespmem:v0+s16+$0x470 ss:$0x1], $0xffff;
	s16 =	sor.u32 s24, s23  }
0x5d: {  	s23 =	sand.u32 $0x3B00, s16;
	v9 =	vld.idx.msk [tilespmem:v0+s16+$0x410 ss:$0x1], $0xffff;
	[tilespmem:s18+$0x1C70 ss:$0x41] =	vst.msk $0xffff, v7  }
0x5e: {  	s24 =	sand.u32 $0x80, s20;
	s23 =	sadd.s32 s23, s15;
	v7 =	vld.idx.msk [tilespmem:v0+s16+$0x420 ss:$0x1], $0xffff;
	[tilespmem:s18+$0x2490 ss:$0x41] =	vst.msk $0xffff, v1  }
0x5f: {  	s23 =	sadd.s32 s24, s23;
	v10 =	vld.idx.msk [tilespmem:v0+s16+$0x430 ss:$0x1], $0xffff;
	[tilespmem:s18+$0x28A0 ss:$0x41] =	vst.msk $0xffff, v2  }
0x60: {  	v11 =	vld [tilespmem:s23+$0x400];
	[tilespmem:s18+$0x2CB0 ss:$0x41] =	vst.msk $0xffff, v3  }
0x61: {  	v12 =	vld [tilespmem:s23+$0x0];
	[tilespmem:s18+$0x30C0 ss:$0x41] =	vst.msk $0xffff, v4  }
0x62: {  	v4 =	vld [tilespmem:s23+$0x10];
	[tilespmem:s18+$0x34D0 ss:$0x41] =	vst.msk $0xffff, v5  }
0x63: {  	s24 =	sshra.s32 s19, $0x2;
	s19 =	smov.u32 s22;
	v1 =	vmov v9;
	v5 =	vld [tilespmem:s23+$0x20];
	[tilespmem:s18+$0x38E0 ss:$0x41] =	vst.msk $0xffff, v6  }
0x64: {  	v2 =	vmov v7;
	v6 =	vld [tilespmem:s23+$0x30];
	[tilespmem:s18+$0x3CF0 ss:$0x41] =	vst.msk $0xffff, v8;
	s18 =	sadd.s32 s24, s17  }
0x65: {  	v3 =	vmov v10;
	v9 =	vld [tilespmem:s23+$0x40];
	[tilespmem:s18+$0x2080 ss:$0x41] =	vst.msk $0xffff, v11  }
0x66: {  	[tilespmem:s18+$0x0 ss:$0x41] =	vst.msk $0xffff, v12;
	v10 =	vld [tilespmem:s23+$0x50]  }
.Ltmp3:
0x67: {  	[tilespmem:s18+$0x410 ss:$0x41] =	vst.msk $0xffff, v4;
	v8 =	vld [tilespmem:s23+$0x60];
	(pc) =	sbr.rel @p1 .LBB1_3-.Ltmp3, $4  }
0x68: {  	[tilespmem:s18+$0x820 ss:$0x41] =	vst.msk $0xffff, v5;
	v7 =	vld [tilespmem:s23+$0x70]  }
0x69: {  	[tilespmem:s18+$0xC30 ss:$0x41] =	vst.msk $0xffff, v6;
	v4 =	vld.idx.msk [tilespmem:v0+s16+$0x440 ss:$0x1], $0xffff  }
0x6a: {  	s20 =	sadd.s32 $0x80, s20;
	s21 =	sadd.s32 $0x100, s21;
	[tilespmem:s18+$0x1040 ss:$0x41] =	vst.msk $0xffff, v9;
	v5 =	vld.idx.msk [tilespmem:v0+s16+$0x450 ss:$0x1], $0xffff  }
0x6b: {  	s22 =	sadd.s32 $0x4, s22;
	s24 =	sand.u32 $0x380, s20;
	s23 =	sand.u32 $0x3800, s21;
	[tilespmem:s18+$0x1450 ss:$0x41] =	vst.msk $0xffff, v10;
	v6 =	vld.idx.msk [tilespmem:v0+s16+$0x460 ss:$0x1], $0xffff  }
.Ltmp4:
0x6c: {  	_ = 	snop;
	(pc) =	sbr.rel .LBB1_4-.Ltmp4, $1  }
0x6d: {  	_ =	sdelay $0x3  }
.LBB1_6:
0x6e: {  	_ =	sfence.sel $0x180000  }
0x6f: {  	s2 =	simm.s32 $0x1;
	[bflag:$0x0] =	sbarrier.arrive $0xFFFF  }
0x70: {  	s31 =	simm.s32 $0x2;
	[sflag:s2] =	ssyncpa.u1 $0x1  }
0x71: {  	[sflag:s31] =	ssyncpa.u1 $0x1  }
0x72: {  	p0 =	sne.s32 s0, $0x0;
	_ =	strace $0x90000053  }
0x73: {  	s0 =	sadd.s32 @!p0 $0x100000, s1;
	[bflag:$0x2] =	sbarrier.arrive $0xFFFF  }
0x74: {  	[sflag:s0] =	ssyncadd.tile.s32 @!p0 $0x1;
	_ =	shalt  }
.Lfunc_end1:
_tile_overlayer_lowered:
.L_overlay_start_2:
0x75: {  	(tag) =	ssettag $0x2  }
0x76: {  	s0 =	rddreg [dreg:$0x0];
	s2 =	stileid.u32  }
0x77: {  	s1 =	rddreg [dreg:$0x1];
	p0 =	sne.s32 s2, $0x0  }
0x78: {  	s3 =	rddreg [dreg:$0x2];
	[bflag:$0x3] =	sbarrier.arrive $0xFFFF;
	s2 =	simm.s32 @!p0 $0x1C01  }
0x79: {  	[timem:s3], [sflag:s2] =	dma.local @!p0 [hbm:s0], s1  }
0x7a: {  	s0 =	simm.s32 @!p0 $0x1  }
0x7b: {  	_ =	swait.ge @!p0 [sflag:s0], s1  }
0x7c: {  	s1 =	ssub.s32 @!p0 $0x0, s1;
	[sflag:s0] =	ssyncset.done @!p0 $0x0  }
0x7d: {  	[sflag:s0] =	ssyncadd.s32 @!p0 s1  }
0x7e: {  	[bflag:$0x3] =	sbarrier.arrive $0xFFFF  }
0x7f: {  	_ =	shalt  }

</sc_bundles>
